<compile_context>
chip_gen: v7x
topology: tpu7x:2x2x1
jax: 0.10.2.dev20260603
libtpu: 0.0.44.dev20260713+nightly
codegen_flags: <defaults>
</compile_context>

<pallas_src>
import functools

import jax
import jax.numpy as jnp
from jax import lax
from jax.experimental import pallas as pl
from jax.experimental.pallas import tpu as pltpu
from jax.experimental.pallas import tpu_sc as plsc

_BETA = 0.25
_BN = 256
_CH = 128


def _dist_argmin_body(z_ref, cbt_ref, idx_ref, en_ref):
    step = pl.program_id(0)

    @pl.when(step == 0)
    def _():
        cbt = cbt_ref[...]
        en_ref[...] = jnp.sum(cbt * cbt, axis=0, keepdims=True)

    z = z_ref[...]
    zn = jnp.sum(z * z, axis=1, keepdims=True)
    m2 = jnp.dot(z * -2.0, cbt_ref[...], preferred_element_type=jnp.float32)
    d = (zn + en_ref[...]) + m2
    idx_ref[...] = jnp.argmin(d, axis=1).astype(jnp.int32)


def _loss_body(z_ref, zq_ref, loss_ref):
    step = pl.program_id(0)
    nsteps = pl.num_programs(0)
    e = z_ref[...] - zq_ref[...]
    s = jnp.sum(e * e)
    bn, dim = z_ref.shape
    scale = (1.0 + _BETA) / (bn * nsteps * dim)
    prev = jnp.where(step == 0, 0.0, loss_ref[0, 0])
    total = prev + s
    loss_ref[0, 0] = jnp.where(step == nsteps - 1, total * scale, total)


def _make_sc_gather(n, k, d):
    info = plsc.get_sparse_core_info()
    nw = info.num_cores * info.num_subcores
    b_per_w = n // nw
    n_chunks = b_per_w // _CH
    mesh = plsc.VectorSubcoreMesh(core_axis_name="c", subcore_axis_name="s")

    @functools.partial(
        pl.kernel,
        mesh=mesh,
        out_type=jax.ShapeDtypeStruct((n, d), jnp.float32),
        scratch_types=[
            pltpu.VMEM((2, _CH), jnp.int32),
            pltpu.VMEM((2, _CH, d), jnp.float32),
            pltpu.SemaphoreType.DMA,
            pltpu.SemaphoreType.DMA,
            pltpu.SemaphoreType.DMA,
            pltpu.SemaphoreType.DMA,
            pltpu.SemaphoreType.DMA,
            pltpu.SemaphoreType.DMA,
        ],
        compiler_params=pltpu.CompilerParams(use_tc_tiling_on_sc=False),
    )
    def gather_kernel(table_hbm, idx_hbm, out_hbm, idx_v, rows_v,
                      si0, si1, sg0, sg1, so0, so1):
        wid = lax.axis_index("s") * info.num_cores + lax.axis_index("c")
        base = wid * b_per_w
        si, sg, so = (si0, si1), (sg0, sg1), (so0, so1)

        def idx_start(i):
            b = i % 2
            return pltpu.async_copy(
                idx_hbm.at[pl.ds(base + i * _CH, _CH)], idx_v.at[b], si[b])

        hi = {0: idx_start(0)}
        hg, ho = {}, {}
        for i in range(n_chunks):
            b = i % 2
            if i + 1 < n_chunks:
                hi[i + 1] = idx_start(i + 1)
            hi[i].wait()
            if i >= 2:
                ho[i - 2].wait()
            hg[i] = pltpu.async_copy(
                table_hbm.at[idx_v.at[b]], rows_v.at[b], sg[b])
            hg[i].wait()
            ho[i] = pltpu.async_copy(
                rows_v.at[b], out_hbm.at[pl.ds(base + i * _CH, _CH)], so[b])
        for i in range(max(0, n_chunks - 2), n_chunks):
            ho[i].wait()

    return gather_kernel


@jax.jit
def kernel(z, codebook):
    n, d = z.shape
    k = codebook.shape[0]
    cbt = codebook.T

    idx = pl.pallas_call(
        _dist_argmin_body,
        grid=(n // _BN,),
        in_specs=[
            pl.BlockSpec((_BN, d), lambda i: (i, 0)),
            pl.BlockSpec((d, k), lambda i: (0, 0)),
        ],
        out_specs=pl.BlockSpec((_BN,), lambda i: (i,)),
        out_shape=jax.ShapeDtypeStruct((n,), jnp.int32),
        scratch_shapes=[pltpu.VMEM((1, k), jnp.float32)],
    )(z, cbt)

    zq = _make_sc_gather(n, k, d)(codebook, idx)

    bl = 4096
    loss = pl.pallas_call(
        _loss_body,
        grid=(n // bl,),
        in_specs=[
            pl.BlockSpec((bl, d), lambda i: (i, 0)),
            pl.BlockSpec((bl, d), lambda i: (i, 0)),
        ],
        out_specs=pl.BlockSpec(memory_space=pltpu.SMEM),
        out_shape=jax.ShapeDtypeStruct((1, 1), jnp.float32),
    )(z, zq)
    return zq, idx, loss[0, 0]

# --- scband reference (transcript-rebuilt; emitter-appended) ---
"""Pipeline reference for scband-nvqvae-50508815401321 (READ-ONLY COPY).

The authoritative reference and input builder live on the scoring server;
editing this copy changes nothing except your own understanding.
"""

import jax, jax.numpy as jnp
import numpy as np

N = 65536
D = 64
K = 8192
BETA = 0.25


def setup_inputs(seed: int = 0) -> dict:
    key = jax.random.key(seed)
    k1, k2 = jax.random.split(key)
    z = jax.random.normal(k1, (N, D), dtype=jnp.float32)
    # learned codebook parameter (embedding_sizes=8192 x embedding_channels=64)
    codebook = jax.random.normal(k2, (K, D), dtype=jnp.float32) * 0.1
    return {"z": z, "codebook": codebook}


def reference(z, codebook):
    # plain VectorQuantizer: nearest-codebook-entry lookup
    # distances ||z - e||^2 = ||z||^2 + ||e||^2 - 2 z.e
    d = (
        jnp.sum(z * z, axis=1, keepdims=True)
        + jnp.sum(codebook * codebook, axis=1)[None, :]
        - 2.0 * (z @ codebook.T)
    )
    indices = jnp.argmin(d, axis=1)
    zq = jnp.take(codebook, indices, axis=0)
    # VQ loss: codebook term + commitment term
    vq_loss = jnp.mean((jax.lax.stop_gradient(z) - zq) ** 2) + BETA * jnp.mean(
        (z - jax.lax.stop_gradient(zq)) ** 2
    )
    # straight-through estimator output
    zq_st = z + jax.lax.stop_gradient(zq - z)
    return zq_st, indices, vq_loss

if __name__ == "__main__":
    import jax
    _d = setup_inputs()
    print(jax.jit(kernel)(*tuple(_d.values())))

</pallas_src>

<mosaic_0001>
#map = affine_map<(d0, d1) -> (0, 0)>
#map1 = affine_map<(d0, d1) -> (0)>
module attributes {stable_mosaic.version = 14 : i64} {
  func.func @gather_kernel(%arg0: i32, %arg1: i32, %arg2: memref<8192x64xf32, #tpu.memory_space<hbm>>, %arg3: memref<65536xi32, #tpu.memory_space<hbm>>, %arg4: memref<65536x64xf32, #tpu.memory_space<hbm>>, %arg5: memref<2x128xi32, #tpu.memory_space<vmem>>, %arg6: memref<2x128x64xf32, #tpu.memory_space<vmem>>, %arg7: memref<!tpu.dma_semaphore, #tpu.memory_space<semaphore_mem>>, %arg8: memref<!tpu.dma_semaphore, #tpu.memory_space<semaphore_mem>>, %arg9: memref<!tpu.dma_semaphore, #tpu.memory_space<semaphore_mem>>, %arg10: memref<!tpu.dma_semaphore, #tpu.memory_space<semaphore_mem>>, %arg11: memref<!tpu.dma_semaphore, #tpu.memory_space<semaphore_mem>>, %arg12: memref<!tpu.dma_semaphore, #tpu.memory_space<semaphore_mem>>) attributes {dimension_semantics = [#tpu.dimension_semantics<core_parallel>, #tpu.dimension_semantics<subcore_parallel>], iteration_bounds = array<i64: 2, 16>, scalar_prefetch = 0 : i64, scratch_operands = 8 : i64, tpu.core_type = #tpu.core_type<sc_vector_subcore>, window_params = [{transform_indices = #map}, {transform_indices = #map1}, {transform_indices = #map}]} {
    %mul3A = arith.constant 2 : i32
    %mul3A_0 = arith.muli %arg1, %mul3A : i32
    %add3A = arith.addi %mul3A_0, %arg0 : i32
    %mul3A_1 = arith.constant 2048 : i32
    %mul3A_2 = arith.muli %add3A, %mul3A_1 : i32
    %add3A_3 = arith.constant 0 : i32
    %add3A_4 = arith.addi %mul3A_2, %add3A_3 : i32
    %dma_start3A = arith.constant 0 : i32
    %dma_start3A_5 = arith.constant 0 : i32
    %dma_start3A_6 = tpu.memref_slice %arg5[%dma_start3A, %dma_start3A_5] : memref<2x128xi32, #tpu.memory_space<vmem>> -> memref<1x128xi32, #tpu.memory_space<vmem>>
    %dma_start3A_7 = tpu.memref_squeeze %dma_start3A_6 : memref<1x128xi32, #tpu.memory_space<vmem>> -> memref<128xi32, #tpu.memory_space<vmem>>
    %dma_start3A_8 = tpu.memref_slice %arg3[%add3A_4] : memref<65536xi32, #tpu.memory_space<hbm>> -> memref<128xi32, #tpu.memory_space<hbm>>
    %dma_start3A_9 = arith.constant 0 : i32
    %dma_start3A_10 = tpu.memref_slice %arg5[%dma_start3A, %dma_start3A_9] : memref<2x128xi32, #tpu.memory_space<vmem>> -> memref<1x128xi32, #tpu.memory_space<vmem>>
    %dma_start3A_11 = tpu.memref_squeeze %dma_start3A_10 : memref<1x128xi32, #tpu.memory_space<vmem>> -> memref<128xi32, #tpu.memory_space<vmem>>
    %dma_start3A_12 = tpu.memref_slice %arg3[%add3A_4] : memref<65536xi32, #tpu.memory_space<hbm>> -> memref<128xi32, #tpu.memory_space<hbm>>
    tpu.enqueue_dma source(%dma_start3A_12 : memref<128xi32, #tpu.memory_space<hbm>>) target(%dma_start3A_11 : memref<128xi32, #tpu.memory_space<vmem>>) target_semaphore(%arg7 : memref<!tpu.dma_semaphore, #tpu.memory_space<semaphore_mem>>)
    %add3A_13 = arith.constant 128 : i32
    %add3A_14 = arith.addi %mul3A_2, %add3A_13 : i32
    %dma_start3A_15 = arith.constant 1 : i32
    %dma_start3A_16 = arith.constant 0 : i32
    %dma_start3A_17 = tpu.memref_slice %arg5[%dma_start3A_15, %dma_start3A_16] : memref<2x128xi32, #tpu.memory_space<vmem>> -> memref<1x128xi32, #tpu.memory_space<vmem>>
    %dma_start3A_18 = tpu.memref_squeeze %dma_start3A_17 : memref<1x128xi32, #tpu.memory_space<vmem>> -> memref<128xi32, #tpu.memory_space<vmem>>
    %dma_start3A_19 = tpu.memref_slice %arg3[%add3A_14] : memref<65536xi32, #tpu.memory_space<hbm>> -> memref<128xi32, #tpu.memory_space<hbm>>
    %dma_start3A_20 = arith.constant 0 : i32
    %dma_start3A_21 = tpu.memref_slice %arg5[%dma_start3A_15, %dma_start3A_20] : memref<2x128xi32, #tpu.memory_space<vmem>> -> memref<1x128xi32, #tpu.memory_space<vmem>>
    %dma_start3A_22 = tpu.memref_squeeze %dma_start3A_21 : memref<1x128xi32, #tpu.memory_space<vmem>> -> memref<128xi32, #tpu.memory_space<vmem>>
    %dma_start3A_23 = tpu.memref_slice %arg3[%add3A_14] : memref<65536xi32, #tpu.memory_space<hbm>> -> memref<128xi32, #tpu.memory_space<hbm>>
    tpu.enqueue_dma source(%dma_start3A_23 : memref<128xi32, #tpu.memory_space<hbm>>) target(%dma_start3A_22 : memref<128xi32, #tpu.memory_space<vmem>>) target_semaphore(%arg8 : memref<!tpu.dma_semaphore, #tpu.memory_space<semaphore_mem>>)
    %dma_wait3A = arith.constant 0 : i32
    %dma_wait3A_24 = arith.constant 0 : i32
    %dma_wait3A_25 = tpu.memref_slice %arg5[%dma_wait3A, %dma_wait3A_24] : memref<2x128xi32, #tpu.memory_space<vmem>> -> memref<1x128xi32, #tpu.memory_space<vmem>>
    %dma_wait3A_26 = tpu.memref_squeeze %dma_wait3A_25 : memref<1x128xi32, #tpu.memory_space<vmem>> -> memref<128xi32, #tpu.memory_space<vmem>>
    %dma_wait3A_27 = tpu.memref_slice %arg3[%add3A_4] : memref<65536xi32, #tpu.memory_space<hbm>> -> memref<128xi32, #tpu.memory_space<hbm>>
    %dma_wait3A_28 = arith.constant 0 : i32
    %dma_wait3A_29 = tpu.memref_slice %arg5[%dma_wait3A, %dma_wait3A_28] : memref<2x128xi32, #tpu.memory_space<vmem>> -> memref<1x128xi32, #tpu.memory_space<vmem>>
    %dma_wait3A_30 = tpu.memref_squeeze %dma_wait3A_29 : memref<1x128xi32, #tpu.memory_space<vmem>> -> memref<128xi32, #tpu.memory_space<vmem>>
    %dma_wait3A_31 = tpu.memref_slice %arg3[%add3A_4] : memref<65536xi32, #tpu.memory_space<hbm>> -> memref<128xi32, #tpu.memory_space<hbm>>
    tpu.wait_dma2 semaphore(%arg7 : memref<!tpu.dma_semaphore, #tpu.memory_space<semaphore_mem>>) src(%dma_wait3A_31 : memref<128xi32, #tpu.memory_space<hbm>>) dst(%dma_wait3A_30 : memref<128xi32, #tpu.memory_space<vmem>>)
    %dma_start3A_32 = arith.constant 0 : i32
    %dma_start3A_33 = arith.constant 0 : i32
    %dma_start3A_34 = arith.constant 0 : i32
    %dma_start3A_35 = arith.constant 0 : i32
    %dma_start3A_36 = tpu.memref_slice %arg6[%dma_start3A_33, %dma_start3A_34, %dma_start3A_35] : memref<2x128x64xf32, #tpu.memory_space<vmem>> -> memref<1x128x64xf32, #tpu.memory_space<vmem>>
    %dma_start3A_37 = tpu.memref_squeeze %dma_start3A_36 : memref<1x128x64xf32, #tpu.memory_space<vmem>> -> memref<128x64xf32, #tpu.memory_space<vmem>>
    %dma_start3A_38 = arith.constant 0 : i32
    %dma_start3A_39 = tpu.memref_slice %arg5[%dma_start3A_32, %dma_start3A_38] : memref<2x128xi32, #tpu.memory_space<vmem>> -> memref<1x128xi32, #tpu.memory_space<vmem>>
    %dma_start3A_40 = tpu.memref_squeeze %dma_start3A_39 : memref<1x128xi32, #tpu.memory_space<vmem>> -> memref<128xi32, #tpu.memory_space<vmem>>
    %dma_start3A_41 = arith.constant 0 : i32
    %dma_start3A_42 = arith.constant 0 : i32
    %dma_start3A_43 = tpu.memref_slice %arg2[%dma_start3A_41, %dma_start3A_42] : memref<8192x64xf32, #tpu.memory_space<hbm>> -> memref<8192x64xf32, #tpu.memory_space<hbm>>
    tpu.enqueue_indirect_dma source(%dma_start3A_43 : memref<8192x64xf32, #tpu.memory_space<hbm>>) target(%dma_start3A_37 : memref<128x64xf32, #tpu.memory_space<vmem>>) offsets(%dma_start3A_40 : memref<128xi32, #tpu.memory_space<vmem>>) semaphore(%arg9 : memref<!tpu.dma_semaphore, #tpu.memory_space<semaphore_mem>>)
    %dma_wait3A_44 = arith.constant 0 : i32
    %dma_wait3A_45 = arith.constant 0 : i32
    %dma_wait3A_46 = arith.constant 0 : i32
    %dma_wait3A_47 = arith.constant 0 : i32
    %dma_wait3A_48 = tpu.memref_slice %arg6[%dma_wait3A_45, %dma_wait3A_46, %dma_wait3A_47] : memref<2x128x64xf32, #tpu.memory_space<vmem>> -> memref<1x128x64xf32, #tpu.memory_space<vmem>>
    %dma_wait3A_49 = tpu.memref_squeeze %dma_wait3A_48 : memref<1x128x64xf32, #tpu.memory_space<vmem>> -> memref<128x64xf32, #tpu.memory_space<vmem>>
    %dma_wait3A_50 = arith.constant 0 : i32
    %dma_wait3A_51 = tpu.memref_slice %arg5[%dma_wait3A_44, %dma_wait3A_50] : memref<2x128xi32, #tpu.memory_space<vmem>> -> memref<1x128xi32, #tpu.memory_space<vmem>>
    %dma_wait3A_52 = tpu.memref_squeeze %dma_wait3A_51 : memref<1x128xi32, #tpu.memory_space<vmem>> -> memref<128xi32, #tpu.memory_space<vmem>>
    %dma_wait3A_53 = arith.constant 0 : i32
    %dma_wait3A_54 = arith.constant 0 : i32
    %dma_wait3A_55 = tpu.memref_slice %arg2[%dma_wait3A_53, %dma_wait3A_54] : memref<8192x64xf32, #tpu.memory_space<hbm>> -> memref<8192x64xf32, #tpu.memory_space<hbm>>
    tpu.wait_indirect_dma semaphore(%arg9 : memref<!tpu.dma_semaphore, #tpu.memory_space<semaphore_mem>>) src(%dma_wait3A_55 : memref<8192x64xf32, #tpu.memory_space<hbm>>) dst(%dma_wait3A_49 : memref<128x64xf32, #tpu.memory_space<vmem>>)
    %add3A_56 = arith.constant 0 : i32
    %add3A_57 = arith.addi %mul3A_2, %add3A_56 : i32
    %dma_start3A_58 = arith.constant 0 : i32
    %dma_start3A_59 = arith.constant 0 : i32
    %dma_start3A_60 = arith.constant 0 : i32
    %dma_start3A_61 = tpu.memref_slice %arg6[%dma_start3A_58, %dma_start3A_59, %dma_start3A_60] : memref<2x128x64xf32, #tpu.memory_space<vmem>> -> memref<1x128x64xf32, #tpu.memory_space<vmem>>
    %dma_start3A_62 = tpu.memref_squeeze %dma_start3A_61 : memref<1x128x64xf32, #tpu.memory_space<vmem>> -> memref<128x64xf32, #tpu.memory_space<vmem>>
    %dma_start3A_63 = arith.constant 0 : i32
    %dma_start3A_64 = tpu.memref_slice %arg4[%add3A_57, %dma_start3A_63] : memref<65536x64xf32, #tpu.memory_space<hbm>> -> memref<128x64xf32, #tpu.memory_space<hbm>>
    %dma_start3A_65 = arith.constant 0 : i32
    %dma_start3A_66 = tpu.memref_slice %arg4[%add3A_57, %dma_start3A_65] : memref<65536x64xf32, #tpu.memory_space<hbm>> -> memref<128x64xf32, #tpu.memory_space<hbm>>
    %dma_start3A_67 = arith.constant 0 : i32
    %dma_start3A_68 = arith.constant 0 : i32
    %dma_start3A_69 = tpu.memref_slice %arg6[%dma_start3A_58, %dma_start3A_67, %dma_start3A_68] : memref<2x128x64xf32, #tpu.memory_space<vmem>> -> memref<1x128x64xf32, #tpu.memory_space<vmem>>
    %dma_start3A_70 = tpu.memref_squeeze %dma_start3A_69 : memref<1x128x64xf32, #tpu.memory_space<vmem>> -> memref<128x64xf32, #tpu.memory_space<vmem>>
    tpu.enqueue_dma source(%dma_start3A_70 : memref<128x64xf32, #tpu.memory_space<vmem>>) target(%dma_start3A_66 : memref<128x64xf32, #tpu.memory_space<hbm>>) target_semaphore(%arg11 : memref<!tpu.dma_semaphore, #tpu.memory_space<semaphore_mem>>)
    %add3A_71 = arith.constant 256 : i32
    %add3A_72 = arith.addi %mul3A_2, %add3A_71 : i32
    %dma_start3A_73 = arith.constant 0 : i32
    %dma_start3A_74 = arith.constant 0 : i32
    %dma_start3A_75 = tpu.memref_slice %arg5[%dma_start3A_73, %dma_start3A_74] : memref<2x128xi32, #tpu.memory_space<vmem>> -> memref<1x128xi32, #tpu.memory_space<vmem>>
    %dma_start3A_76 = tpu.memref_squeeze %dma_start3A_75 : memref<1x128xi32, #tpu.memory_space<vmem>> -> memref<128xi32, #tpu.memory_space<vmem>>
    %dma_start3A_77 = tpu.memref_slice %arg3[%add3A_72] : memref<65536xi32, #tpu.memory_space<hbm>> -> memref<128xi32, #tpu.memory_space<hbm>>
    %dma_start3A_78 = arith.constant 0 : i32
    %dma_start3A_79 = tpu.memref_slice %arg5[%dma_start3A_73, %dma_start3A_78] : memref<2x128xi32, #tpu.memory_space<vmem>> -> memref<1x128xi32, #tpu.memory_space<vmem>>
    %dma_start3A_80 = tpu.memref_squeeze %dma_start3A_79 : memref<1x128xi32, #tpu.memory_space<vmem>> -> memref<128xi32, #tpu.memory_space<vmem>>
    %dma_start3A_81 = tpu.memref_slice %arg3[%add3A_72] : memref<65536xi32, #tpu.memory_space<hbm>> -> memref<128xi32, #tpu.memory_space<hbm>>
    tpu.enqueue_dma source(%dma_start3A_81 : memref<128xi32, #tpu.memory_space<hbm>>) target(%dma_start3A_80 : memref<128xi32, #tpu.memory_space<vmem>>) target_semaphore(%arg7 : memref<!tpu.dma_semaphore, #tpu.memory_space<semaphore_mem>>)
    %dma_wait3A_82 = arith.constant 1 : i32
    %dma_wait3A_83 = arith.constant 0 : i32
    %dma_wait3A_84 = tpu.memref_slice %arg5[%dma_wait3A_82, %dma_wait3A_83] : memref<2x128xi32, #tpu.memory_space<vmem>> -> memref<1x128xi32, #tpu.memory_space<vmem>>
    %dma_wait3A_85 = tpu.memref_squeeze %dma_wait3A_84 : memref<1x128xi32, #tpu.memory_space<vmem>> -> memref<128xi32, #tpu.memory_space<vmem>>
    %dma_wait3A_86 = tpu.memref_slice %arg3[%add3A_14] : memref<65536xi32, #tpu.memory_space<hbm>> -> memref<128xi32, #tpu.memory_space<hbm>>
    %dma_wait3A_87 = arith.constant 0 : i32
    %dma_wait3A_88 = tpu.memref_slice %arg5[%dma_wait3A_82, %dma_wait3A_87] : memref<2x128xi32, #tpu.memory_space<vmem>> -> memref<1x128xi32, #tpu.memory_space<vmem>>
    %dma_wait3A_89 = tpu.memref_squeeze %dma_wait3A_88 : memref<1x128xi32, #tpu.memory_space<vmem>> -> memref<128xi32, #tpu.memory_space<vmem>>
    %dma_wait3A_90 = tpu.memref_slice %arg3[%add3A_14] : memref<65536xi32, #tpu.memory_space<hbm>> -> memref<128xi32, #tpu.memory_space<hbm>>
    tpu.wait_dma2 semaphore(%arg8 : memref<!tpu.dma_semaphore, #tpu.memory_space<semaphore_mem>>) src(%dma_wait3A_90 : memref<128xi32, #tpu.memory_space<hbm>>) dst(%dma_wait3A_89 : memref<128xi32, #tpu.memory_space<vmem>>)
    %dma_start3A_91 = arith.constant 1 : i32
    %dma_start3A_92 = arith.constant 1 : i32
    %dma_start3A_93 = arith.constant 0 : i32
    %dma_start3A_94 = arith.constant 0 : i32
    %dma_start3A_95 = tpu.memref_slice %arg6[%dma_start3A_92, %dma_start3A_93, %dma_start3A_94] : memref<2x128x64xf32, #tpu.memory_space<vmem>> -> memref<1x128x64xf32, #tpu.memory_space<vmem>>
    %dma_start3A_96 = tpu.memref_squeeze %dma_start3A_95 : memref<1x128x64xf32, #tpu.memory_space<vmem>> -> memref<128x64xf32, #tpu.memory_space<vmem>>
    %dma_start3A_97 = arith.constant 0 : i32
    %dma_start3A_98 = tpu.memref_slice %arg5[%dma_start3A_91, %dma_start3A_97] : memref<2x128xi32, #tpu.memory_space<vmem>> -> memref<1x128xi32, #tpu.memory_space<vmem>>
    %dma_start3A_99 = tpu.memref_squeeze %dma_start3A_98 : memref<1x128xi32, #tpu.memory_space<vmem>> -> memref<128xi32, #tpu.memory_space<vmem>>
    %dma_start3A_100 = arith.constant 0 : i32
    %dma_start3A_101 = arith.constant 0 : i32
    %dma_start3A_102 = tpu.memref_slice %arg2[%dma_start3A_100, %dma_start3A_101] : memref<8192x64xf32, #tpu.memory_space<hbm>> -> memref<8192x64xf32, #tpu.memory_space<hbm>>
    tpu.enqueue_indirect_dma source(%dma_start3A_102 : memref<8192x64xf32, #tpu.memory_space<hbm>>) target(%dma_start3A_96 : memref<128x64xf32, #tpu.memory_space<vmem>>) offsets(%dma_start3A_99 : memref<128xi32, #tpu.memory_space<vmem>>) semaphore(%arg10 : memref<!tpu.dma_semaphore, #tpu.memory_space<semaphore_mem>>)
    %dma_wait3A_103 = arith.constant 1 : i32
    %dma_wait3A_104 = arith.constant 1 : i32
    %dma_wait3A_105 = arith.constant 0 : i32
    %dma_wait3A_106 = arith.constant 0 : i32
    %dma_wait3A_107 = tpu.memref_slice %arg6[%dma_wait3A_104, %dma_wait3A_105, %dma_wait3A_106] : memref<2x128x64xf32, #tpu.memory_space<vmem>> -> memref<1x128x64xf32, #tpu.memory_space<vmem>>
    %dma_wait3A_108 = tpu.memref_squeeze %dma_wait3A_107 : memref<1x128x64xf32, #tpu.memory_space<vmem>> -> memref<128x64xf32, #tpu.memory_space<vmem>>
    %dma_wait3A_109 = arith.constant 0 : i32
    %dma_wait3A_110 = tpu.memref_slice %arg5[%dma_wait3A_103, %dma_wait3A_109] : memref<2x128xi32, #tpu.memory_space<vmem>> -> memref<1x128xi32, #tpu.memory_space<vmem>>
    %dma_wait3A_111 = tpu.memref_squeeze %dma_wait3A_110 : memref<1x128xi32, #tpu.memory_space<vmem>> -> memref<128xi32, #tpu.memory_space<vmem>>
    %dma_wait3A_112 = arith.constant 0 : i32
    %dma_wait3A_113 = arith.constant 0 : i32
    %dma_wait3A_114 = tpu.memref_slice %arg2[%dma_wait3A_112, %dma_wait3A_113] : memref<8192x64xf32, #tpu.memory_space<hbm>> -> memref<8192x64xf32, #tpu.memory_space<hbm>>
    tpu.wait_indirect_dma semaphore(%arg10 : memref<!tpu.dma_semaphore, #tpu.memory_space<semaphore_mem>>) src(%dma_wait3A_114 : memref<8192x64xf32, #tpu.memory_space<hbm>>) dst(%dma_wait3A_108 : memref<128x64xf32, #tpu.memory_space<vmem>>)
    %add3A_115 = arith.constant 128 : i32
    %add3A_116 = arith.addi %mul3A_2, %add3A_115 : i32
    %dma_start3A_117 = arith.constant 1 : i32
    %dma_start3A_118 = arith.constant 0 : i32
    %dma_start3A_119 = arith.constant 0 : i32
    %dma_start3A_120 = tpu.memref_slice %arg6[%dma_start3A_117, %dma_start3A_118, %dma_start3A_119] : memref<2x128x64xf32, #tpu.memory_space<vmem>> -> memref<1x128x64xf32, #tpu.memory_space<vmem>>
    %dma_start3A_121 = tpu.memref_squeeze %dma_start3A_120 : memref<1x128x64xf32, #tpu.memory_space<vmem>> -> memref<128x64xf32, #tpu.memory_space<vmem>>
    %dma_start3A_122 = arith.constant 0 : i32
    %dma_start3A_123 = tpu.memref_slice %arg4[%add3A_116, %dma_start3A_122] : memref<65536x64xf32, #tpu.memory_space<hbm>> -> memref<128x64xf32, #tpu.memory_space<hbm>>
    %dma_start3A_124 = arith.constant 0 : i32
    %dma_start3A_125 = tpu.memref_slice %arg4[%add3A_116, %dma_start3A_124] : memref<65536x64xf32, #tpu.memory_space<hbm>> -> memref<128x64xf32, #tpu.memory_space<hbm>>
    %dma_start3A_126 = arith.constant 0 : i32
    %dma_start3A_127 = arith.constant 0 : i32
    %dma_start3A_128 = tpu.memref_slice %arg6[%dma_start3A_117, %dma_start3A_126, %dma_start3A_127] : memref<2x128x64xf32, #tpu.memory_space<vmem>> -> memref<1x128x64xf32, #tpu.memory_space<vmem>>
    %dma_start3A_129 = tpu.memref_squeeze %dma_start3A_128 : memref<1x128x64xf32, #tpu.memory_space<vmem>> -> memref<128x64xf32, #tpu.memory_space<vmem>>
    tpu.enqueue_dma source(%dma_start3A_129 : memref<128x64xf32, #tpu.memory_space<vmem>>) target(%dma_start3A_125 : memref<128x64xf32, #tpu.memory_space<hbm>>) target_semaphore(%arg12 : memref<!tpu.dma_semaphore, #tpu.memory_space<semaphore_mem>>)
    %add3A_130 = arith.constant 384 : i32
    %add3A_131 = arith.addi %mul3A_2, %add3A_130 : i32
    %dma_start3A_132 = arith.constant 1 : i32
    %dma_start3A_133 = arith.constant 0 : i32
    %dma_start3A_134 = tpu.memref_slice %arg5[%dma_start3A_132, %dma_start3A_133] : memref<2x128xi32, #tpu.memory_space<vmem>> -> memref<1x128xi32, #tpu.memory_space<vmem>>
    %dma_start3A_135 = tpu.memref_squeeze %dma_start3A_134 : memref<1x128xi32, #tpu.memory_space<vmem>> -> memref<128xi32, #tpu.memory_space<vmem>>
    %dma_start3A_136 = tpu.memref_slice %arg3[%add3A_131] : memref<65536xi32, #tpu.memory_space<hbm>> -> memref<128xi32, #tpu.memory_space<hbm>>
    %dma_start3A_137 = arith.constant 0 : i32
    %dma_start3A_138 = tpu.memref_slice %arg5[%dma_start3A_132, %dma_start3A_137] : memref<2x128xi32, #tpu.memory_space<vmem>> -> memref<1x128xi32, #tpu.memory_space<vmem>>
    %dma_start3A_139 = tpu.memref_squeeze %dma_start3A_138 : memref<1x128xi32, #tpu.memory_space<vmem>> -> memref<128xi32, #tpu.memory_space<vmem>>
    %dma_start3A_140 = tpu.memref_slice %arg3[%add3A_131] : memref<65536xi32, #tpu.memory_space<hbm>> -> memref<128xi32, #tpu.memory_space<hbm>>
    tpu.enqueue_dma source(%dma_start3A_140 : memref<128xi32, #tpu.memory_space<hbm>>) target(%dma_start3A_139 : memref<128xi32, #tpu.memory_space<vmem>>) target_semaphore(%arg8 : memref<!tpu.dma_semaphore, #tpu.memory_space<semaphore_mem>>)
    %dma_wait3A_141 = arith.constant 0 : i32
    %dma_wait3A_142 = arith.constant 0 : i32
    %dma_wait3A_143 = tpu.memref_slice %arg5[%dma_wait3A_141, %dma_wait3A_142] : memref<2x128xi32, #tpu.memory_space<vmem>> -> memref<1x128xi32, #tpu.memory_space<vmem>>
    %dma_wait3A_144 = tpu.memref_squeeze %dma_wait3A_143 : memref<1x128xi32, #tpu.memory_space<vmem>> -> memref<128xi32, #tpu.memory_space<vmem>>
    %dma_wait3A_145 = tpu.memref_slice %arg3[%add3A_72] : memref<65536xi32, #tpu.memory_space<hbm>> -> memref<128xi32, #tpu.memory_space<hbm>>
    %dma_wait3A_146 = arith.constant 0 : i32
    %dma_wait3A_147 = tpu.memref_slice %arg5[%dma_wait3A_141, %dma_wait3A_146] : memref<2x128xi32, #tpu.memory_space<vmem>> -> memref<1x128xi32, #tpu.memory_space<vmem>>
    %dma_wait3A_148 = tpu.memref_squeeze %dma_wait3A_147 : memref<1x128xi32, #tpu.memory_space<vmem>> -> memref<128xi32, #tpu.memory_space<vmem>>
    %dma_wait3A_149 = tpu.memref_slice %arg3[%add3A_72] : memref<65536xi32, #tpu.memory_space<hbm>> -> memref<128xi32, #tpu.memory_space<hbm>>
    tpu.wait_dma2 semaphore(%arg7 : memref<!tpu.dma_semaphore, #tpu.memory_space<semaphore_mem>>) src(%dma_wait3A_149 : memref<128xi32, #tpu.memory_space<hbm>>) dst(%dma_wait3A_148 : memref<128xi32, #tpu.memory_space<vmem>>)
    %dma_wait3A_150 = arith.constant 0 : i32
    %dma_wait3A_151 = arith.constant 0 : i32
    %dma_wait3A_152 = arith.constant 0 : i32
    %dma_wait3A_153 = tpu.memref_slice %arg6[%dma_wait3A_150, %dma_wait3A_151, %dma_wait3A_152] : memref<2x128x64xf32, #tpu.memory_space<vmem>> -> memref<1x128x64xf32, #tpu.memory_space<vmem>>
    %dma_wait3A_154 = tpu.memref_squeeze %dma_wait3A_153 : memref<1x128x64xf32, #tpu.memory_space<vmem>> -> memref<128x64xf32, #tpu.memory_space<vmem>>
    %dma_wait3A_155 = arith.constant 0 : i32
    %dma_wait3A_156 = tpu.memref_slice %arg4[%add3A_57, %dma_wait3A_155] : memref<65536x64xf32, #tpu.memory_space<hbm>> -> memref<128x64xf32, #tpu.memory_space<hbm>>
    %dma_wait3A_157 = arith.constant 0 : i32
    %dma_wait3A_158 = tpu.memref_slice %arg4[%add3A_57, %dma_wait3A_157] : memref<65536x64xf32, #tpu.memory_space<hbm>> -> memref<128x64xf32, #tpu.memory_space<hbm>>
    %dma_wait3A_159 = arith.constant 0 : i32
    %dma_wait3A_160 = arith.constant 0 : i32
    %dma_wait3A_161 = tpu.memref_slice %arg6[%dma_wait3A_150, %dma_wait3A_159, %dma_wait3A_160] : memref<2x128x64xf32, #tpu.memory_space<vmem>> -> memref<1x128x64xf32, #tpu.memory_space<vmem>>
    %dma_wait3A_162 = tpu.memref_squeeze %dma_wait3A_161 : memref<1x128x64xf32, #tpu.memory_space<vmem>> -> memref<128x64xf32, #tpu.memory_space<vmem>>
    tpu.wait_dma2 semaphore(%arg11 : memref<!tpu.dma_semaphore, #tpu.memory_space<semaphore_mem>>) src(%dma_wait3A_162 : memref<128x64xf32, #tpu.memory_space<vmem>>) dst(%dma_wait3A_158 : memref<128x64xf32, #tpu.memory_space<hbm>>)
    %dma_start3A_163 = arith.constant 0 : i32
    %dma_start3A_164 = arith.constant 0 : i32
    %dma_start3A_165 = arith.constant 0 : i32
    %dma_start3A_166 = arith.constant 0 : i32
    %dma_start3A_167 = tpu.memref_slice %arg6[%dma_start3A_164, %dma_start3A_165, %dma_start3A_166] : memref<2x128x64xf32, #tpu.memory_space<vmem>> -> memref<1x128x64xf32, #tpu.memory_space<vmem>>
    %dma_start3A_168 = tpu.memref_squeeze %dma_start3A_167 : memref<1x128x64xf32, #tpu.memory_space<vmem>> -> memref<128x64xf32, #tpu.memory_space<vmem>>
    %dma_start3A_169 = arith.constant 0 : i32
    %dma_start3A_170 = tpu.memref_slice %arg5[%dma_start3A_163, %dma_start3A_169] : memref<2x128xi32, #tpu.memory_space<vmem>> -> memref<1x128xi32, #tpu.memory_space<vmem>>
    %dma_start3A_171 = tpu.memref_squeeze %dma_start3A_170 : memref<1x128xi32, #tpu.memory_space<vmem>> -> memref<128xi32, #tpu.memory_space<vmem>>
    %dma_start3A_172 = arith.constant 0 : i32
    %dma_start3A_173 = arith.constant 0 : i32
    %dma_start3A_174 = tpu.memref_slice %arg2[%dma_start3A_172, %dma_start3A_173] : memref<8192x64xf32, #tpu.memory_space<hbm>> -> memref<8192x64xf32, #tpu.memory_space<hbm>>
    tpu.enqueue_indirect_dma source(%dma_start3A_174 : memref<8192x64xf32, #tpu.memory_space<hbm>>) target(%dma_start3A_168 : memref<128x64xf32, #tpu.memory_space<vmem>>) offsets(%dma_start3A_171 : memref<128xi32, #tpu.memory_space<vmem>>) semaphore(%arg9 : memref<!tpu.dma_semaphore, #tpu.memory_space<semaphore_mem>>)
    %dma_wait3A_175 = arith.constant 0 : i32
    %dma_wait3A_176 = arith.constant 0 : i32
    %dma_wait3A_177 = arith.constant 0 : i32
    %dma_wait3A_178 = arith.constant 0 : i32
    %dma_wait3A_179 = tpu.memref_slice %arg6[%dma_wait3A_176, %dma_wait3A_177, %dma_wait3A_178] : memref<2x128x64xf32, #tpu.memory_space<vmem>> -> memref<1x128x64xf32, #tpu.memory_space<vmem>>
    %dma_wait3A_180 = tpu.memref_squeeze %dma_wait3A_179 : memref<1x128x64xf32, #tpu.memory_space<vmem>> -> memref<128x64xf32, #tpu.memory_space<vmem>>
    %dma_wait3A_181 = arith.constant 0 : i32
    %dma_wait3A_182 = tpu.memref_slice %arg5[%dma_wait3A_175, %dma_wait3A_181] : memref<2x128xi32, #tpu.memory_space<vmem>> -> memref<1x128xi32, #tpu.memory_space<vmem>>
    %dma_wait3A_183 = tpu.memref_squeeze %dma_wait3A_182 : memref<1x128xi32, #tpu.memory_space<vmem>> -> memref<128xi32, #tpu.memory_space<vmem>>
    %dma_wait3A_184 = arith.constant 0 : i32
    %dma_wait3A_185 = arith.constant 0 : i32
    %dma_wait3A_186 = tpu.memref_slice %arg2[%dma_wait3A_184, %dma_wait3A_185] : memref<8192x64xf32, #tpu.memory_space<hbm>> -> memref<8192x64xf32, #tpu.memory_space<hbm>>
    tpu.wait_indirect_dma semaphore(%arg9 : memref<!tpu.dma_semaphore, #tpu.memory_space<semaphore_mem>>) src(%dma_wait3A_186 : memref<8192x64xf32, #tpu.memory_space<hbm>>) dst(%dma_wait3A_180 : memref<128x64xf32, #tpu.memory_space<vmem>>)
    %add3A_187 = arith.constant 256 : i32
    %add3A_188 = arith.addi %mul3A_2, %add3A_187 : i32
    %dma_start3A_189 = arith.constant 0 : i32
    %dma_start3A_190 = arith.constant 0 : i32
    %dma_start3A_191 = arith.constant 0 : i32
    %dma_start3A_192 = tpu.memref_slice %arg6[%dma_start3A_189, %dma_start3A_190, %dma_start3A_191] : memref<2x128x64xf32, #tpu.memory_space<vmem>> -> memref<1x128x64xf32, #tpu.memory_space<vmem>>
    %dma_start3A_193 = tpu.memref_squeeze %dma_start3A_192 : memref<1x128x64xf32, #tpu.memory_space<vmem>> -> memref<128x64xf32, #tpu.memory_space<vmem>>
    %dma_start3A_194 = arith.constant 0 : i32
    %dma_start3A_195 = tpu.memref_slice %arg4[%add3A_188, %dma_start3A_194] : memref<65536x64xf32, #tpu.memory_space<hbm>> -> memref<128x64xf32, #tpu.memory_space<hbm>>
    %dma_start3A_196 = arith.constant 0 : i32
    %dma_start3A_197 = tpu.memref_slice %arg4[%add3A_188, %dma_start3A_196] : memref<65536x64xf32, #tpu.memory_space<hbm>> -> memref<128x64xf32, #tpu.memory_space<hbm>>
    %dma_start3A_198 = arith.constant 0 : i32
    %dma_start3A_199 = arith.constant 0 : i32
    %dma_start3A_200 = tpu.memref_slice %arg6[%dma_start3A_189, %dma_start3A_198, %dma_start3A_199] : memref<2x128x64xf32, #tpu.memory_space<vmem>> -> memref<1x128x64xf32, #tpu.memory_space<vmem>>
    %dma_start3A_201 = tpu.memref_squeeze %dma_start3A_200 : memref<1x128x64xf32, #tpu.memory_space<vmem>> -> memref<128x64xf32, #tpu.memory_space<vmem>>
    tpu.enqueue_dma source(%dma_start3A_201 : memref<128x64xf32, #tpu.memory_space<vmem>>) target(%dma_start3A_197 : memref<128x64xf32, #tpu.memory_space<hbm>>) target_semaphore(%arg11 : memref<!tpu.dma_semaphore, #tpu.memory_space<semaphore_mem>>)
    %add3A_202 = arith.constant 512 : i32
    %add3A_203 = arith.addi %mul3A_2, %add3A_202 : i32
    %dma_start3A_204 = arith.constant 0 : i32
    %dma_start3A_205 = arith.constant 0 : i32
    %dma_start3A_206 = tpu.memref_slice %arg5[%dma_start3A_204, %dma_start3A_205] : memref<2x128xi32, #tpu.memory_space<vmem>> -> memref<1x128xi32, #tpu.memory_space<vmem>>
    %dma_start3A_207 = tpu.memref_squeeze %dma_start3A_206 : memref<1x128xi32, #tpu.memory_space<vmem>> -> memref<128xi32, #tpu.memory_space<vmem>>
    %dma_start3A_208 = tpu.memref_slice %arg3[%add3A_203] : memref<65536xi32, #tpu.memory_space<hbm>> -> memref<128xi32, #tpu.memory_space<hbm>>
    %dma_start3A_209 = arith.constant 0 : i32
    %dma_start3A_210 = tpu.memref_slice %arg5[%dma_start3A_204, %dma_start3A_209] : memref<2x128xi32, #tpu.memory_space<vmem>> -> memref<1x128xi32, #tpu.memory_space<vmem>>
    %dma_start3A_211 = tpu.memref_squeeze %dma_start3A_210 : memref<1x128xi32, #tpu.memory_space<vmem>> -> memref<128xi32, #tpu.memory_space<vmem>>
    %dma_start3A_212 = tpu.memref_slice %arg3[%add3A_203] : memref<65536xi32, #tpu.memory_space<hbm>> -> memref<128xi32, #tpu.memory_space<hbm>>
    tpu.enqueue_dma source(%dma_start3A_212 : memref<128xi32, #tpu.memory_space<hbm>>) target(%dma_start3A_211 : memref<128xi32, #tpu.memory_space<vmem>>) target_semaphore(%arg7 : memref<!tpu.dma_semaphore, #tpu.memory_space<semaphore_mem>>)
    %dma_wait3A_213 = arith.constant 1 : i32
    %dma_wait3A_214 = arith.constant 0 : i32
    %dma_wait3A_215 = tpu.memref_slice %arg5[%dma_wait3A_213, %dma_wait3A_214] : memref<2x128xi32, #tpu.memory_space<vmem>> -> memref<1x128xi32, #tpu.memory_space<vmem>>
    %dma_wait3A_216 = tpu.memref_squeeze %dma_wait3A_215 : memref<1x128xi32, #tpu.memory_space<vmem>> -> memref<128xi32, #tpu.memory_space<vmem>>
    %dma_wait3A_217 = tpu.memref_slice %arg3[%add3A_131] : memref<65536xi32, #tpu.memory_space<hbm>> -> memref<128xi32, #tpu.memory_space<hbm>>
    %dma_wait3A_218 = arith.constant 0 : i32
    %dma_wait3A_219 = tpu.memref_slice %arg5[%dma_wait3A_213, %dma_wait3A_218] : memref<2x128xi32, #tpu.memory_space<vmem>> -> memref<1x128xi32, #tpu.memory_space<vmem>>
    %dma_wait3A_220 = tpu.memref_squeeze %dma_wait3A_219 : memref<1x128xi32, #tpu.memory_space<vmem>> -> memref<128xi32, #tpu.memory_space<vmem>>
    %dma_wait3A_221 = tpu.memref_slice %arg3[%add3A_131] : memref<65536xi32, #tpu.memory_space<hbm>> -> memref<128xi32, #tpu.memory_space<hbm>>
    tpu.wait_dma2 semaphore(%arg8 : memref<!tpu.dma_semaphore, #tpu.memory_space<semaphore_mem>>) src(%dma_wait3A_221 : memref<128xi32, #tpu.memory_space<hbm>>) dst(%dma_wait3A_220 : memref<128xi32, #tpu.memory_space<vmem>>)
    %dma_wait3A_222 = arith.constant 1 : i32
    %dma_wait3A_223 = arith.constant 0 : i32
    %dma_wait3A_224 = arith.constant 0 : i32
    %dma_wait3A_225 = tpu.memref_slice %arg6[%dma_wait3A_222, %dma_wait3A_223, %dma_wait3A_224] : memref<2x128x64xf32, #tpu.memory_space<vmem>> -> memref<1x128x64xf32, #tpu.memory_space<vmem>>
    %dma_wait3A_226 = tpu.memref_squeeze %dma_wait3A_225 : memref<1x128x64xf32, #tpu.memory_space<vmem>> -> memref<128x64xf32, #tpu.memory_space<vmem>>
    %dma_wait3A_227 = arith.constant 0 : i32
    %dma_wait3A_228 = tpu.memref_slice %arg4[%add3A_116, %dma_wait3A_227] : memref<65536x64xf32, #tpu.memory_space<hbm>> -> memref<128x64xf32, #tpu.memory_space<hbm>>
    %dma_wait3A_229 = arith.constant 0 : i32
    %dma_wait3A_230 = tpu.memref_slice %arg4[%add3A_116, %dma_wait3A_229] : memref<65536x64xf32, #tpu.memory_space<hbm>> -> memref<128x64xf32, #tpu.memory_space<hbm>>
    %dma_wait3A_231 = arith.constant 0 : i32
    %dma_wait3A_232 = arith.constant 0 : i32
    %dma_wait3A_233 = tpu.memref_slice %arg6[%dma_wait3A_222, %dma_wait3A_231, %dma_wait3A_232] : memref<2x128x64xf32, #tpu.memory_space<vmem>> -> memref<1x128x64xf32, #tpu.memory_space<vmem>>
    %dma_wait3A_234 = tpu.memref_squeeze %dma_wait3A_233 : memref<1x128x64xf32, #tpu.memory_space<vmem>> -> memref<128x64xf32, #tpu.memory_space<vmem>>
    tpu.wait_dma2 semaphore(%arg12 : memref<!tpu.dma_semaphore, #tpu.memory_space<semaphore_mem>>) src(%dma_wait3A_234 : memref<128x64xf32, #tpu.memory_space<vmem>>) dst(%dma_wait3A_230 : memref<128x64xf32, #tpu.memory_space<hbm>>)
    %dma_start3A_235 = arith.constant 1 : i32
    %dma_start3A_236 = arith.constant 1 : i32
    %dma_start3A_237 = arith.constant 0 : i32
    %dma_start3A_238 = arith.constant 0 : i32
    %dma_start3A_239 = tpu.memref_slice %arg6[%dma_start3A_236, %dma_start3A_237, %dma_start3A_238] : memref<2x128x64xf32, #tpu.memory_space<vmem>> -> memref<1x128x64xf32, #tpu.memory_space<vmem>>
    %dma_start3A_240 = tpu.memref_squeeze %dma_start3A_239 : memref<1x128x64xf32, #tpu.memory_space<vmem>> -> memref<128x64xf32, #tpu.memory_space<vmem>>
    %dma_start3A_241 = arith.constant 0 : i32
    %dma_start3A_242 = tpu.memref_slice %arg5[%dma_start3A_235, %dma_start3A_241] : memref<2x128xi32, #tpu.memory_space<vmem>> -> memref<1x128xi32, #tpu.memory_space<vmem>>
    %dma_start3A_243 = tpu.memref_squeeze %dma_start3A_242 : memref<1x128xi32, #tpu.memory_space<vmem>> -> memref<128xi32, #tpu.memory_space<vmem>>
    %dma_start3A_244 = arith.constant 0 : i32
    %dma_start3A_245 = arith.constant 0 : i32
    %dma_start3A_246 = tpu.memref_slice %arg2[%dma_start3A_244, %dma_start3A_245] : memref<8192x64xf32, #tpu.memory_space<hbm>> -> memref<8192x64xf32, #tpu.memory_space<hbm>>
    tpu.enqueue_indirect_dma source(%dma_start3A_246 : memref<8192x64xf32, #tpu.memory_space<hbm>>) target(%dma_start3A_240 : memref<128x64xf32, #tpu.memory_space<vmem>>) offsets(%dma_start3A_243 : memref<128xi32, #tpu.memory_space<vmem>>) semaphore(%arg10 : memref<!tpu.dma_semaphore, #tpu.memory_space<semaphore_mem>>)
    %dma_wait3A_247 = arith.constant 1 : i32
    %dma_wait3A_248 = arith.constant 1 : i32
    %dma_wait3A_249 = arith.constant 0 : i32
    %dma_wait3A_250 = arith.constant 0 : i32
    %dma_wait3A_251 = tpu.memref_slice %arg6[%dma_wait3A_248, %dma_wait3A_249, %dma_wait3A_250] : memref<2x128x64xf32, #tpu.memory_space<vmem>> -> memref<1x128x64xf32, #tpu.memory_space<vmem>>
    %dma_wait3A_252 = tpu.memref_squeeze %dma_wait3A_251 : memref<1x128x64xf32, #tpu.memory_space<vmem>> -> memref<128x64xf32, #tpu.memory_space<vmem>>
    %dma_wait3A_253 = arith.constant 0 : i32
    %dma_wait3A_254 = tpu.memref_slice %arg5[%dma_wait3A_247, %dma_wait3A_253] : memref<2x128xi32, #tpu.memory_space<vmem>> -> memref<1x128xi32, #tpu.memory_space<vmem>>
    %dma_wait3A_255 = tpu.memref_squeeze %dma_wait3A_254 : memref<1x128xi32, #tpu.memory_space<vmem>> -> memref<128xi32, #tpu.memory_space<vmem>>
    %dma_wait3A_256 = arith.constant 0 : i32
    %dma_wait3A_257 = arith.constant 0 : i32
    %dma_wait3A_258 = tpu.memref_slice %arg2[%dma_wait3A_256, %dma_wait3A_257] : memref<8192x64xf32, #tpu.memory_space<hbm>> -> memref<8192x64xf32, #tpu.memory_space<hbm>>
    tpu.wait_indirect_dma semaphore(%arg10 : memref<!tpu.dma_semaphore, #tpu.memory_space<semaphore_mem>>) src(%dma_wait3A_258 : memref<8192x64xf32, #tpu.memory_space<hbm>>) dst(%dma_wait3A_252 : memref<128x64xf32, #tpu.memory_space<vmem>>)
    %add3A_259 = arith.constant 384 : i32
    %add3A_260 = arith.addi %mul3A_2, %add3A_259 : i32
    %dma_start3A_261 = arith.constant 1 : i32
    %dma_start3A_262 = arith.constant 0 : i32
    %dma_start3A_263 = arith.constant 0 : i32
    %dma_start3A_264 = tpu.memref_slice %arg6[%dma_start3A_261, %dma_start3A_262, %dma_start3A_263] : memref<2x128x64xf32, #tpu.memory_space<vmem>> -> memref<1x128x64xf32, #tpu.memory_space<vmem>>
    %dma_start3A_265 = tpu.memref_squeeze %dma_start3A_264 : memref<1x128x64xf32, #tpu.memory_space<vmem>> -> memref<128x64xf32, #tpu.memory_space<vmem>>
    %dma_start3A_266 = arith.constant 0 : i32
    %dma_start3A_267 = tpu.memref_slice %arg4[%add3A_260, %dma_start3A_266] : memref<65536x64xf32, #tpu.memory_space<hbm>> -> memref<128x64xf32, #tpu.memory_space<hbm>>
    %dma_start3A_268 = arith.constant 0 : i32
    %dma_start3A_269 = tpu.memref_slice %arg4[%add3A_260, %dma_start3A_268] : memref<65536x64xf32, #tpu.memory_space<hbm>> -> memref<128x64xf32, #tpu.memory_space<hbm>>
    %dma_start3A_270 = arith.constant 0 : i32
    %dma_start3A_271 = arith.constant 0 : i32
    %dma_start3A_272 = tpu.memref_slice %arg6[%dma_start3A_261, %dma_start3A_270, %dma_start3A_271] : memref<2x128x64xf32, #tpu.memory_space<vmem>> -> memref<1x128x64xf32, #tpu.memory_space<vmem>>
    %dma_start3A_273 = tpu.memref_squeeze %dma_start3A_272 : memref<1x128x64xf32, #tpu.memory_space<vmem>> -> memref<128x64xf32, #tpu.memory_space<vmem>>
    tpu.enqueue_dma source(%dma_start3A_273 : memref<128x64xf32, #tpu.memory_space<vmem>>) target(%dma_start3A_269 : memref<128x64xf32, #tpu.memory_space<hbm>>) target_semaphore(%arg12 : memref<!tpu.dma_semaphore, #tpu.memory_space<semaphore_mem>>)
    %add3A_274 = arith.constant 640 : i32
    %add3A_275 = arith.addi %mul3A_2, %add3A_274 : i32
    %dma_start3A_276 = arith.constant 1 : i32
    %dma_start3A_277 = arith.constant 0 : i32
    %dma_start3A_278 = tpu.memref_slice %arg5[%dma_start3A_276, %dma_start3A_277] : memref<2x128xi32, #tpu.memory_space<vmem>> -> memref<1x128xi32, #tpu.memory_space<vmem>>
    %dma_start3A_279 = tpu.memref_squeeze %dma_start3A_278 : memref<1x128xi32, #tpu.memory_space<vmem>> -> memref<128xi32, #tpu.memory_space<vmem>>
    %dma_start3A_280 = tpu.memref_slice %arg3[%add3A_275] : memref<65536xi32, #tpu.memory_space<hbm>> -> memref<128xi32, #tpu.memory_space<hbm>>
    %dma_start3A_281 = arith.constant 0 : i32
    %dma_start3A_282 = tpu.memref_slice %arg5[%dma_start3A_276, %dma_start3A_281] : memref<2x128xi32, #tpu.memory_space<vmem>> -> memref<1x128xi32, #tpu.memory_space<vmem>>
    %dma_start3A_283 = tpu.memref_squeeze %dma_start3A_282 : memref<1x128xi32, #tpu.memory_space<vmem>> -> memref<128xi32, #tpu.memory_space<vmem>>
    %dma_start3A_284 = tpu.memref_slice %arg3[%add3A_275] : memref<65536xi32, #tpu.memory_space<hbm>> -> memref<128xi32, #tpu.memory_space<hbm>>
    tpu.enqueue_dma source(%dma_start3A_284 : memref<128xi32, #tpu.memory_space<hbm>>) target(%dma_start3A_283 : memref<128xi32, #tpu.memory_space<vmem>>) target_semaphore(%arg8 : memref<!tpu.dma_semaphore, #tpu.memory_space<semaphore_mem>>)
    %dma_wait3A_285 = arith.constant 0 : i32
    %dma_wait3A_286 = arith.constant 0 : i32
    %dma_wait3A_287 = tpu.memref_slice %arg5[%dma_wait3A_285, %dma_wait3A_286] : memref<2x128xi32, #tpu.memory_space<vmem>> -> memref<1x128xi32, #tpu.memory_space<vmem>>
    %dma_wait3A_288 = tpu.memref_squeeze %dma_wait3A_287 : memref<1x128xi32, #tpu.memory_space<vmem>> -> memref<128xi32, #tpu.memory_space<vmem>>
    %dma_wait3A_289 = tpu.memref_slice %arg3[%add3A_203] : memref<65536xi32, #tpu.memory_space<hbm>> -> memref<128xi32, #tpu.memory_space<hbm>>
    %dma_wait3A_290 = arith.constant 0 : i32
    %dma_wait3A_291 = tpu.memref_slice %arg5[%dma_wait3A_285, %dma_wait3A_290] : memref<2x128xi32, #tpu.memory_space<vmem>> -> memref<1x128xi32, #tpu.memory_space<vmem>>
    %dma_wait3A_292 = tpu.memref_squeeze %dma_wait3A_291 : memref<1x128xi32, #tpu.memory_space<vmem>> -> memref<128xi32, #tpu.memory_space<vmem>>
    %dma_wait3A_293 = tpu.memref_slice %arg3[%add3A_203] : memref<65536xi32, #tpu.memory_space<hbm>> -> memref<128xi32, #tpu.memory_space<hbm>>
    tpu.wait_dma2 semaphore(%arg7 : memref<!tpu.dma_semaphore, #tpu.memory_space<semaphore_mem>>) src(%dma_wait3A_293 : memref<128xi32, #tpu.memory_space<hbm>>) dst(%dma_wait3A_292 : memref<128xi32, #tpu.memory_space<vmem>>)
    %dma_wait3A_294 = arith.constant 0 : i32
    %dma_wait3A_295 = arith.constant 0 : i32
    %dma_wait3A_296 = arith.constant 0 : i32
    %dma_wait3A_297 = tpu.memref_slice %arg6[%dma_wait3A_294, %dma_wait3A_295, %dma_wait3A_296] : memref<2x128x64xf32, #tpu.memory_space<vmem>> -> memref<1x128x64xf32, #tpu.memory_space<vmem>>
    %dma_wait3A_298 = tpu.memref_squeeze %dma_wait3A_297 : memref<1x128x64xf32, #tpu.memory_space<vmem>> -> memref<128x64xf32, #tpu.memory_space<vmem>>
    %dma_wait3A_299 = arith.constant 0 : i32
    %dma_wait3A_300 = tpu.memref_slice %arg4[%add3A_188, %dma_wait3A_299] : memref<65536x64xf32, #tpu.memory_space<hbm>> -> memref<128x64xf32, #tpu.memory_space<hbm>>
    %dma_wait3A_301 = arith.constant 0 : i32
    %dma_wait3A_302 = tpu.memref_slice %arg4[%add3A_188, %dma_wait3A_301] : memref<65536x64xf32, #tpu.memory_space<hbm>> -> memref<128x64xf32, #tpu.memory_space<hbm>>
    %dma_wait3A_303 = arith.constant 0 : i32
    %dma_wait3A_304 = arith.constant 0 : i32
    %dma_wait3A_305 = tpu.memref_slice %arg6[%dma_wait3A_294, %dma_wait3A_303, %dma_wait3A_304] : memref<2x128x64xf32, #tpu.memory_space<vmem>> -> memref<1x128x64xf32, #tpu.memory_space<vmem>>
    %dma_wait3A_306 = tpu.memref_squeeze %dma_wait3A_305 : memref<1x128x64xf32, #tpu.memory_space<vmem>> -> memref<128x64xf32, #tpu.memory_space<vmem>>
    tpu.wait_dma2 semaphore(%arg11 : memref<!tpu.dma_semaphore, #tpu.memory_space<semaphore_mem>>) src(%dma_wait3A_306 : memref<128x64xf32, #tpu.memory_space<vmem>>) dst(%dma_wait3A_302 : memref<128x64xf32, #tpu.memory_space<hbm>>)
    %dma_start3A_307 = arith.constant 0 : i32
    %dma_start3A_308 = arith.constant 0 : i32
    %dma_start3A_309 = arith.constant 0 : i32
    %dma_start3A_310 = arith.constant 0 : i32
    %dma_start3A_311 = tpu.memref_slice %arg6[%dma_start3A_308, %dma_start3A_309, %dma_start3A_310] : memref<2x128x64xf32, #tpu.memory_space<vmem>> -> memref<1x128x64xf32, #tpu.memory_space<vmem>>
    %dma_start3A_312 = tpu.memref_squeeze %dma_start3A_311 : memref<1x128x64xf32, #tpu.memory_space<vmem>> -> memref<128x64xf32, #tpu.memory_space<vmem>>
    %dma_start3A_313 = arith.constant 0 : i32
    %dma_start3A_314 = tpu.memref_slice %arg5[%dma_start3A_307, %dma_start3A_313] : memref<2x128xi32, #tpu.memory_space<vmem>> -> memref<1x128xi32, #tpu.memory_space<vmem>>
    %dma_start3A_315 = tpu.memref_squeeze %dma_start3A_314 : memref<1x128xi32, #tpu.memory_space<vmem>> -> memref<128xi32, #tpu.memory_space<vmem>>
    %dma_start3A_316 = arith.constant 0 : i32
    %dma_start3A_317 = arith.constant 0 : i32
    %dma_start3A_318 = tpu.memref_slice %arg2[%dma_start3A_316, %dma_start3A_317] : memref<8192x64xf32, #tpu.memory_space<hbm>> -> memref<8192x64xf32, #tpu.memory_space<hbm>>
    tpu.enqueue_indirect_dma source(%dma_start3A_318 : memref<8192x64xf32, #tpu.memory_space<hbm>>) target(%dma_start3A_312 : memref<128x64xf32, #tpu.memory_space<vmem>>) offsets(%dma_start3A_315 : memref<128xi32, #tpu.memory_space<vmem>>) semaphore(%arg9 : memref<!tpu.dma_semaphore, #tpu.memory_space<semaphore_mem>>)
    %dma_wait3A_319 = arith.constant 0 : i32
    %dma_wait3A_320 = arith.constant 0 : i32
    %dma_wait3A_321 = arith.constant 0 : i32
    %dma_wait3A_322 = arith.constant 0 : i32
    %dma_wait3A_323 = tpu.memref_slice %arg6[%dma_wait3A_320, %dma_wait3A_321, %dma_wait3A_322] : memref<2x128x64xf32, #tpu.memory_space<vmem>> -> memref<1x128x64xf32, #tpu.memory_space<vmem>>
    %dma_wait3A_324 = tpu.memref_squeeze %dma_wait3A_323 : memref<1x128x64xf32, #tpu.memory_space<vmem>> -> memref<128x64xf32, #tpu.memory_space<vmem>>
    %dma_wait3A_325 = arith.constant 0 : i32
    %dma_wait3A_326 = tpu.memref_slice %arg5[%dma_wait3A_319, %dma_wait3A_325] : memref<2x128xi32, #tpu.memory_space<vmem>> -> memref<1x128xi32, #tpu.memory_space<vmem>>
    %dma_wait3A_327 = tpu.memref_squeeze %dma_wait3A_326 : memref<1x128xi32, #tpu.memory_space<vmem>> -> memref<128xi32, #tpu.memory_space<vmem>>
    %dma_wait3A_328 = arith.constant 0 : i32
    %dma_wait3A_329 = arith.constant 0 : i32
    %dma_wait3A_330 = tpu.memref_slice %arg2[%dma_wait3A_328, %dma_wait3A_329] : memref<8192x64xf32, #tpu.memory_space<hbm>> -> memref<8192x64xf32, #tpu.memory_space<hbm>>
    tpu.wait_indirect_dma semaphore(%arg9 : memref<!tpu.dma_semaphore, #tpu.memory_space<semaphore_mem>>) src(%dma_wait3A_330 : memref<8192x64xf32, #tpu.memory_space<hbm>>) dst(%dma_wait3A_324 : memref<128x64xf32, #tpu.memory_space<vmem>>)
    %add3A_331 = arith.constant 512 : i32
    %add3A_332 = arith.addi %mul3A_2, %add3A_331 : i32
    %dma_start3A_333 = arith.constant 0 : i32
    %dma_start3A_334 = arith.constant 0 : i32
    %dma_start3A_335 = arith.constant 0 : i32
    %dma_start3A_336 = tpu.memref_slice %arg6[%dma_start3A_333, %dma_start3A_334, %dma_start3A_335] : memref<2x128x64xf32, #tpu.memory_space<vmem>> -> memref<1x128x64xf32, #tpu.memory_space<vmem>>
    %dma_start3A_337 = tpu.memref_squeeze %dma_start3A_336 : memref<1x128x64xf32, #tpu.memory_space<vmem>> -> memref<128x64xf32, #tpu.memory_space<vmem>>
    %dma_start3A_338 = arith.constant 0 : i32
    %dma_start3A_339 = tpu.memref_slice %arg4[%add3A_332, %dma_start3A_338] : memref<65536x64xf32, #tpu.memory_space<hbm>> -> memref<128x64xf32, #tpu.memory_space<hbm>>
    %dma_start3A_340 = arith.constant 0 : i32
    %dma_start3A_341 = tpu.memref_slice %arg4[%add3A_332, %dma_start3A_340] : memref<65536x64xf32, #tpu.memory_space<hbm>> -> memref<128x64xf32, #tpu.memory_space<hbm>>
    %dma_start3A_342 = arith.constant 0 : i32
    %dma_start3A_343 = arith.constant 0 : i32
    %dma_start3A_344 = tpu.memref_slice %arg6[%dma_start3A_333, %dma_start3A_342, %dma_start3A_343] : memref<2x128x64xf32, #tpu.memory_space<vmem>> -> memref<1x128x64xf32, #tpu.memory_space<vmem>>
    %dma_start3A_345 = tpu.memref_squeeze %dma_start3A_344 : memref<1x128x64xf32, #tpu.memory_space<vmem>> -> memref<128x64xf32, #tpu.memory_space<vmem>>
    tpu.enqueue_dma source(%dma_start3A_345 : memref<128x64xf32, #tpu.memory_space<vmem>>) target(%dma_start3A_341 : memref<128x64xf32, #tpu.memory_space<hbm>>) target_semaphore(%arg11 : memref<!tpu.dma_semaphore, #tpu.memory_space<semaphore_mem>>)
    %add3A_346 = arith.constant 768 : i32
    %add3A_347 = arith.addi %mul3A_2, %add3A_346 : i32
    %dma_start3A_348 = arith.constant 0 : i32
    %dma_start3A_349 = arith.constant 0 : i32
    %dma_start3A_350 = tpu.memref_slice %arg5[%dma_start3A_348, %dma_start3A_349] : memref<2x128xi32, #tpu.memory_space<vmem>> -> memref<1x128xi32, #tpu.memory_space<vmem>>
    %dma_start3A_351 = tpu.memref_squeeze %dma_start3A_350 : memref<1x128xi32, #tpu.memory_space<vmem>> -> memref<128xi32, #tpu.memory_space<vmem>>
    %dma_start3A_352 = tpu.memref_slice %arg3[%add3A_347] : memref<65536xi32, #tpu.memory_space<hbm>> -> memref<128xi32, #tpu.memory_space<hbm>>
    %dma_start3A_353 = arith.constant 0 : i32
    %dma_start3A_354 = tpu.memref_slice %arg5[%dma_start3A_348, %dma_start3A_353] : memref<2x128xi32, #tpu.memory_space<vmem>> -> memref<1x128xi32, #tpu.memory_space<vmem>>
    %dma_start3A_355 = tpu.memref_squeeze %dma_start3A_354 : memref<1x128xi32, #tpu.memory_space<vmem>> -> memref<128xi32, #tpu.memory_space<vmem>>
    %dma_start3A_356 = tpu.memref_slice %arg3[%add3A_347] : memref<65536xi32, #tpu.memory_space<hbm>> -> memref<128xi32, #tpu.memory_space<hbm>>
    tpu.enqueue_dma source(%dma_start3A_356 : memref<128xi32, #tpu.memory_space<hbm>>) target(%dma_start3A_355 : memref<128xi32, #tpu.memory_space<vmem>>) target_semaphore(%arg7 : memref<!tpu.dma_semaphore, #tpu.memory_space<semaphore_mem>>)
    %dma_wait3A_357 = arith.constant 1 : i32
    %dma_wait3A_358 = arith.constant 0 : i32
    %dma_wait3A_359 = tpu.memref_slice %arg5[%dma_wait3A_357, %dma_wait3A_358] : memref<2x128xi32, #tpu.memory_space<vmem>> -> memref<1x128xi32, #tpu.memory_space<vmem>>
    %dma_wait3A_360 = tpu.memref_squeeze %dma_wait3A_359 : memref<1x128xi32, #tpu.memory_space<vmem>> -> memref<128xi32, #tpu.memory_space<vmem>>
    %dma_wait3A_361 = tpu.memref_slice %arg3[%add3A_275] : memref<65536xi32, #tpu.memory_space<hbm>> -> memref<128xi32, #tpu.memory_space<hbm>>
    %dma_wait3A_362 = arith.constant 0 : i32
    %dma_wait3A_363 = tpu.memref_slice %arg5[%dma_wait3A_357, %dma_wait3A_362] : memref<2x128xi32, #tpu.memory_space<vmem>> -> memref<1x128xi32, #tpu.memory_space<vmem>>
    %dma_wait3A_364 = tpu.memref_squeeze %dma_wait3A_363 : memref<1x128xi32, #tpu.memory_space<vmem>> -> memref<128xi32, #tpu.memory_space<vmem>>
    %dma_wait3A_365 = tpu.memref_slice %arg3[%add3A_275] : memref<65536xi32, #tpu.memory_space<hbm>> -> memref<128xi32, #tpu.memory_space<hbm>>
    tpu.wait_dma2 semaphore(%arg8 : memref<!tpu.dma_semaphore, #tpu.memory_space<semaphore_mem>>) src(%dma_wait3A_365 : memref<128xi32, #tpu.memory_space<hbm>>) dst(%dma_wait3A_364 : memref<128xi32, #tpu.memory_space<vmem>>)
    %dma_wait3A_366 = arith.constant 1 : i32
    %dma_wait3A_367 = arith.constant 0 : i32
    %dma_wait3A_368 = arith.constant 0 : i32
    %dma_wait3A_369 = tpu.memref_slice %arg6[%dma_wait3A_366, %dma_wait3A_367, %dma_wait3A_368] : memref<2x128x64xf32, #tpu.memory_space<vmem>> -> memref<1x128x64xf32, #tpu.memory_space<vmem>>
    %dma_wait3A_370 = tpu.memref_squeeze %dma_wait3A_369 : memref<1x128x64xf32, #tpu.memory_space<vmem>> -> memref<128x64xf32, #tpu.memory_space<vmem>>
    %dma_wait3A_371 = arith.constant 0 : i32
    %dma_wait3A_372 = tpu.memref_slice %arg4[%add3A_260, %dma_wait3A_371] : memref<65536x64xf32, #tpu.memory_space<hbm>> -> memref<128x64xf32, #tpu.memory_space<hbm>>
    %dma_wait3A_373 = arith.constant 0 : i32
    %dma_wait3A_374 = tpu.memref_slice %arg4[%add3A_260, %dma_wait3A_373] : memref<65536x64xf32, #tpu.memory_space<hbm>> -> memref<128x64xf32, #tpu.memory_space<hbm>>
    %dma_wait3A_375 = arith.constant 0 : i32
    %dma_wait3A_376 = arith.constant 0 : i32
    %dma_wait3A_377 = tpu.memref_slice %arg6[%dma_wait3A_366, %dma_wait3A_375, %dma_wait3A_376] : memref<2x128x64xf32, #tpu.memory_space<vmem>> -> memref<1x128x64xf32, #tpu.memory_space<vmem>>
    %dma_wait3A_378 = tpu.memref_squeeze %dma_wait3A_377 : memref<1x128x64xf32, #tpu.memory_space<vmem>> -> memref<128x64xf32, #tpu.memory_space<vmem>>
    tpu.wait_dma2 semaphore(%arg12 : memref<!tpu.dma_semaphore, #tpu.memory_space<semaphore_mem>>) src(%dma_wait3A_378 : memref<128x64xf32, #tpu.memory_space<vmem>>) dst(%dma_wait3A_374 : memref<128x64xf32, #tpu.memory_space<hbm>>)
    %dma_start3A_379 = arith.constant 1 : i32
    %dma_start3A_380 = arith.constant 1 : i32
    %dma_start3A_381 = arith.constant 0 : i32
    %dma_start3A_382 = arith.constant 0 : i32
    %dma_start3A_383 = tpu.memref_slice %arg6[%dma_start3A_380, %dma_start3A_381, %dma_start3A_382] : memref<2x128x64xf32, #tpu.memory_space<vmem>> -> memref<1x128x64xf32, #tpu.memory_space<vmem>>
    %dma_start3A_384 = tpu.memref_squeeze %dma_start3A_383 : memref<1x128x64xf32, #tpu.memory_space<vmem>> -> memref<128x64xf32, #tpu.memory_space<vmem>>
    %dma_start3A_385 = arith.constant 0 : i32
    %dma_start3A_386 = tpu.memref_slice %arg5[%dma_start3A_379, %dma_start3A_385] : memref<2x128xi32, #tpu.memory_space<vmem>> -> memref<1x128xi32, #tpu.memory_space<vmem>>
    %dma_start3A_387 = tpu.memref_squeeze %dma_start3A_386 : memref<1x128xi32, #tpu.memory_space<vmem>> -> memref<128xi32, #tpu.memory_space<vmem>>
    %dma_start3A_388 = arith.constant 0 : i32
    %dma_start3A_389 = arith.constant 0 : i32
    %dma_start3A_390 = tpu.memref_slice %arg2[%dma_start3A_388, %dma_start3A_389] : memref<8192x64xf32, #tpu.memory_space<hbm>> -> memref<8192x64xf32, #tpu.memory_space<hbm>>
    tpu.enqueue_indirect_dma source(%dma_start3A_390 : memref<8192x64xf32, #tpu.memory_space<hbm>>) target(%dma_start3A_384 : memref<128x64xf32, #tpu.memory_space<vmem>>) offsets(%dma_start3A_387 : memref<128xi32, #tpu.memory_space<vmem>>) semaphore(%arg10 : memref<!tpu.dma_semaphore, #tpu.memory_space<semaphore_mem>>)
    %dma_wait3A_391 = arith.constant 1 : i32
    %dma_wait3A_392 = arith.constant 1 : i32
    %dma_wait3A_393 = arith.constant 0 : i32
    %dma_wait3A_394 = arith.constant 0 : i32
    %dma_wait3A_395 = tpu.memref_slice %arg6[%dma_wait3A_392, %dma_wait3A_393, %dma_wait3A_394] : memref<2x128x64xf32, #tpu.memory_space<vmem>> -> memref<1x128x64xf32, #tpu.memory_space<vmem>>
    %dma_wait3A_396 = tpu.memref_squeeze %dma_wait3A_395 : memref<1x128x64xf32, #tpu.memory_space<vmem>> -> memref<128x64xf32, #tpu.memory_space<vmem>>
    %dma_wait3A_397 = arith.constant 0 : i32
    %dma_wait3A_398 = tpu.memref_slice %arg5[%dma_wait3A_391, %dma_wait3A_397] : memref<2x128xi32, #tpu.memory_space<vmem>> -> memref<1x128xi32, #tpu.memory_space<vmem>>
    %dma_wait3A_399 = tpu.memref_squeeze %dma_wait3A_398 : memref<1x128xi32, #tpu.memory_space<vmem>> -> memref<128xi32, #tpu.memory_space<vmem>>
    %dma_wait3A_400 = arith.constant 0 : i32
    %dma_wait3A_401 = arith.constant 0 : i32
    %dma_wait3A_402 = tpu.memref_slice %arg2[%dma_wait3A_400, %dma_wait3A_401] : memref<8192x64xf32, #tpu.memory_space<hbm>> -> memref<8192x64xf32, #tpu.memory_space<hbm>>
    tpu.wait_indirect_dma semaphore(%arg10 : memref<!tpu.dma_semaphore, #tpu.memory_space<semaphore_mem>>) src(%dma_wait3A_402 : memref<8192x64xf32, #tpu.memory_space<hbm>>) dst(%dma_wait3A_396 : memref<128x64xf32, #tpu.memory_space<vmem>>)
    %add3A_403 = arith.constant 640 : i32
    %add3A_404 = arith.addi %mul3A_2, %add3A_403 : i32
    %dma_start3A_405 = arith.constant 1 : i32
    %dma_start3A_406 = arith.constant 0 : i32
    %dma_start3A_407 = arith.constant 0 : i32
    %dma_start3A_408 = tpu.memref_slice %arg6[%dma_start3A_405, %dma_start3A_406, %dma_start3A_407] : memref<2x128x64xf32, #tpu.memory_space<vmem>> -> memref<1x128x64xf32, #tpu.memory_space<vmem>>
    %dma_start3A_409 = tpu.memref_squeeze %dma_start3A_408 : memref<1x128x64xf32, #tpu.memory_space<vmem>> -> memref<128x64xf32, #tpu.memory_space<vmem>>
    %dma_start3A_410 = arith.constant 0 : i32
    %dma_start3A_411 = tpu.memref_slice %arg4[%add3A_404, %dma_start3A_410] : memref<65536x64xf32, #tpu.memory_space<hbm>> -> memref<128x64xf32, #tpu.memory_space<hbm>>
    %dma_start3A_412 = arith.constant 0 : i32
    %dma_start3A_413 = tpu.memref_slice %arg4[%add3A_404, %dma_start3A_412] : memref<65536x64xf32, #tpu.memory_space<hbm>> -> memref<128x64xf32, #tpu.memory_space<hbm>>
    %dma_start3A_414 = arith.constant 0 : i32
    %dma_start3A_415 = arith.constant 0 : i32
    %dma_start3A_416 = tpu.memref_slice %arg6[%dma_start3A_405, %dma_start3A_414, %dma_start3A_415] : memref<2x128x64xf32, #tpu.memory_space<vmem>> -> memref<1x128x64xf32, #tpu.memory_space<vmem>>
    %dma_start3A_417 = tpu.memref_squeeze %dma_start3A_416 : memref<1x128x64xf32, #tpu.memory_space<vmem>> -> memref<128x64xf32, #tpu.memory_space<vmem>>
    tpu.enqueue_dma source(%dma_start3A_417 : memref<128x64xf32, #tpu.memory_space<vmem>>) target(%dma_start3A_413 : memref<128x64xf32, #tpu.memory_space<hbm>>) target_semaphore(%arg12 : memref<!tpu.dma_semaphore, #tpu.memory_space<semaphore_mem>>)
    %add3A_418 = arith.constant 896 : i32
    %add3A_419 = arith.addi %mul3A_2, %add3A_418 : i32
    %dma_start3A_420 = arith.constant 1 : i32
    %dma_start3A_421 = arith.constant 0 : i32
    %dma_start3A_422 = tpu.memref_slice %arg5[%dma_start3A_420, %dma_start3A_421] : memref<2x128xi32, #tpu.memory_space<vmem>> -> memref<1x128xi32, #tpu.memory_space<vmem>>
    %dma_start3A_423 = tpu.memref_squeeze %dma_start3A_422 : memref<1x128xi32, #tpu.memory_space<vmem>> -> memref<128xi32, #tpu.memory_space<vmem>>
    %dma_start3A_424 = tpu.memref_slice %arg3[%add3A_419] : memref<65536xi32, #tpu.memory_space<hbm>> -> memref<128xi32, #tpu.memory_space<hbm>>
    %dma_start3A_425 = arith.constant 0 : i32
    %dma_start3A_426 = tpu.memref_slice %arg5[%dma_start3A_420, %dma_start3A_425] : memref<2x128xi32, #tpu.memory_space<vmem>> -> memref<1x128xi32, #tpu.memory_space<vmem>>
    %dma_start3A_427 = tpu.memref_squeeze %dma_start3A_426 : memref<1x128xi32, #tpu.memory_space<vmem>> -> memref<128xi32, #tpu.memory_space<vmem>>
    %dma_start3A_428 = tpu.memref_slice %arg3[%add3A_419] : memref<65536xi32, #tpu.memory_space<hbm>> -> memref<128xi32, #tpu.memory_space<hbm>>
    tpu.enqueue_dma source(%dma_start3A_428 : memref<128xi32, #tpu.memory_space<hbm>>) target(%dma_start3A_427 : memref<128xi32, #tpu.memory_space<vmem>>) target_semaphore(%arg8 : memref<!tpu.dma_semaphore, #tpu.memory_space<semaphore_mem>>)
    %dma_wait3A_429 = arith.constant 0 : i32
    %dma_wait3A_430 = arith.constant 0 : i32
    %dma_wait3A_431 = tpu.memref_slice %arg5[%dma_wait3A_429, %dma_wait3A_430] : memref<2x128xi32, #tpu.memory_space<vmem>> -> memref<1x128xi32, #tpu.memory_space<vmem>>
    %dma_wait3A_432 = tpu.memref_squeeze %dma_wait3A_431 : memref<1x128xi32, #tpu.memory_space<vmem>> -> memref<128xi32, #tpu.memory_space<vmem>>
    %dma_wait3A_433 = tpu.memref_slice %arg3[%add3A_347] : memref<65536xi32, #tpu.memory_space<hbm>> -> memref<128xi32, #tpu.memory_space<hbm>>
    %dma_wait3A_434 = arith.constant 0 : i32
    %dma_wait3A_435 = tpu.memref_slice %arg5[%dma_wait3A_429, %dma_wait3A_434] : memref<2x128xi32, #tpu.memory_space<vmem>> -> memref<1x128xi32, #tpu.memory_space<vmem>>
    %dma_wait3A_436 = tpu.memref_squeeze %dma_wait3A_435 : memref<1x128xi32, #tpu.memory_space<vmem>> -> memref<128xi32, #tpu.memory_space<vmem>>
    %dma_wait3A_437 = tpu.memref_slice %arg3[%add3A_347] : memref<65536xi32, #tpu.memory_space<hbm>> -> memref<128xi32, #tpu.memory_space<hbm>>
    tpu.wait_dma2 semaphore(%arg7 : memref<!tpu.dma_semaphore, #tpu.memory_space<semaphore_mem>>) src(%dma_wait3A_437 : memref<128xi32, #tpu.memory_space<hbm>>) dst(%dma_wait3A_436 : memref<128xi32, #tpu.memory_space<vmem>>)
    %dma_wait3A_438 = arith.constant 0 : i32
    %dma_wait3A_439 = arith.constant 0 : i32
    %dma_wait3A_440 = arith.constant 0 : i32
    %dma_wait3A_441 = tpu.memref_slice %arg6[%dma_wait3A_438, %dma_wait3A_439, %dma_wait3A_440] : memref<2x128x64xf32, #tpu.memory_space<vmem>> -> memref<1x128x64xf32, #tpu.memory_space<vmem>>
    %dma_wait3A_442 = tpu.memref_squeeze %dma_wait3A_441 : memref<1x128x64xf32, #tpu.memory_space<vmem>> -> memref<128x64xf32, #tpu.memory_space<vmem>>
    %dma_wait3A_443 = arith.constant 0 : i32
    %dma_wait3A_444 = tpu.memref_slice %arg4[%add3A_332, %dma_wait3A_443] : memref<65536x64xf32, #tpu.memory_space<hbm>> -> memref<128x64xf32, #tpu.memory_space<hbm>>
    %dma_wait3A_445 = arith.constant 0 : i32
    %dma_wait3A_446 = tpu.memref_slice %arg4[%add3A_332, %dma_wait3A_445] : memref<65536x64xf32, #tpu.memory_space<hbm>> -> memref<128x64xf32, #tpu.memory_space<hbm>>
    %dma_wait3A_447 = arith.constant 0 : i32
    %dma_wait3A_448 = arith.constant 0 : i32
    %dma_wait3A_449 = tpu.memref_slice %arg6[%dma_wait3A_438, %dma_wait3A_447, %dma_wait3A_448] : memref<2x128x64xf32, #tpu.memory_space<vmem>> -> memref<1x128x64xf32, #tpu.memory_space<vmem>>
    %dma_wait3A_450 = tpu.memref_squeeze %dma_wait3A_449 : memref<1x128x64xf32, #tpu.memory_space<vmem>> -> memref<128x64xf32, #tpu.memory_space<vmem>>
    tpu.wait_dma2 semaphore(%arg11 : memref<!tpu.dma_semaphore, #tpu.memory_space<semaphore_mem>>) src(%dma_wait3A_450 : memref<128x64xf32, #tpu.memory_space<vmem>>) dst(%dma_wait3A_446 : memref<128x64xf32, #tpu.memory_space<hbm>>)
    %dma_start3A_451 = arith.constant 0 : i32
    %dma_start3A_452 = arith.constant 0 : i32
    %dma_start3A_453 = arith.constant 0 : i32
    %dma_start3A_454 = arith.constant 0 : i32
    %dma_start3A_455 = tpu.memref_slice %arg6[%dma_start3A_452, %dma_start3A_453, %dma_start3A_454] : memref<2x128x64xf32, #tpu.memory_space<vmem>> -> memref<1x128x64xf32, #tpu.memory_space<vmem>>
    %dma_start3A_456 = tpu.memref_squeeze %dma_start3A_455 : memref<1x128x64xf32, #tpu.memory_space<vmem>> -> memref<128x64xf32, #tpu.memory_space<vmem>>
    %dma_start3A_457 = arith.constant 0 : i32
    %dma_start3A_458 = tpu.memref_slice %arg5[%dma_start3A_451, %dma_start3A_457] : memref<2x128xi32, #tpu.memory_space<vmem>> -> memref<1x128xi32, #tpu.memory_space<vmem>>
    %dma_start3A_459 = tpu.memref_squeeze %dma_start3A_458 : memref<1x128xi32, #tpu.memory_space<vmem>> -> memref<128xi32, #tpu.memory_space<vmem>>
    %dma_start3A_460 = arith.constant 0 : i32
    %dma_start3A_461 = arith.constant 0 : i32
    %dma_start3A_462 = tpu.memref_slice %arg2[%dma_start3A_460, %dma_start3A_461] : memref<8192x64xf32, #tpu.memory_space<hbm>> -> memref<8192x64xf32, #tpu.memory_space<hbm>>
    tpu.enqueue_indirect_dma source(%dma_start3A_462 : memref<8192x64xf32, #tpu.memory_space<hbm>>) target(%dma_start3A_456 : memref<128x64xf32, #tpu.memory_space<vmem>>) offsets(%dma_start3A_459 : memref<128xi32, #tpu.memory_space<vmem>>) semaphore(%arg9 : memref<!tpu.dma_semaphore, #tpu.memory_space<semaphore_mem>>)
    %dma_wait3A_463 = arith.constant 0 : i32
    %dma_wait3A_464 = arith.constant 0 : i32
    %dma_wait3A_465 = arith.constant 0 : i32
    %dma_wait3A_466 = arith.constant 0 : i32
    %dma_wait3A_467 = tpu.memref_slice %arg6[%dma_wait3A_464, %dma_wait3A_465, %dma_wait3A_466] : memref<2x128x64xf32, #tpu.memory_space<vmem>> -> memref<1x128x64xf32, #tpu.memory_space<vmem>>
    %dma_wait3A_468 = tpu.memref_squeeze %dma_wait3A_467 : memref<1x128x64xf32, #tpu.memory_space<vmem>> -> memref<128x64xf32, #tpu.memory_space<vmem>>
    %dma_wait3A_469 = arith.constant 0 : i32
    %dma_wait3A_470 = tpu.memref_slice %arg5[%dma_wait3A_463, %dma_wait3A_469] : memref<2x128xi32, #tpu.memory_space<vmem>> -> memref<1x128xi32, #tpu.memory_space<vmem>>
    %dma_wait3A_471 = tpu.memref_squeeze %dma_wait3A_470 : memref<1x128xi32, #tpu.memory_space<vmem>> -> memref<128xi32, #tpu.memory_space<vmem>>
    %dma_wait3A_472 = arith.constant 0 : i32
    %dma_wait3A_473 = arith.constant 0 : i32
    %dma_wait3A_474 = tpu.memref_slice %arg2[%dma_wait3A_472, %dma_wait3A_473] : memref<8192x64xf32, #tpu.memory_space<hbm>> -> memref<8192x64xf32, #tpu.memory_space<hbm>>
    tpu.wait_indirect_dma semaphore(%arg9 : memref<!tpu.dma_semaphore, #tpu.memory_space<semaphore_mem>>) src(%dma_wait3A_474 : memref<8192x64xf32, #tpu.memory_space<hbm>>) dst(%dma_wait3A_468 : memref<128x64xf32, #tpu.memory_space<vmem>>)
    %add3A_475 = arith.constant 768 : i32
    %add3A_476 = arith.addi %mul3A_2, %add3A_475 : i32
    %dma_start3A_477 = arith.constant 0 : i32
    %dma_start3A_478 = arith.constant 0 : i32
    %dma_start3A_479 = arith.constant 0 : i32
    %dma_start3A_480 = tpu.memref_slice %arg6[%dma_start3A_477, %dma_start3A_478, %dma_start3A_479] : memref<2x128x64xf32, #tpu.memory_space<vmem>> -> memref<1x128x64xf32, #tpu.memory_space<vmem>>
    %dma_start3A_481 = tpu.memref_squeeze %dma_start3A_480 : memref<1x128x64xf32, #tpu.memory_space<vmem>> -> memref<128x64xf32, #tpu.memory_space<vmem>>
    %dma_start3A_482 = arith.constant 0 : i32
    %dma_start3A_483 = tpu.memref_slice %arg4[%add3A_476, %dma_start3A_482] : memref<65536x64xf32, #tpu.memory_space<hbm>> -> memref<128x64xf32, #tpu.memory_space<hbm>>
    %dma_start3A_484 = arith.constant 0 : i32
    %dma_start3A_485 = tpu.memref_slice %arg4[%add3A_476, %dma_start3A_484] : memref<65536x64xf32, #tpu.memory_space<hbm>> -> memref<128x64xf32, #tpu.memory_space<hbm>>
    %dma_start3A_486 = arith.constant 0 : i32
    %dma_start3A_487 = arith.constant 0 : i32
    %dma_start3A_488 = tpu.memref_slice %arg6[%dma_start3A_477, %dma_start3A_486, %dma_start3A_487] : memref<2x128x64xf32, #tpu.memory_space<vmem>> -> memref<1x128x64xf32, #tpu.memory_space<vmem>>
    %dma_start3A_489 = tpu.memref_squeeze %dma_start3A_488 : memref<1x128x64xf32, #tpu.memory_space<vmem>> -> memref<128x64xf32, #tpu.memory_space<vmem>>
    tpu.enqueue_dma source(%dma_start3A_489 : memref<128x64xf32, #tpu.memory_space<vmem>>) target(%dma_start3A_485 : memref<128x64xf32, #tpu.memory_space<hbm>>) target_semaphore(%arg11 : memref<!tpu.dma_semaphore, #tpu.memory_space<semaphore_mem>>)
    %add3A_490 = arith.constant 1024 : i32
    %add3A_491 = arith.addi %mul3A_2, %add3A_490 : i32
    %dma_start3A_492 = arith.constant 0 : i32
    %dma_start3A_493 = arith.constant 0 : i32
    %dma_start3A_494 = tpu.memref_slice %arg5[%dma_start3A_492, %dma_start3A_493] : memref<2x128xi32, #tpu.memory_space<vmem>> -> memref<1x128xi32, #tpu.memory_space<vmem>>
    %dma_start3A_495 = tpu.memref_squeeze %dma_start3A_494 : memref<1x128xi32, #tpu.memory_space<vmem>> -> memref<128xi32, #tpu.memory_space<vmem>>
    %dma_start3A_496 = tpu.memref_slice %arg3[%add3A_491] : memref<65536xi32, #tpu.memory_space<hbm>> -> memref<128xi32, #tpu.memory_space<hbm>>
    %dma_start3A_497 = arith.constant 0 : i32
    %dma_start3A_498 = tpu.memref_slice %arg5[%dma_start3A_492, %dma_start3A_497] : memref<2x128xi32, #tpu.memory_space<vmem>> -> memref<1x128xi32, #tpu.memory_space<vmem>>
    %dma_start3A_499 = tpu.memref_squeeze %dma_start3A_498 : memref<1x128xi32, #tpu.memory_space<vmem>> -> memref<128xi32, #tpu.memory_space<vmem>>
    %dma_start3A_500 = tpu.memref_slice %arg3[%add3A_491] : memref<65536xi32, #tpu.memory_space<hbm>> -> memref<128xi32, #tpu.memory_space<hbm>>
    tpu.enqueue_dma source(%dma_start3A_500 : memref<128xi32, #tpu.memory_space<hbm>>) target(%dma_start3A_499 : memref<128xi32, #tpu.memory_space<vmem>>) target_semaphore(%arg7 : memref<!tpu.dma_semaphore, #tpu.memory_space<semaphore_mem>>)
    %dma_wait3A_501 = arith.constant 1 : i32
    %dma_wait3A_502 = arith.constant 0 : i32
    %dma_wait3A_503 = tpu.memref_slice %arg5[%dma_wait3A_501, %dma_wait3A_502] : memref<2x128xi32, #tpu.memory_space<vmem>> -> memref<1x128xi32, #tpu.memory_space<vmem>>
    %dma_wait3A_504 = tpu.memref_squeeze %dma_wait3A_503 : memref<1x128xi32, #tpu.memory_space<vmem>> -> memref<128xi32, #tpu.memory_space<vmem>>
    %dma_wait3A_505 = tpu.memref_slice %arg3[%add3A_419] : memref<65536xi32, #tpu.memory_space<hbm>> -> memref<128xi32, #tpu.memory_space<hbm>>
    %dma_wait3A_506 = arith.constant 0 : i32
    %dma_wait3A_507 = tpu.memref_slice %arg5[%dma_wait3A_501, %dma_wait3A_506] : memref<2x128xi32, #tpu.memory_space<vmem>> -> memref<1x128xi32, #tpu.memory_space<vmem>>
    %dma_wait3A_508 = tpu.memref_squeeze %dma_wait3A_507 : memref<1x128xi32, #tpu.memory_space<vmem>> -> memref<128xi32, #tpu.memory_space<vmem>>
    %dma_wait3A_509 = tpu.memref_slice %arg3[%add3A_419] : memref<65536xi32, #tpu.memory_space<hbm>> -> memref<128xi32, #tpu.memory_space<hbm>>
    tpu.wait_dma2 semaphore(%arg8 : memref<!tpu.dma_semaphore, #tpu.memory_space<semaphore_mem>>) src(%dma_wait3A_509 : memref<128xi32, #tpu.memory_space<hbm>>) dst(%dma_wait3A_508 : memref<128xi32, #tpu.memory_space<vmem>>)
    %dma_wait3A_510 = arith.constant 1 : i32
    %dma_wait3A_511 = arith.constant 0 : i32
    %dma_wait3A_512 = arith.constant 0 : i32
    %dma_wait3A_513 = tpu.memref_slice %arg6[%dma_wait3A_510, %dma_wait3A_511, %dma_wait3A_512] : memref<2x128x64xf32, #tpu.memory_space<vmem>> -> memref<1x128x64xf32, #tpu.memory_space<vmem>>
    %dma_wait3A_514 = tpu.memref_squeeze %dma_wait3A_513 : memref<1x128x64xf32, #tpu.memory_space<vmem>> -> memref<128x64xf32, #tpu.memory_space<vmem>>
    %dma_wait3A_515 = arith.constant 0 : i32
    %dma_wait3A_516 = tpu.memref_slice %arg4[%add3A_404, %dma_wait3A_515] : memref<65536x64xf32, #tpu.memory_space<hbm>> -> memref<128x64xf32, #tpu.memory_space<hbm>>
    %dma_wait3A_517 = arith.constant 0 : i32
    %dma_wait3A_518 = tpu.memref_slice %arg4[%add3A_404, %dma_wait3A_517] : memref<65536x64xf32, #tpu.memory_space<hbm>> -> memref<128x64xf32, #tpu.memory_space<hbm>>
    %dma_wait3A_519 = arith.constant 0 : i32
    %dma_wait3A_520 = arith.constant 0 : i32
    %dma_wait3A_521 = tpu.memref_slice %arg6[%dma_wait3A_510, %dma_wait3A_519, %dma_wait3A_520] : memref<2x128x64xf32, #tpu.memory_space<vmem>> -> memref<1x128x64xf32, #tpu.memory_space<vmem>>
    %dma_wait3A_522 = tpu.memref_squeeze %dma_wait3A_521 : memref<1x128x64xf32, #tpu.memory_space<vmem>> -> memref<128x64xf32, #tpu.memory_space<vmem>>
    tpu.wait_dma2 semaphore(%arg12 : memref<!tpu.dma_semaphore, #tpu.memory_space<semaphore_mem>>) src(%dma_wait3A_522 : memref<128x64xf32, #tpu.memory_space<vmem>>) dst(%dma_wait3A_518 : memref<128x64xf32, #tpu.memory_space<hbm>>)
    %dma_start3A_523 = arith.constant 1 : i32
    %dma_start3A_524 = arith.constant 1 : i32
    %dma_start3A_525 = arith.constant 0 : i32
    %dma_start3A_526 = arith.constant 0 : i32
    %dma_start3A_527 = tpu.memref_slice %arg6[%dma_start3A_524, %dma_start3A_525, %dma_start3A_526] : memref<2x128x64xf32, #tpu.memory_space<vmem>> -> memref<1x128x64xf32, #tpu.memory_space<vmem>>
    %dma_start3A_528 = tpu.memref_squeeze %dma_start3A_527 : memref<1x128x64xf32, #tpu.memory_space<vmem>> -> memref<128x64xf32, #tpu.memory_space<vmem>>
    %dma_start3A_529 = arith.constant 0 : i32
    %dma_start3A_530 = tpu.memref_slice %arg5[%dma_start3A_523, %dma_start3A_529] : memref<2x128xi32, #tpu.memory_space<vmem>> -> memref<1x128xi32, #tpu.memory_space<vmem>>
    %dma_start3A_531 = tpu.memref_squeeze %dma_start3A_530 : memref<1x128xi32, #tpu.memory_space<vmem>> -> memref<128xi32, #tpu.memory_space<vmem>>
    %dma_start3A_532 = arith.constant 0 : i32
    %dma_start3A_533 = arith.constant 0 : i32
    %dma_start3A_534 = tpu.memref_slice %arg2[%dma_start3A_532, %dma_start3A_533] : memref<8192x64xf32, #tpu.memory_space<hbm>> -> memref<8192x64xf32, #tpu.memory_space<hbm>>
    tpu.enqueue_indirect_dma source(%dma_start3A_534 : memref<8192x64xf32, #tpu.memory_space<hbm>>) target(%dma_start3A_528 : memref<128x64xf32, #tpu.memory_space<vmem>>) offsets(%dma_start3A_531 : memref<128xi32, #tpu.memory_space<vmem>>) semaphore(%arg10 : memref<!tpu.dma_semaphore, #tpu.memory_space<semaphore_mem>>)
    %dma_wait3A_535 = arith.constant 1 : i32
    %dma_wait3A_536 = arith.constant 1 : i32
    %dma_wait3A_537 = arith.constant 0 : i32
    %dma_wait3A_538 = arith.constant 0 : i32
    %dma_wait3A_539 = tpu.memref_slice %arg6[%dma_wait3A_536, %dma_wait3A_537, %dma_wait3A_538] : memref<2x128x64xf32, #tpu.memory_space<vmem>> -> memref<1x128x64xf32, #tpu.memory_space<vmem>>
    %dma_wait3A_540 = tpu.memref_squeeze %dma_wait3A_539 : memref<1x128x64xf32, #tpu.memory_space<vmem>> -> memref<128x64xf32, #tpu.memory_space<vmem>>
    %dma_wait3A_541 = arith.constant 0 : i32
    %dma_wait3A_542 = tpu.memref_slice %arg5[%dma_wait3A_535, %dma_wait3A_541] : memref<2x128xi32, #tpu.memory_space<vmem>> -> memref<1x128xi32, #tpu.memory_space<vmem>>
    %dma_wait3A_543 = tpu.memref_squeeze %dma_wait3A_542 : memref<1x128xi32, #tpu.memory_space<vmem>> -> memref<128xi32, #tpu.memory_space<vmem>>
    %dma_wait3A_544 = arith.constant 0 : i32
    %dma_wait3A_545 = arith.constant 0 : i32
    %dma_wait3A_546 = tpu.memref_slice %arg2[%dma_wait3A_544, %dma_wait3A_545] : memref<8192x64xf32, #tpu.memory_space<hbm>> -> memref<8192x64xf32, #tpu.memory_space<hbm>>
    tpu.wait_indirect_dma semaphore(%arg10 : memref<!tpu.dma_semaphore, #tpu.memory_space<semaphore_mem>>) src(%dma_wait3A_546 : memref<8192x64xf32, #tpu.memory_space<hbm>>) dst(%dma_wait3A_540 : memref<128x64xf32, #tpu.memory_space<vmem>>)
    %add3A_547 = arith.constant 896 : i32
    %add3A_548 = arith.addi %mul3A_2, %add3A_547 : i32
    %dma_start3A_549 = arith.constant 1 : i32
    %dma_start3A_550 = arith.constant 0 : i32
    %dma_start3A_551 = arith.constant 0 : i32
    %dma_start3A_552 = tpu.memref_slice %arg6[%dma_start3A_549, %dma_start3A_550, %dma_start3A_551] : memref<2x128x64xf32, #tpu.memory_space<vmem>> -> memref<1x128x64xf32, #tpu.memory_space<vmem>>
    %dma_start3A_553 = tpu.memref_squeeze %dma_start3A_552 : memref<1x128x64xf32, #tpu.memory_space<vmem>> -> memref<128x64xf32, #tpu.memory_space<vmem>>
    %dma_start3A_554 = arith.constant 0 : i32
    %dma_start3A_555 = tpu.memref_slice %arg4[%add3A_548, %dma_start3A_554] : memref<65536x64xf32, #tpu.memory_space<hbm>> -> memref<128x64xf32, #tpu.memory_space<hbm>>
    %dma_start3A_556 = arith.constant 0 : i32
    %dma_start3A_557 = tpu.memref_slice %arg4[%add3A_548, %dma_start3A_556] : memref<65536x64xf32, #tpu.memory_space<hbm>> -> memref<128x64xf32, #tpu.memory_space<hbm>>
    %dma_start3A_558 = arith.constant 0 : i32
    %dma_start3A_559 = arith.constant 0 : i32
    %dma_start3A_560 = tpu.memref_slice %arg6[%dma_start3A_549, %dma_start3A_558, %dma_start3A_559] : memref<2x128x64xf32, #tpu.memory_space<vmem>> -> memref<1x128x64xf32, #tpu.memory_space<vmem>>
    %dma_start3A_561 = tpu.memref_squeeze %dma_start3A_560 : memref<1x128x64xf32, #tpu.memory_space<vmem>> -> memref<128x64xf32, #tpu.memory_space<vmem>>
    tpu.enqueue_dma source(%dma_start3A_561 : memref<128x64xf32, #tpu.memory_space<vmem>>) target(%dma_start3A_557 : memref<128x64xf32, #tpu.memory_space<hbm>>) target_semaphore(%arg12 : memref<!tpu.dma_semaphore, #tpu.memory_space<semaphore_mem>>)
    %add3A_562 = arith.constant 1152 : i32
    %add3A_563 = arith.addi %mul3A_2, %add3A_562 : i32
    %dma_start3A_564 = arith.constant 1 : i32
    %dma_start3A_565 = arith.constant 0 : i32
    %dma_start3A_566 = tpu.memref_slice %arg5[%dma_start3A_564, %dma_start3A_565] : memref<2x128xi32, #tpu.memory_space<vmem>> -> memref<1x128xi32, #tpu.memory_space<vmem>>
    %dma_start3A_567 = tpu.memref_squeeze %dma_start3A_566 : memref<1x128xi32, #tpu.memory_space<vmem>> -> memref<128xi32, #tpu.memory_space<vmem>>
    %dma_start3A_568 = tpu.memref_slice %arg3[%add3A_563] : memref<65536xi32, #tpu.memory_space<hbm>> -> memref<128xi32, #tpu.memory_space<hbm>>
    %dma_start3A_569 = arith.constant 0 : i32
    %dma_start3A_570 = tpu.memref_slice %arg5[%dma_start3A_564, %dma_start3A_569] : memref<2x128xi32, #tpu.memory_space<vmem>> -> memref<1x128xi32, #tpu.memory_space<vmem>>
    %dma_start3A_571 = tpu.memref_squeeze %dma_start3A_570 : memref<1x128xi32, #tpu.memory_space<vmem>> -> memref<128xi32, #tpu.memory_space<vmem>>
    %dma_start3A_572 = tpu.memref_slice %arg3[%add3A_563] : memref<65536xi32, #tpu.memory_space<hbm>> -> memref<128xi32, #tpu.memory_space<hbm>>
    tpu.enqueue_dma source(%dma_start3A_572 : memref<128xi32, #tpu.memory_space<hbm>>) target(%dma_start3A_571 : memref<128xi32, #tpu.memory_space<vmem>>) target_semaphore(%arg8 : memref<!tpu.dma_semaphore, #tpu.memory_space<semaphore_mem>>)
    %dma_wait3A_573 = arith.constant 0 : i32
    %dma_wait3A_574 = arith.constant 0 : i32
    %dma_wait3A_575 = tpu.memref_slice %arg5[%dma_wait3A_573, %dma_wait3A_574] : memref<2x128xi32, #tpu.memory_space<vmem>> -> memref<1x128xi32, #tpu.memory_space<vmem>>
    %dma_wait3A_576 = tpu.memref_squeeze %dma_wait3A_575 : memref<1x128xi32, #tpu.memory_space<vmem>> -> memref<128xi32, #tpu.memory_space<vmem>>
    %dma_wait3A_577 = tpu.memref_slice %arg3[%add3A_491] : memref<65536xi32, #tpu.memory_space<hbm>> -> memref<128xi32, #tpu.memory_space<hbm>>
    %dma_wait3A_578 = arith.constant 0 : i32
    %dma_wait3A_579 = tpu.memref_slice %arg5[%dma_wait3A_573, %dma_wait3A_578] : memref<2x128xi32, #tpu.memory_space<vmem>> -> memref<1x128xi32, #tpu.memory_space<vmem>>
    %dma_wait3A_580 = tpu.memref_squeeze %dma_wait3A_579 : memref<1x128xi32, #tpu.memory_space<vmem>> -> memref<128xi32, #tpu.memory_space<vmem>>
    %dma_wait3A_581 = tpu.memref_slice %arg3[%add3A_491] : memref<65536xi32, #tpu.memory_space<hbm>> -> memref<128xi32, #tpu.memory_space<hbm>>
    tpu.wait_dma2 semaphore(%arg7 : memref<!tpu.dma_semaphore, #tpu.memory_space<semaphore_mem>>) src(%dma_wait3A_581 : memref<128xi32, #tpu.memory_space<hbm>>) dst(%dma_wait3A_580 : memref<128xi32, #tpu.memory_space<vmem>>)
    %dma_wait3A_582 = arith.constant 0 : i32
    %dma_wait3A_583 = arith.constant 0 : i32
    %dma_wait3A_584 = arith.constant 0 : i32
    %dma_wait3A_585 = tpu.memref_slice %arg6[%dma_wait3A_582, %dma_wait3A_583, %dma_wait3A_584] : memref<2x128x64xf32, #tpu.memory_space<vmem>> -> memref<1x128x64xf32, #tpu.memory_space<vmem>>
    %dma_wait3A_586 = tpu.memref_squeeze %dma_wait3A_585 : memref<1x128x64xf32, #tpu.memory_space<vmem>> -> memref<128x64xf32, #tpu.memory_space<vmem>>
    %dma_wait3A_587 = arith.constant 0 : i32
    %dma_wait3A_588 = tpu.memref_slice %arg4[%add3A_476, %dma_wait3A_587] : memref<65536x64xf32, #tpu.memory_space<hbm>> -> memref<128x64xf32, #tpu.memory_space<hbm>>
    %dma_wait3A_589 = arith.constant 0 : i32
    %dma_wait3A_590 = tpu.memref_slice %arg4[%add3A_476, %dma_wait3A_589] : memref<65536x64xf32, #tpu.memory_space<hbm>> -> memref<128x64xf32, #tpu.memory_space<hbm>>
    %dma_wait3A_591 = arith.constant 0 : i32
    %dma_wait3A_592 = arith.constant 0 : i32
    %dma_wait3A_593 = tpu.memref_slice %arg6[%dma_wait3A_582, %dma_wait3A_591, %dma_wait3A_592] : memref<2x128x64xf32, #tpu.memory_space<vmem>> -> memref<1x128x64xf32, #tpu.memory_space<vmem>>
    %dma_wait3A_594 = tpu.memref_squeeze %dma_wait3A_593 : memref<1x128x64xf32, #tpu.memory_space<vmem>> -> memref<128x64xf32, #tpu.memory_space<vmem>>
    tpu.wait_dma2 semaphore(%arg11 : memref<!tpu.dma_semaphore, #tpu.memory_space<semaphore_mem>>) src(%dma_wait3A_594 : memref<128x64xf32, #tpu.memory_space<vmem>>) dst(%dma_wait3A_590 : memref<128x64xf32, #tpu.memory_space<hbm>>)
    %dma_start3A_595 = arith.constant 0 : i32
    %dma_start3A_596 = arith.constant 0 : i32
    %dma_start3A_597 = arith.constant 0 : i32
    %dma_start3A_598 = arith.constant 0 : i32
    %dma_start3A_599 = tpu.memref_slice %arg6[%dma_start3A_596, %dma_start3A_597, %dma_start3A_598] : memref<2x128x64xf32, #tpu.memory_space<vmem>> -> memref<1x128x64xf32, #tpu.memory_space<vmem>>
    %dma_start3A_600 = tpu.memref_squeeze %dma_start3A_599 : memref<1x128x64xf32, #tpu.memory_space<vmem>> -> memref<128x64xf32, #tpu.memory_space<vmem>>
    %dma_start3A_601 = arith.constant 0 : i32
    %dma_start3A_602 = tpu.memref_slice %arg5[%dma_start3A_595, %dma_start3A_601] : memref<2x128xi32, #tpu.memory_space<vmem>> -> memref<1x128xi32, #tpu.memory_space<vmem>>
    %dma_start3A_603 = tpu.memref_squeeze %dma_start3A_602 : memref<1x128xi32, #tpu.memory_space<vmem>> -> memref<128xi32, #tpu.memory_space<vmem>>
    %dma_start3A_604 = arith.constant 0 : i32
    %dma_start3A_605 = arith.constant 0 : i32
    %dma_start3A_606 = tpu.memref_slice %arg2[%dma_start3A_604, %dma_start3A_605] : memref<8192x64xf32, #tpu.memory_space<hbm>> -> memref<8192x64xf32, #tpu.memory_space<hbm>>
    tpu.enqueue_indirect_dma source(%dma_start3A_606 : memref<8192x64xf32, #tpu.memory_space<hbm>>) target(%dma_start3A_600 : memref<128x64xf32, #tpu.memory_space<vmem>>) offsets(%dma_start3A_603 : memref<128xi32, #tpu.memory_space<vmem>>) semaphore(%arg9 : memref<!tpu.dma_semaphore, #tpu.memory_space<semaphore_mem>>)
    %dma_wait3A_607 = arith.constant 0 : i32
    %dma_wait3A_608 = arith.constant 0 : i32
    %dma_wait3A_609 = arith.constant 0 : i32
    %dma_wait3A_610 = arith.constant 0 : i32
    %dma_wait3A_611 = tpu.memref_slice %arg6[%dma_wait3A_608, %dma_wait3A_609, %dma_wait3A_610] : memref<2x128x64xf32, #tpu.memory_space<vmem>> -> memref<1x128x64xf32, #tpu.memory_space<vmem>>
    %dma_wait3A_612 = tpu.memref_squeeze %dma_wait3A_611 : memref<1x128x64xf32, #tpu.memory_space<vmem>> -> memref<128x64xf32, #tpu.memory_space<vmem>>
    %dma_wait3A_613 = arith.constant 0 : i32
    %dma_wait3A_614 = tpu.memref_slice %arg5[%dma_wait3A_607, %dma_wait3A_613] : memref<2x128xi32, #tpu.memory_space<vmem>> -> memref<1x128xi32, #tpu.memory_space<vmem>>
    %dma_wait3A_615 = tpu.memref_squeeze %dma_wait3A_614 : memref<1x128xi32, #tpu.memory_space<vmem>> -> memref<128xi32, #tpu.memory_space<vmem>>
    %dma_wait3A_616 = arith.constant 0 : i32
    %dma_wait3A_617 = arith.constant 0 : i32
    %dma_wait3A_618 = tpu.memref_slice %arg2[%dma_wait3A_616, %dma_wait3A_617] : memref<8192x64xf32, #tpu.memory_space<hbm>> -> memref<8192x64xf32, #tpu.memory_space<hbm>>
    tpu.wait_indirect_dma semaphore(%arg9 : memref<!tpu.dma_semaphore, #tpu.memory_space<semaphore_mem>>) src(%dma_wait3A_618 : memref<8192x64xf32, #tpu.memory_space<hbm>>) dst(%dma_wait3A_612 : memref<128x64xf32, #tpu.memory_space<vmem>>)
    %add3A_619 = arith.constant 1024 : i32
    %add3A_620 = arith.addi %mul3A_2, %add3A_619 : i32
    %dma_start3A_621 = arith.constant 0 : i32
    %dma_start3A_622 = arith.constant 0 : i32
    %dma_start3A_623 = arith.constant 0 : i32
    %dma_start3A_624 = tpu.memref_slice %arg6[%dma_start3A_621, %dma_start3A_622, %dma_start3A_623] : memref<2x128x64xf32, #tpu.memory_space<vmem>> -> memref<1x128x64xf32, #tpu.memory_space<vmem>>
    %dma_start3A_625 = tpu.memref_squeeze %dma_start3A_624 : memref<1x128x64xf32, #tpu.memory_space<vmem>> -> memref<128x64xf32, #tpu.memory_space<vmem>>
    %dma_start3A_626 = arith.constant 0 : i32
    %dma_start3A_627 = tpu.memref_slice %arg4[%add3A_620, %dma_start3A_626] : memref<65536x64xf32, #tpu.memory_space<hbm>> -> memref<128x64xf32, #tpu.memory_space<hbm>>
    %dma_start3A_628 = arith.constant 0 : i32
    %dma_start3A_629 = tpu.memref_slice %arg4[%add3A_620, %dma_start3A_628] : memref<65536x64xf32, #tpu.memory_space<hbm>> -> memref<128x64xf32, #tpu.memory_space<hbm>>
    %dma_start3A_630 = arith.constant 0 : i32
    %dma_start3A_631 = arith.constant 0 : i32
    %dma_start3A_632 = tpu.memref_slice %arg6[%dma_start3A_621, %dma_start3A_630, %dma_start3A_631] : memref<2x128x64xf32, #tpu.memory_space<vmem>> -> memref<1x128x64xf32, #tpu.memory_space<vmem>>
    %dma_start3A_633 = tpu.memref_squeeze %dma_start3A_632 : memref<1x128x64xf32, #tpu.memory_space<vmem>> -> memref<128x64xf32, #tpu.memory_space<vmem>>
    tpu.enqueue_dma source(%dma_start3A_633 : memref<128x64xf32, #tpu.memory_space<vmem>>) target(%dma_start3A_629 : memref<128x64xf32, #tpu.memory_space<hbm>>) target_semaphore(%arg11 : memref<!tpu.dma_semaphore, #tpu.memory_space<semaphore_mem>>)
    %add3A_634 = arith.constant 1280 : i32
    %add3A_635 = arith.addi %mul3A_2, %add3A_634 : i32
    %dma_start3A_636 = arith.constant 0 : i32
    %dma_start3A_637 = arith.constant 0 : i32
    %dma_start3A_638 = tpu.memref_slice %arg5[%dma_start3A_636, %dma_start3A_637] : memref<2x128xi32, #tpu.memory_space<vmem>> -> memref<1x128xi32, #tpu.memory_space<vmem>>
    %dma_start3A_639 = tpu.memref_squeeze %dma_start3A_638 : memref<1x128xi32, #tpu.memory_space<vmem>> -> memref<128xi32, #tpu.memory_space<vmem>>
    %dma_start3A_640 = tpu.memref_slice %arg3[%add3A_635] : memref<65536xi32, #tpu.memory_space<hbm>> -> memref<128xi32, #tpu.memory_space<hbm>>
    %dma_start3A_641 = arith.constant 0 : i32
    %dma_start3A_642 = tpu.memref_slice %arg5[%dma_start3A_636, %dma_start3A_641] : memref<2x128xi32, #tpu.memory_space<vmem>> -> memref<1x128xi32, #tpu.memory_space<vmem>>
    %dma_start3A_643 = tpu.memref_squeeze %dma_start3A_642 : memref<1x128xi32, #tpu.memory_space<vmem>> -> memref<128xi32, #tpu.memory_space<vmem>>
    %dma_start3A_644 = tpu.memref_slice %arg3[%add3A_635] : memref<65536xi32, #tpu.memory_space<hbm>> -> memref<128xi32, #tpu.memory_space<hbm>>
    tpu.enqueue_dma source(%dma_start3A_644 : memref<128xi32, #tpu.memory_space<hbm>>) target(%dma_start3A_643 : memref<128xi32, #tpu.memory_space<vmem>>) target_semaphore(%arg7 : memref<!tpu.dma_semaphore, #tpu.memory_space<semaphore_mem>>)
    %dma_wait3A_645 = arith.constant 1 : i32
    %dma_wait3A_646 = arith.constant 0 : i32
    %dma_wait3A_647 = tpu.memref_slice %arg5[%dma_wait3A_645, %dma_wait3A_646] : memref<2x128xi32, #tpu.memory_space<vmem>> -> memref<1x128xi32, #tpu.memory_space<vmem>>
    %dma_wait3A_648 = tpu.memref_squeeze %dma_wait3A_647 : memref<1x128xi32, #tpu.memory_space<vmem>> -> memref<128xi32, #tpu.memory_space<vmem>>
    %dma_wait3A_649 = tpu.memref_slice %arg3[%add3A_563] : memref<65536xi32, #tpu.memory_space<hbm>> -> memref<128xi32, #tpu.memory_space<hbm>>
    %dma_wait3A_650 = arith.constant 0 : i32
    %dma_wait3A_651 = tpu.memref_slice %arg5[%dma_wait3A_645, %dma_wait3A_650] : memref<2x128xi32, #tpu.memory_space<vmem>> -> memref<1x128xi32, #tpu.memory_space<vmem>>
    %dma_wait3A_652 = tpu.memref_squeeze %dma_wait3A_651 : memref<1x128xi32, #tpu.memory_space<vmem>> -> memref<128xi32, #tpu.memory_space<vmem>>
    %dma_wait3A_653 = tpu.memref_slice %arg3[%add3A_563] : memref<65536xi32, #tpu.memory_space<hbm>> -> memref<128xi32, #tpu.memory_space<hbm>>
    tpu.wait_dma2 semaphore(%arg8 : memref<!tpu.dma_semaphore, #tpu.memory_space<semaphore_mem>>) src(%dma_wait3A_653 : memref<128xi32, #tpu.memory_space<hbm>>) dst(%dma_wait3A_652 : memref<128xi32, #tpu.memory_space<vmem>>)
    %dma_wait3A_654 = arith.constant 1 : i32
    %dma_wait3A_655 = arith.constant 0 : i32
    %dma_wait3A_656 = arith.constant 0 : i32
    %dma_wait3A_657 = tpu.memref_slice %arg6[%dma_wait3A_654, %dma_wait3A_655, %dma_wait3A_656] : memref<2x128x64xf32, #tpu.memory_space<vmem>> -> memref<1x128x64xf32, #tpu.memory_space<vmem>>
    %dma_wait3A_658 = tpu.memref_squeeze %dma_wait3A_657 : memref<1x128x64xf32, #tpu.memory_space<vmem>> -> memref<128x64xf32, #tpu.memory_space<vmem>>
    %dma_wait3A_659 = arith.constant 0 : i32
    %dma_wait3A_660 = tpu.memref_slice %arg4[%add3A_548, %dma_wait3A_659] : memref<65536x64xf32, #tpu.memory_space<hbm>> -> memref<128x64xf32, #tpu.memory_space<hbm>>
    %dma_wait3A_661 = arith.constant 0 : i32
    %dma_wait3A_662 = tpu.memref_slice %arg4[%add3A_548, %dma_wait3A_661] : memref<65536x64xf32, #tpu.memory_space<hbm>> -> memref<128x64xf32, #tpu.memory_space<hbm>>
    %dma_wait3A_663 = arith.constant 0 : i32
    %dma_wait3A_664 = arith.constant 0 : i32
    %dma_wait3A_665 = tpu.memref_slice %arg6[%dma_wait3A_654, %dma_wait3A_663, %dma_wait3A_664] : memref<2x128x64xf32, #tpu.memory_space<vmem>> -> memref<1x128x64xf32, #tpu.memory_space<vmem>>
    %dma_wait3A_666 = tpu.memref_squeeze %dma_wait3A_665 : memref<1x128x64xf32, #tpu.memory_space<vmem>> -> memref<128x64xf32, #tpu.memory_space<vmem>>
    tpu.wait_dma2 semaphore(%arg12 : memref<!tpu.dma_semaphore, #tpu.memory_space<semaphore_mem>>) src(%dma_wait3A_666 : memref<128x64xf32, #tpu.memory_space<vmem>>) dst(%dma_wait3A_662 : memref<128x64xf32, #tpu.memory_space<hbm>>)
    %dma_start3A_667 = arith.constant 1 : i32
    %dma_start3A_668 = arith.constant 1 : i32
    %dma_start3A_669 = arith.constant 0 : i32
    %dma_start3A_670 = arith.constant 0 : i32
    %dma_start3A_671 = tpu.memref_slice %arg6[%dma_start3A_668, %dma_start3A_669, %dma_start3A_670] : memref<2x128x64xf32, #tpu.memory_space<vmem>> -> memref<1x128x64xf32, #tpu.memory_space<vmem>>
    %dma_start3A_672 = tpu.memref_squeeze %dma_start3A_671 : memref<1x128x64xf32, #tpu.memory_space<vmem>> -> memref<128x64xf32, #tpu.memory_space<vmem>>
    %dma_start3A_673 = arith.constant 0 : i32
    %dma_start3A_674 = tpu.memref_slice %arg5[%dma_start3A_667, %dma_start3A_673] : memref<2x128xi32, #tpu.memory_space<vmem>> -> memref<1x128xi32, #tpu.memory_space<vmem>>
    %dma_start3A_675 = tpu.memref_squeeze %dma_start3A_674 : memref<1x128xi32, #tpu.memory_space<vmem>> -> memref<128xi32, #tpu.memory_space<vmem>>
    %dma_start3A_676 = arith.constant 0 : i32
    %dma_start3A_677 = arith.constant 0 : i32
    %dma_start3A_678 = tpu.memref_slice %arg2[%dma_start3A_676, %dma_start3A_677] : memref<8192x64xf32, #tpu.memory_space<hbm>> -> memref<8192x64xf32, #tpu.memory_space<hbm>>
    tpu.enqueue_indirect_dma source(%dma_start3A_678 : memref<8192x64xf32, #tpu.memory_space<hbm>>) target(%dma_start3A_672 : memref<128x64xf32, #tpu.memory_space<vmem>>) offsets(%dma_start3A_675 : memref<128xi32, #tpu.memory_space<vmem>>) semaphore(%arg10 : memref<!tpu.dma_semaphore, #tpu.memory_space<semaphore_mem>>)
    %dma_wait3A_679 = arith.constant 1 : i32
    %dma_wait3A_680 = arith.constant 1 : i32
    %dma_wait3A_681 = arith.constant 0 : i32
    %dma_wait3A_682 = arith.constant 0 : i32
    %dma_wait3A_683 = tpu.memref_slice %arg6[%dma_wait3A_680, %dma_wait3A_681, %dma_wait3A_682] : memref<2x128x64xf32, #tpu.memory_space<vmem>> -> memref<1x128x64xf32, #tpu.memory_space<vmem>>
    %dma_wait3A_684 = tpu.memref_squeeze %dma_wait3A_683 : memref<1x128x64xf32, #tpu.memory_space<vmem>> -> memref<128x64xf32, #tpu.memory_space<vmem>>
    %dma_wait3A_685 = arith.constant 0 : i32
    %dma_wait3A_686 = tpu.memref_slice %arg5[%dma_wait3A_679, %dma_wait3A_685] : memref<2x128xi32, #tpu.memory_space<vmem>> -> memref<1x128xi32, #tpu.memory_space<vmem>>
    %dma_wait3A_687 = tpu.memref_squeeze %dma_wait3A_686 : memref<1x128xi32, #tpu.memory_space<vmem>> -> memref<128xi32, #tpu.memory_space<vmem>>
    %dma_wait3A_688 = arith.constant 0 : i32
    %dma_wait3A_689 = arith.constant 0 : i32
    %dma_wait3A_690 = tpu.memref_slice %arg2[%dma_wait3A_688, %dma_wait3A_689] : memref<8192x64xf32, #tpu.memory_space<hbm>> -> memref<8192x64xf32, #tpu.memory_space<hbm>>
    tpu.wait_indirect_dma semaphore(%arg10 : memref<!tpu.dma_semaphore, #tpu.memory_space<semaphore_mem>>) src(%dma_wait3A_690 : memref<8192x64xf32, #tpu.memory_space<hbm>>) dst(%dma_wait3A_684 : memref<128x64xf32, #tpu.memory_space<vmem>>)
    %add3A_691 = arith.constant 1152 : i32
    %add3A_692 = arith.addi %mul3A_2, %add3A_691 : i32
    %dma_start3A_693 = arith.constant 1 : i32
    %dma_start3A_694 = arith.constant 0 : i32
    %dma_start3A_695 = arith.constant 0 : i32
    %dma_start3A_696 = tpu.memref_slice %arg6[%dma_start3A_693, %dma_start3A_694, %dma_start3A_695] : memref<2x128x64xf32, #tpu.memory_space<vmem>> -> memref<1x128x64xf32, #tpu.memory_space<vmem>>
    %dma_start3A_697 = tpu.memref_squeeze %dma_start3A_696 : memref<1x128x64xf32, #tpu.memory_space<vmem>> -> memref<128x64xf32, #tpu.memory_space<vmem>>
    %dma_start3A_698 = arith.constant 0 : i32
    %dma_start3A_699 = tpu.memref_slice %arg4[%add3A_692, %dma_start3A_698] : memref<65536x64xf32, #tpu.memory_space<hbm>> -> memref<128x64xf32, #tpu.memory_space<hbm>>
    %dma_start3A_700 = arith.constant 0 : i32
    %dma_start3A_701 = tpu.memref_slice %arg4[%add3A_692, %dma_start3A_700] : memref<65536x64xf32, #tpu.memory_space<hbm>> -> memref<128x64xf32, #tpu.memory_space<hbm>>
    %dma_start3A_702 = arith.constant 0 : i32
    %dma_start3A_703 = arith.constant 0 : i32
    %dma_start3A_704 = tpu.memref_slice %arg6[%dma_start3A_693, %dma_start3A_702, %dma_start3A_703] : memref<2x128x64xf32, #tpu.memory_space<vmem>> -> memref<1x128x64xf32, #tpu.memory_space<vmem>>
    %dma_start3A_705 = tpu.memref_squeeze %dma_start3A_704 : memref<1x128x64xf32, #tpu.memory_space<vmem>> -> memref<128x64xf32, #tpu.memory_space<vmem>>
    tpu.enqueue_dma source(%dma_start3A_705 : memref<128x64xf32, #tpu.memory_space<vmem>>) target(%dma_start3A_701 : memref<128x64xf32, #tpu.memory_space<hbm>>) target_semaphore(%arg12 : memref<!tpu.dma_semaphore, #tpu.memory_space<semaphore_mem>>)
    %add3A_706 = arith.constant 1408 : i32
    %add3A_707 = arith.addi %mul3A_2, %add3A_706 : i32
    %dma_start3A_708 = arith.constant 1 : i32
    %dma_start3A_709 = arith.constant 0 : i32
    %dma_start3A_710 = tpu.memref_slice %arg5[%dma_start3A_708, %dma_start3A_709] : memref<2x128xi32, #tpu.memory_space<vmem>> -> memref<1x128xi32, #tpu.memory_space<vmem>>
    %dma_start3A_711 = tpu.memref_squeeze %dma_start3A_710 : memref<1x128xi32, #tpu.memory_space<vmem>> -> memref<128xi32, #tpu.memory_space<vmem>>
    %dma_start3A_712 = tpu.memref_slice %arg3[%add3A_707] : memref<65536xi32, #tpu.memory_space<hbm>> -> memref<128xi32, #tpu.memory_space<hbm>>
    %dma_start3A_713 = arith.constant 0 : i32
    %dma_start3A_714 = tpu.memref_slice %arg5[%dma_start3A_708, %dma_start3A_713] : memref<2x128xi32, #tpu.memory_space<vmem>> -> memref<1x128xi32, #tpu.memory_space<vmem>>
    %dma_start3A_715 = tpu.memref_squeeze %dma_start3A_714 : memref<1x128xi32, #tpu.memory_space<vmem>> -> memref<128xi32, #tpu.memory_space<vmem>>
    %dma_start3A_716 = tpu.memref_slice %arg3[%add3A_707] : memref<65536xi32, #tpu.memory_space<hbm>> -> memref<128xi32, #tpu.memory_space<hbm>>
    tpu.enqueue_dma source(%dma_start3A_716 : memref<128xi32, #tpu.memory_space<hbm>>) target(%dma_start3A_715 : memref<128xi32, #tpu.memory_space<vmem>>) target_semaphore(%arg8 : memref<!tpu.dma_semaphore, #tpu.memory_space<semaphore_mem>>)
    %dma_wait3A_717 = arith.constant 0 : i32
    %dma_wait3A_718 = arith.constant 0 : i32
    %dma_wait3A_719 = tpu.memref_slice %arg5[%dma_wait3A_717, %dma_wait3A_718] : memref<2x128xi32, #tpu.memory_space<vmem>> -> memref<1x128xi32, #tpu.memory_space<vmem>>
    %dma_wait3A_720 = tpu.memref_squeeze %dma_wait3A_719 : memref<1x128xi32, #tpu.memory_space<vmem>> -> memref<128xi32, #tpu.memory_space<vmem>>
    %dma_wait3A_721 = tpu.memref_slice %arg3[%add3A_635] : memref<65536xi32, #tpu.memory_space<hbm>> -> memref<128xi32, #tpu.memory_space<hbm>>
    %dma_wait3A_722 = arith.constant 0 : i32
    %dma_wait3A_723 = tpu.memref_slice %arg5[%dma_wait3A_717, %dma_wait3A_722] : memref<2x128xi32, #tpu.memory_space<vmem>> -> memref<1x128xi32, #tpu.memory_space<vmem>>
    %dma_wait3A_724 = tpu.memref_squeeze %dma_wait3A_723 : memref<1x128xi32, #tpu.memory_space<vmem>> -> memref<128xi32, #tpu.memory_space<vmem>>
    %dma_wait3A_725 = tpu.memref_slice %arg3[%add3A_635] : memref<65536xi32, #tpu.memory_space<hbm>> -> memref<128xi32, #tpu.memory_space<hbm>>
    tpu.wait_dma2 semaphore(%arg7 : memref<!tpu.dma_semaphore, #tpu.memory_space<semaphore_mem>>) src(%dma_wait3A_725 : memref<128xi32, #tpu.memory_space<hbm>>) dst(%dma_wait3A_724 : memref<128xi32, #tpu.memory_space<vmem>>)
    %dma_wait3A_726 = arith.constant 0 : i32
    %dma_wait3A_727 = arith.constant 0 : i32
    %dma_wait3A_728 = arith.constant 0 : i32
    %dma_wait3A_729 = tpu.memref_slice %arg6[%dma_wait3A_726, %dma_wait3A_727, %dma_wait3A_728] : memref<2x128x64xf32, #tpu.memory_space<vmem>> -> memref<1x128x64xf32, #tpu.memory_space<vmem>>
    %dma_wait3A_730 = tpu.memref_squeeze %dma_wait3A_729 : memref<1x128x64xf32, #tpu.memory_space<vmem>> -> memref<128x64xf32, #tpu.memory_space<vmem>>
    %dma_wait3A_731 = arith.constant 0 : i32
    %dma_wait3A_732 = tpu.memref_slice %arg4[%add3A_620, %dma_wait3A_731] : memref<65536x64xf32, #tpu.memory_space<hbm>> -> memref<128x64xf32, #tpu.memory_space<hbm>>
    %dma_wait3A_733 = arith.constant 0 : i32
    %dma_wait3A_734 = tpu.memref_slice %arg4[%add3A_620, %dma_wait3A_733] : memref<65536x64xf32, #tpu.memory_space<hbm>> -> memref<128x64xf32, #tpu.memory_space<hbm>>
    %dma_wait3A_735 = arith.constant 0 : i32
    %dma_wait3A_736 = arith.constant 0 : i32
    %dma_wait3A_737 = tpu.memref_slice %arg6[%dma_wait3A_726, %dma_wait3A_735, %dma_wait3A_736] : memref<2x128x64xf32, #tpu.memory_space<vmem>> -> memref<1x128x64xf32, #tpu.memory_space<vmem>>
    %dma_wait3A_738 = tpu.memref_squeeze %dma_wait3A_737 : memref<1x128x64xf32, #tpu.memory_space<vmem>> -> memref<128x64xf32, #tpu.memory_space<vmem>>
    tpu.wait_dma2 semaphore(%arg11 : memref<!tpu.dma_semaphore, #tpu.memory_space<semaphore_mem>>) src(%dma_wait3A_738 : memref<128x64xf32, #tpu.memory_space<vmem>>) dst(%dma_wait3A_734 : memref<128x64xf32, #tpu.memory_space<hbm>>)
    %dma_start3A_739 = arith.constant 0 : i32
    %dma_start3A_740 = arith.constant 0 : i32
    %dma_start3A_741 = arith.constant 0 : i32
    %dma_start3A_742 = arith.constant 0 : i32
    %dma_start3A_743 = tpu.memref_slice %arg6[%dma_start3A_740, %dma_start3A_741, %dma_start3A_742] : memref<2x128x64xf32, #tpu.memory_space<vmem>> -> memref<1x128x64xf32, #tpu.memory_space<vmem>>
    %dma_start3A_744 = tpu.memref_squeeze %dma_start3A_743 : memref<1x128x64xf32, #tpu.memory_space<vmem>> -> memref<128x64xf32, #tpu.memory_space<vmem>>
    %dma_start3A_745 = arith.constant 0 : i32
    %dma_start3A_746 = tpu.memref_slice %arg5[%dma_start3A_739, %dma_start3A_745] : memref<2x128xi32, #tpu.memory_space<vmem>> -> memref<1x128xi32, #tpu.memory_space<vmem>>
    %dma_start3A_747 = tpu.memref_squeeze %dma_start3A_746 : memref<1x128xi32, #tpu.memory_space<vmem>> -> memref<128xi32, #tpu.memory_space<vmem>>
    %dma_start3A_748 = arith.constant 0 : i32
    %dma_start3A_749 = arith.constant 0 : i32
    %dma_start3A_750 = tpu.memref_slice %arg2[%dma_start3A_748, %dma_start3A_749] : memref<8192x64xf32, #tpu.memory_space<hbm>> -> memref<8192x64xf32, #tpu.memory_space<hbm>>
    tpu.enqueue_indirect_dma source(%dma_start3A_750 : memref<8192x64xf32, #tpu.memory_space<hbm>>) target(%dma_start3A_744 : memref<128x64xf32, #tpu.memory_space<vmem>>) offsets(%dma_start3A_747 : memref<128xi32, #tpu.memory_space<vmem>>) semaphore(%arg9 : memref<!tpu.dma_semaphore, #tpu.memory_space<semaphore_mem>>)
    %dma_wait3A_751 = arith.constant 0 : i32
    %dma_wait3A_752 = arith.constant 0 : i32
    %dma_wait3A_753 = arith.constant 0 : i32
    %dma_wait3A_754 = arith.constant 0 : i32
    %dma_wait3A_755 = tpu.memref_slice %arg6[%dma_wait3A_752, %dma_wait3A_753, %dma_wait3A_754] : memref<2x128x64xf32, #tpu.memory_space<vmem>> -> memref<1x128x64xf32, #tpu.memory_space<vmem>>
    %dma_wait3A_756 = tpu.memref_squeeze %dma_wait3A_755 : memref<1x128x64xf32, #tpu.memory_space<vmem>> -> memref<128x64xf32, #tpu.memory_space<vmem>>
    %dma_wait3A_757 = arith.constant 0 : i32
    %dma_wait3A_758 = tpu.memref_slice %arg5[%dma_wait3A_751, %dma_wait3A_757] : memref<2x128xi32, #tpu.memory_space<vmem>> -> memref<1x128xi32, #tpu.memory_space<vmem>>
    %dma_wait3A_759 = tpu.memref_squeeze %dma_wait3A_758 : memref<1x128xi32, #tpu.memory_space<vmem>> -> memref<128xi32, #tpu.memory_space<vmem>>
    %dma_wait3A_760 = arith.constant 0 : i32
    %dma_wait3A_761 = arith.constant 0 : i32
    %dma_wait3A_762 = tpu.memref_slice %arg2[%dma_wait3A_760, %dma_wait3A_761] : memref<8192x64xf32, #tpu.memory_space<hbm>> -> memref<8192x64xf32, #tpu.memory_space<hbm>>
    tpu.wait_indirect_dma semaphore(%arg9 : memref<!tpu.dma_semaphore, #tpu.memory_space<semaphore_mem>>) src(%dma_wait3A_762 : memref<8192x64xf32, #tpu.memory_space<hbm>>) dst(%dma_wait3A_756 : memref<128x64xf32, #tpu.memory_space<vmem>>)
    %add3A_763 = arith.constant 1280 : i32
    %add3A_764 = arith.addi %mul3A_2, %add3A_763 : i32
    %dma_start3A_765 = arith.constant 0 : i32
    %dma_start3A_766 = arith.constant 0 : i32
    %dma_start3A_767 = arith.constant 0 : i32
    %dma_start3A_768 = tpu.memref_slice %arg6[%dma_start3A_765, %dma_start3A_766, %dma_start3A_767] : memref<2x128x64xf32, #tpu.memory_space<vmem>> -> memref<1x128x64xf32, #tpu.memory_space<vmem>>
    %dma_start3A_769 = tpu.memref_squeeze %dma_start3A_768 : memref<1x128x64xf32, #tpu.memory_space<vmem>> -> memref<128x64xf32, #tpu.memory_space<vmem>>
    %dma_start3A_770 = arith.constant 0 : i32
    %dma_start3A_771 = tpu.memref_slice %arg4[%add3A_764, %dma_start3A_770] : memref<65536x64xf32, #tpu.memory_space<hbm>> -> memref<128x64xf32, #tpu.memory_space<hbm>>
    %dma_start3A_772 = arith.constant 0 : i32
    %dma_start3A_773 = tpu.memref_slice %arg4[%add3A_764, %dma_start3A_772] : memref<65536x64xf32, #tpu.memory_space<hbm>> -> memref<128x64xf32, #tpu.memory_space<hbm>>
    %dma_start3A_774 = arith.constant 0 : i32
    %dma_start3A_775 = arith.constant 0 : i32
    %dma_start3A_776 = tpu.memref_slice %arg6[%dma_start3A_765, %dma_start3A_774, %dma_start3A_775] : memref<2x128x64xf32, #tpu.memory_space<vmem>> -> memref<1x128x64xf32, #tpu.memory_space<vmem>>
    %dma_start3A_777 = tpu.memref_squeeze %dma_start3A_776 : memref<1x128x64xf32, #tpu.memory_space<vmem>> -> memref<128x64xf32, #tpu.memory_space<vmem>>
    tpu.enqueue_dma source(%dma_start3A_777 : memref<128x64xf32, #tpu.memory_space<vmem>>) target(%dma_start3A_773 : memref<128x64xf32, #tpu.memory_space<hbm>>) target_semaphore(%arg11 : memref<!tpu.dma_semaphore, #tpu.memory_space<semaphore_mem>>)
    %add3A_778 = arith.constant 1536 : i32
    %add3A_779 = arith.addi %mul3A_2, %add3A_778 : i32
    %dma_start3A_780 = arith.constant 0 : i32
    %dma_start3A_781 = arith.constant 0 : i32
    %dma_start3A_782 = tpu.memref_slice %arg5[%dma_start3A_780, %dma_start3A_781] : memref<2x128xi32, #tpu.memory_space<vmem>> -> memref<1x128xi32, #tpu.memory_space<vmem>>
    %dma_start3A_783 = tpu.memref_squeeze %dma_start3A_782 : memref<1x128xi32, #tpu.memory_space<vmem>> -> memref<128xi32, #tpu.memory_space<vmem>>
    %dma_start3A_784 = tpu.memref_slice %arg3[%add3A_779] : memref<65536xi32, #tpu.memory_space<hbm>> -> memref<128xi32, #tpu.memory_space<hbm>>
    %dma_start3A_785 = arith.constant 0 : i32
    %dma_start3A_786 = tpu.memref_slice %arg5[%dma_start3A_780, %dma_start3A_785] : memref<2x128xi32, #tpu.memory_space<vmem>> -> memref<1x128xi32, #tpu.memory_space<vmem>>
    %dma_start3A_787 = tpu.memref_squeeze %dma_start3A_786 : memref<1x128xi32, #tpu.memory_space<vmem>> -> memref<128xi32, #tpu.memory_space<vmem>>
    %dma_start3A_788 = tpu.memref_slice %arg3[%add3A_779] : memref<65536xi32, #tpu.memory_space<hbm>> -> memref<128xi32, #tpu.memory_space<hbm>>
    tpu.enqueue_dma source(%dma_start3A_788 : memref<128xi32, #tpu.memory_space<hbm>>) target(%dma_start3A_787 : memref<128xi32, #tpu.memory_space<vmem>>) target_semaphore(%arg7 : memref<!tpu.dma_semaphore, #tpu.memory_space<semaphore_mem>>)
    %dma_wait3A_789 = arith.constant 1 : i32
    %dma_wait3A_790 = arith.constant 0 : i32
    %dma_wait3A_791 = tpu.memref_slice %arg5[%dma_wait3A_789, %dma_wait3A_790] : memref<2x128xi32, #tpu.memory_space<vmem>> -> memref<1x128xi32, #tpu.memory_space<vmem>>
    %dma_wait3A_792 = tpu.memref_squeeze %dma_wait3A_791 : memref<1x128xi32, #tpu.memory_space<vmem>> -> memref<128xi32, #tpu.memory_space<vmem>>
    %dma_wait3A_793 = tpu.memref_slice %arg3[%add3A_707] : memref<65536xi32, #tpu.memory_space<hbm>> -> memref<128xi32, #tpu.memory_space<hbm>>
    %dma_wait3A_794 = arith.constant 0 : i32
    %dma_wait3A_795 = tpu.memref_slice %arg5[%dma_wait3A_789, %dma_wait3A_794] : memref<2x128xi32, #tpu.memory_space<vmem>> -> memref<1x128xi32, #tpu.memory_space<vmem>>
    %dma_wait3A_796 = tpu.memref_squeeze %dma_wait3A_795 : memref<1x128xi32, #tpu.memory_space<vmem>> -> memref<128xi32, #tpu.memory_space<vmem>>
    %dma_wait3A_797 = tpu.memref_slice %arg3[%add3A_707] : memref<65536xi32, #tpu.memory_space<hbm>> -> memref<128xi32, #tpu.memory_space<hbm>>
    tpu.wait_dma2 semaphore(%arg8 : memref<!tpu.dma_semaphore, #tpu.memory_space<semaphore_mem>>) src(%dma_wait3A_797 : memref<128xi32, #tpu.memory_space<hbm>>) dst(%dma_wait3A_796 : memref<128xi32, #tpu.memory_space<vmem>>)
    %dma_wait3A_798 = arith.constant 1 : i32
    %dma_wait3A_799 = arith.constant 0 : i32
    %dma_wait3A_800 = arith.constant 0 : i32
    %dma_wait3A_801 = tpu.memref_slice %arg6[%dma_wait3A_798, %dma_wait3A_799, %dma_wait3A_800] : memref<2x128x64xf32, #tpu.memory_space<vmem>> -> memref<1x128x64xf32, #tpu.memory_space<vmem>>
    %dma_wait3A_802 = tpu.memref_squeeze %dma_wait3A_801 : memref<1x128x64xf32, #tpu.memory_space<vmem>> -> memref<128x64xf32, #tpu.memory_space<vmem>>
    %dma_wait3A_803 = arith.constant 0 : i32
    %dma_wait3A_804 = tpu.memref_slice %arg4[%add3A_692, %dma_wait3A_803] : memref<65536x64xf32, #tpu.memory_space<hbm>> -> memref<128x64xf32, #tpu.memory_space<hbm>>
    %dma_wait3A_805 = arith.constant 0 : i32
    %dma_wait3A_806 = tpu.memref_slice %arg4[%add3A_692, %dma_wait3A_805] : memref<65536x64xf32, #tpu.memory_space<hbm>> -> memref<128x64xf32, #tpu.memory_space<hbm>>
    %dma_wait3A_807 = arith.constant 0 : i32
    %dma_wait3A_808 = arith.constant 0 : i32
    %dma_wait3A_809 = tpu.memref_slice %arg6[%dma_wait3A_798, %dma_wait3A_807, %dma_wait3A_808] : memref<2x128x64xf32, #tpu.memory_space<vmem>> -> memref<1x128x64xf32, #tpu.memory_space<vmem>>
    %dma_wait3A_810 = tpu.memref_squeeze %dma_wait3A_809 : memref<1x128x64xf32, #tpu.memory_space<vmem>> -> memref<128x64xf32, #tpu.memory_space<vmem>>
    tpu.wait_dma2 semaphore(%arg12 : memref<!tpu.dma_semaphore, #tpu.memory_space<semaphore_mem>>) src(%dma_wait3A_810 : memref<128x64xf32, #tpu.memory_space<vmem>>) dst(%dma_wait3A_806 : memref<128x64xf32, #tpu.memory_space<hbm>>)
    %dma_start3A_811 = arith.constant 1 : i32
    %dma_start3A_812 = arith.constant 1 : i32
    %dma_start3A_813 = arith.constant 0 : i32
    %dma_start3A_814 = arith.constant 0 : i32
    %dma_start3A_815 = tpu.memref_slice %arg6[%dma_start3A_812, %dma_start3A_813, %dma_start3A_814] : memref<2x128x64xf32, #tpu.memory_space<vmem>> -> memref<1x128x64xf32, #tpu.memory_space<vmem>>
    %dma_start3A_816 = tpu.memref_squeeze %dma_start3A_815 : memref<1x128x64xf32, #tpu.memory_space<vmem>> -> memref<128x64xf32, #tpu.memory_space<vmem>>
    %dma_start3A_817 = arith.constant 0 : i32
    %dma_start3A_818 = tpu.memref_slice %arg5[%dma_start3A_811, %dma_start3A_817] : memref<2x128xi32, #tpu.memory_space<vmem>> -> memref<1x128xi32, #tpu.memory_space<vmem>>
    %dma_start3A_819 = tpu.memref_squeeze %dma_start3A_818 : memref<1x128xi32, #tpu.memory_space<vmem>> -> memref<128xi32, #tpu.memory_space<vmem>>
    %dma_start3A_820 = arith.constant 0 : i32
    %dma_start3A_821 = arith.constant 0 : i32
    %dma_start3A_822 = tpu.memref_slice %arg2[%dma_start3A_820, %dma_start3A_821] : memref<8192x64xf32, #tpu.memory_space<hbm>> -> memref<8192x64xf32, #tpu.memory_space<hbm>>
    tpu.enqueue_indirect_dma source(%dma_start3A_822 : memref<8192x64xf32, #tpu.memory_space<hbm>>) target(%dma_start3A_816 : memref<128x64xf32, #tpu.memory_space<vmem>>) offsets(%dma_start3A_819 : memref<128xi32, #tpu.memory_space<vmem>>) semaphore(%arg10 : memref<!tpu.dma_semaphore, #tpu.memory_space<semaphore_mem>>)
    %dma_wait3A_823 = arith.constant 1 : i32
    %dma_wait3A_824 = arith.constant 1 : i32
    %dma_wait3A_825 = arith.constant 0 : i32
    %dma_wait3A_826 = arith.constant 0 : i32
    %dma_wait3A_827 = tpu.memref_slice %arg6[%dma_wait3A_824, %dma_wait3A_825, %dma_wait3A_826] : memref<2x128x64xf32, #tpu.memory_space<vmem>> -> memref<1x128x64xf32, #tpu.memory_space<vmem>>
    %dma_wait3A_828 = tpu.memref_squeeze %dma_wait3A_827 : memref<1x128x64xf32, #tpu.memory_space<vmem>> -> memref<128x64xf32, #tpu.memory_space<vmem>>
    %dma_wait3A_829 = arith.constant 0 : i32
    %dma_wait3A_830 = tpu.memref_slice %arg5[%dma_wait3A_823, %dma_wait3A_829] : memref<2x128xi32, #tpu.memory_space<vmem>> -> memref<1x128xi32, #tpu.memory_space<vmem>>
    %dma_wait3A_831 = tpu.memref_squeeze %dma_wait3A_830 : memref<1x128xi32, #tpu.memory_space<vmem>> -> memref<128xi32, #tpu.memory_space<vmem>>
    %dma_wait3A_832 = arith.constant 0 : i32
    %dma_wait3A_833 = arith.constant 0 : i32
    %dma_wait3A_834 = tpu.memref_slice %arg2[%dma_wait3A_832, %dma_wait3A_833] : memref<8192x64xf32, #tpu.memory_space<hbm>> -> memref<8192x64xf32, #tpu.memory_space<hbm>>
    tpu.wait_indirect_dma semaphore(%arg10 : memref<!tpu.dma_semaphore, #tpu.memory_space<semaphore_mem>>) src(%dma_wait3A_834 : memref<8192x64xf32, #tpu.memory_space<hbm>>) dst(%dma_wait3A_828 : memref<128x64xf32, #tpu.memory_space<vmem>>)
    %add3A_835 = arith.constant 1408 : i32
    %add3A_836 = arith.addi %mul3A_2, %add3A_835 : i32
    %dma_start3A_837 = arith.constant 1 : i32
    %dma_start3A_838 = arith.constant 0 : i32
    %dma_start3A_839 = arith.constant 0 : i32
    %dma_start3A_840 = tpu.memref_slice %arg6[%dma_start3A_837, %dma_start3A_838, %dma_start3A_839] : memref<2x128x64xf32, #tpu.memory_space<vmem>> -> memref<1x128x64xf32, #tpu.memory_space<vmem>>
    %dma_start3A_841 = tpu.memref_squeeze %dma_start3A_840 : memref<1x128x64xf32, #tpu.memory_space<vmem>> -> memref<128x64xf32, #tpu.memory_space<vmem>>
    %dma_start3A_842 = arith.constant 0 : i32
    %dma_start3A_843 = tpu.memref_slice %arg4[%add3A_836, %dma_start3A_842] : memref<65536x64xf32, #tpu.memory_space<hbm>> -> memref<128x64xf32, #tpu.memory_space<hbm>>
    %dma_start3A_844 = arith.constant 0 : i32
    %dma_start3A_845 = tpu.memref_slice %arg4[%add3A_836, %dma_start3A_844] : memref<65536x64xf32, #tpu.memory_space<hbm>> -> memref<128x64xf32, #tpu.memory_space<hbm>>
    %dma_start3A_846 = arith.constant 0 : i32
    %dma_start3A_847 = arith.constant 0 : i32
    %dma_start3A_848 = tpu.memref_slice %arg6[%dma_start3A_837, %dma_start3A_846, %dma_start3A_847] : memref<2x128x64xf32, #tpu.memory_space<vmem>> -> memref<1x128x64xf32, #tpu.memory_space<vmem>>
    %dma_start3A_849 = tpu.memref_squeeze %dma_start3A_848 : memref<1x128x64xf32, #tpu.memory_space<vmem>> -> memref<128x64xf32, #tpu.memory_space<vmem>>
    tpu.enqueue_dma source(%dma_start3A_849 : memref<128x64xf32, #tpu.memory_space<vmem>>) target(%dma_start3A_845 : memref<128x64xf32, #tpu.memory_space<hbm>>) target_semaphore(%arg12 : memref<!tpu.dma_semaphore, #tpu.memory_space<semaphore_mem>>)
    %add3A_850 = arith.constant 1664 : i32
    %add3A_851 = arith.addi %mul3A_2, %add3A_850 : i32
    %dma_start3A_852 = arith.constant 1 : i32
    %dma_start3A_853 = arith.constant 0 : i32
    %dma_start3A_854 = tpu.memref_slice %arg5[%dma_start3A_852, %dma_start3A_853] : memref<2x128xi32, #tpu.memory_space<vmem>> -> memref<1x128xi32, #tpu.memory_space<vmem>>
    %dma_start3A_855 = tpu.memref_squeeze %dma_start3A_854 : memref<1x128xi32, #tpu.memory_space<vmem>> -> memref<128xi32, #tpu.memory_space<vmem>>
    %dma_start3A_856 = tpu.memref_slice %arg3[%add3A_851] : memref<65536xi32, #tpu.memory_space<hbm>> -> memref<128xi32, #tpu.memory_space<hbm>>
    %dma_start3A_857 = arith.constant 0 : i32
    %dma_start3A_858 = tpu.memref_slice %arg5[%dma_start3A_852, %dma_start3A_857] : memref<2x128xi32, #tpu.memory_space<vmem>> -> memref<1x128xi32, #tpu.memory_space<vmem>>
    %dma_start3A_859 = tpu.memref_squeeze %dma_start3A_858 : memref<1x128xi32, #tpu.memory_space<vmem>> -> memref<128xi32, #tpu.memory_space<vmem>>
    %dma_start3A_860 = tpu.memref_slice %arg3[%add3A_851] : memref<65536xi32, #tpu.memory_space<hbm>> -> memref<128xi32, #tpu.memory_space<hbm>>
    tpu.enqueue_dma source(%dma_start3A_860 : memref<128xi32, #tpu.memory_space<hbm>>) target(%dma_start3A_859 : memref<128xi32, #tpu.memory_space<vmem>>) target_semaphore(%arg8 : memref<!tpu.dma_semaphore, #tpu.memory_space<semaphore_mem>>)
    %dma_wait3A_861 = arith.constant 0 : i32
    %dma_wait3A_862 = arith.constant 0 : i32
    %dma_wait3A_863 = tpu.memref_slice %arg5[%dma_wait3A_861, %dma_wait3A_862] : memref<2x128xi32, #tpu.memory_space<vmem>> -> memref<1x128xi32, #tpu.memory_space<vmem>>
    %dma_wait3A_864 = tpu.memref_squeeze %dma_wait3A_863 : memref<1x128xi32, #tpu.memory_space<vmem>> -> memref<128xi32, #tpu.memory_space<vmem>>
    %dma_wait3A_865 = tpu.memref_slice %arg3[%add3A_779] : memref<65536xi32, #tpu.memory_space<hbm>> -> memref<128xi32, #tpu.memory_space<hbm>>
    %dma_wait3A_866 = arith.constant 0 : i32
    %dma_wait3A_867 = tpu.memref_slice %arg5[%dma_wait3A_861, %dma_wait3A_866] : memref<2x128xi32, #tpu.memory_space<vmem>> -> memref<1x128xi32, #tpu.memory_space<vmem>>
    %dma_wait3A_868 = tpu.memref_squeeze %dma_wait3A_867 : memref<1x128xi32, #tpu.memory_space<vmem>> -> memref<128xi32, #tpu.memory_space<vmem>>
    %dma_wait3A_869 = tpu.memref_slice %arg3[%add3A_779] : memref<65536xi32, #tpu.memory_space<hbm>> -> memref<128xi32, #tpu.memory_space<hbm>>
    tpu.wait_dma2 semaphore(%arg7 : memref<!tpu.dma_semaphore, #tpu.memory_space<semaphore_mem>>) src(%dma_wait3A_869 : memref<128xi32, #tpu.memory_space<hbm>>) dst(%dma_wait3A_868 : memref<128xi32, #tpu.memory_space<vmem>>)
    %dma_wait3A_870 = arith.constant 0 : i32
    %dma_wait3A_871 = arith.constant 0 : i32
    %dma_wait3A_872 = arith.constant 0 : i32
    %dma_wait3A_873 = tpu.memref_slice %arg6[%dma_wait3A_870, %dma_wait3A_871, %dma_wait3A_872] : memref<2x128x64xf32, #tpu.memory_space<vmem>> -> memref<1x128x64xf32, #tpu.memory_space<vmem>>
    %dma_wait3A_874 = tpu.memref_squeeze %dma_wait3A_873 : memref<1x128x64xf32, #tpu.memory_space<vmem>> -> memref<128x64xf32, #tpu.memory_space<vmem>>
    %dma_wait3A_875 = arith.constant 0 : i32
    %dma_wait3A_876 = tpu.memref_slice %arg4[%add3A_764, %dma_wait3A_875] : memref<65536x64xf32, #tpu.memory_space<hbm>> -> memref<128x64xf32, #tpu.memory_space<hbm>>
    %dma_wait3A_877 = arith.constant 0 : i32
    %dma_wait3A_878 = tpu.memref_slice %arg4[%add3A_764, %dma_wait3A_877] : memref<65536x64xf32, #tpu.memory_space<hbm>> -> memref<128x64xf32, #tpu.memory_space<hbm>>
    %dma_wait3A_879 = arith.constant 0 : i32
    %dma_wait3A_880 = arith.constant 0 : i32
    %dma_wait3A_881 = tpu.memref_slice %arg6[%dma_wait3A_870, %dma_wait3A_879, %dma_wait3A_880] : memref<2x128x64xf32, #tpu.memory_space<vmem>> -> memref<1x128x64xf32, #tpu.memory_space<vmem>>
    %dma_wait3A_882 = tpu.memref_squeeze %dma_wait3A_881 : memref<1x128x64xf32, #tpu.memory_space<vmem>> -> memref<128x64xf32, #tpu.memory_space<vmem>>
    tpu.wait_dma2 semaphore(%arg11 : memref<!tpu.dma_semaphore, #tpu.memory_space<semaphore_mem>>) src(%dma_wait3A_882 : memref<128x64xf32, #tpu.memory_space<vmem>>) dst(%dma_wait3A_878 : memref<128x64xf32, #tpu.memory_space<hbm>>)
    %dma_start3A_883 = arith.constant 0 : i32
    %dma_start3A_884 = arith.constant 0 : i32
    %dma_start3A_885 = arith.constant 0 : i32
    %dma_start3A_886 = arith.constant 0 : i32
    %dma_start3A_887 = tpu.memref_slice %arg6[%dma_start3A_884, %dma_start3A_885, %dma_start3A_886] : memref<2x128x64xf32, #tpu.memory_space<vmem>> -> memref<1x128x64xf32, #tpu.memory_space<vmem>>
    %dma_start3A_888 = tpu.memref_squeeze %dma_start3A_887 : memref<1x128x64xf32, #tpu.memory_space<vmem>> -> memref<128x64xf32, #tpu.memory_space<vmem>>
    %dma_start3A_889 = arith.constant 0 : i32
    %dma_start3A_890 = tpu.memref_slice %arg5[%dma_start3A_883, %dma_start3A_889] : memref<2x128xi32, #tpu.memory_space<vmem>> -> memref<1x128xi32, #tpu.memory_space<vmem>>
    %dma_start3A_891 = tpu.memref_squeeze %dma_start3A_890 : memref<1x128xi32, #tpu.memory_space<vmem>> -> memref<128xi32, #tpu.memory_space<vmem>>
    %dma_start3A_892 = arith.constant 0 : i32
    %dma_start3A_893 = arith.constant 0 : i32
    %dma_start3A_894 = tpu.memref_slice %arg2[%dma_start3A_892, %dma_start3A_893] : memref<8192x64xf32, #tpu.memory_space<hbm>> -> memref<8192x64xf32, #tpu.memory_space<hbm>>
    tpu.enqueue_indirect_dma source(%dma_start3A_894 : memref<8192x64xf32, #tpu.memory_space<hbm>>) target(%dma_start3A_888 : memref<128x64xf32, #tpu.memory_space<vmem>>) offsets(%dma_start3A_891 : memref<128xi32, #tpu.memory_space<vmem>>) semaphore(%arg9 : memref<!tpu.dma_semaphore, #tpu.memory_space<semaphore_mem>>)
    %dma_wait3A_895 = arith.constant 0 : i32
    %dma_wait3A_896 = arith.constant 0 : i32
    %dma_wait3A_897 = arith.constant 0 : i32
    %dma_wait3A_898 = arith.constant 0 : i32
    %dma_wait3A_899 = tpu.memref_slice %arg6[%dma_wait3A_896, %dma_wait3A_897, %dma_wait3A_898] : memref<2x128x64xf32, #tpu.memory_space<vmem>> -> memref<1x128x64xf32, #tpu.memory_space<vmem>>
    %dma_wait3A_900 = tpu.memref_squeeze %dma_wait3A_899 : memref<1x128x64xf32, #tpu.memory_space<vmem>> -> memref<128x64xf32, #tpu.memory_space<vmem>>
    %dma_wait3A_901 = arith.constant 0 : i32
    %dma_wait3A_902 = tpu.memref_slice %arg5[%dma_wait3A_895, %dma_wait3A_901] : memref<2x128xi32, #tpu.memory_space<vmem>> -> memref<1x128xi32, #tpu.memory_space<vmem>>
    %dma_wait3A_903 = tpu.memref_squeeze %dma_wait3A_902 : memref<1x128xi32, #tpu.memory_space<vmem>> -> memref<128xi32, #tpu.memory_space<vmem>>
    %dma_wait3A_904 = arith.constant 0 : i32
    %dma_wait3A_905 = arith.constant 0 : i32
    %dma_wait3A_906 = tpu.memref_slice %arg2[%dma_wait3A_904, %dma_wait3A_905] : memref<8192x64xf32, #tpu.memory_space<hbm>> -> memref<8192x64xf32, #tpu.memory_space<hbm>>
    tpu.wait_indirect_dma semaphore(%arg9 : memref<!tpu.dma_semaphore, #tpu.memory_space<semaphore_mem>>) src(%dma_wait3A_906 : memref<8192x64xf32, #tpu.memory_space<hbm>>) dst(%dma_wait3A_900 : memref<128x64xf32, #tpu.memory_space<vmem>>)
    %add3A_907 = arith.constant 1536 : i32
    %add3A_908 = arith.addi %mul3A_2, %add3A_907 : i32
    %dma_start3A_909 = arith.constant 0 : i32
    %dma_start3A_910 = arith.constant 0 : i32
    %dma_start3A_911 = arith.constant 0 : i32
    %dma_start3A_912 = tpu.memref_slice %arg6[%dma_start3A_909, %dma_start3A_910, %dma_start3A_911] : memref<2x128x64xf32, #tpu.memory_space<vmem>> -> memref<1x128x64xf32, #tpu.memory_space<vmem>>
    %dma_start3A_913 = tpu.memref_squeeze %dma_start3A_912 : memref<1x128x64xf32, #tpu.memory_space<vmem>> -> memref<128x64xf32, #tpu.memory_space<vmem>>
    %dma_start3A_914 = arith.constant 0 : i32
    %dma_start3A_915 = tpu.memref_slice %arg4[%add3A_908, %dma_start3A_914] : memref<65536x64xf32, #tpu.memory_space<hbm>> -> memref<128x64xf32, #tpu.memory_space<hbm>>
    %dma_start3A_916 = arith.constant 0 : i32
    %dma_start3A_917 = tpu.memref_slice %arg4[%add3A_908, %dma_start3A_916] : memref<65536x64xf32, #tpu.memory_space<hbm>> -> memref<128x64xf32, #tpu.memory_space<hbm>>
    %dma_start3A_918 = arith.constant 0 : i32
    %dma_start3A_919 = arith.constant 0 : i32
    %dma_start3A_920 = tpu.memref_slice %arg6[%dma_start3A_909, %dma_start3A_918, %dma_start3A_919] : memref<2x128x64xf32, #tpu.memory_space<vmem>> -> memref<1x128x64xf32, #tpu.memory_space<vmem>>
    %dma_start3A_921 = tpu.memref_squeeze %dma_start3A_920 : memref<1x128x64xf32, #tpu.memory_space<vmem>> -> memref<128x64xf32, #tpu.memory_space<vmem>>
    tpu.enqueue_dma source(%dma_start3A_921 : memref<128x64xf32, #tpu.memory_space<vmem>>) target(%dma_start3A_917 : memref<128x64xf32, #tpu.memory_space<hbm>>) target_semaphore(%arg11 : memref<!tpu.dma_semaphore, #tpu.memory_space<semaphore_mem>>)
    %add3A_922 = arith.constant 1792 : i32
    %add3A_923 = arith.addi %mul3A_2, %add3A_922 : i32
    %dma_start3A_924 = arith.constant 0 : i32
    %dma_start3A_925 = arith.constant 0 : i32
    %dma_start3A_926 = tpu.memref_slice %arg5[%dma_start3A_924, %dma_start3A_925] : memref<2x128xi32, #tpu.memory_space<vmem>> -> memref<1x128xi32, #tpu.memory_space<vmem>>
    %dma_start3A_927 = tpu.memref_squeeze %dma_start3A_926 : memref<1x128xi32, #tpu.memory_space<vmem>> -> memref<128xi32, #tpu.memory_space<vmem>>
    %dma_start3A_928 = tpu.memref_slice %arg3[%add3A_923] : memref<65536xi32, #tpu.memory_space<hbm>> -> memref<128xi32, #tpu.memory_space<hbm>>
    %dma_start3A_929 = arith.constant 0 : i32
    %dma_start3A_930 = tpu.memref_slice %arg5[%dma_start3A_924, %dma_start3A_929] : memref<2x128xi32, #tpu.memory_space<vmem>> -> memref<1x128xi32, #tpu.memory_space<vmem>>
    %dma_start3A_931 = tpu.memref_squeeze %dma_start3A_930 : memref<1x128xi32, #tpu.memory_space<vmem>> -> memref<128xi32, #tpu.memory_space<vmem>>
    %dma_start3A_932 = tpu.memref_slice %arg3[%add3A_923] : memref<65536xi32, #tpu.memory_space<hbm>> -> memref<128xi32, #tpu.memory_space<hbm>>
    tpu.enqueue_dma source(%dma_start3A_932 : memref<128xi32, #tpu.memory_space<hbm>>) target(%dma_start3A_931 : memref<128xi32, #tpu.memory_space<vmem>>) target_semaphore(%arg7 : memref<!tpu.dma_semaphore, #tpu.memory_space<semaphore_mem>>)
    %dma_wait3A_933 = arith.constant 1 : i32
    %dma_wait3A_934 = arith.constant 0 : i32
    %dma_wait3A_935 = tpu.memref_slice %arg5[%dma_wait3A_933, %dma_wait3A_934] : memref<2x128xi32, #tpu.memory_space<vmem>> -> memref<1x128xi32, #tpu.memory_space<vmem>>
    %dma_wait3A_936 = tpu.memref_squeeze %dma_wait3A_935 : memref<1x128xi32, #tpu.memory_space<vmem>> -> memref<128xi32, #tpu.memory_space<vmem>>
    %dma_wait3A_937 = tpu.memref_slice %arg3[%add3A_851] : memref<65536xi32, #tpu.memory_space<hbm>> -> memref<128xi32, #tpu.memory_space<hbm>>
    %dma_wait3A_938 = arith.constant 0 : i32
    %dma_wait3A_939 = tpu.memref_slice %arg5[%dma_wait3A_933, %dma_wait3A_938] : memref<2x128xi32, #tpu.memory_space<vmem>> -> memref<1x128xi32, #tpu.memory_space<vmem>>
    %dma_wait3A_940 = tpu.memref_squeeze %dma_wait3A_939 : memref<1x128xi32, #tpu.memory_space<vmem>> -> memref<128xi32, #tpu.memory_space<vmem>>
    %dma_wait3A_941 = tpu.memref_slice %arg3[%add3A_851] : memref<65536xi32, #tpu.memory_space<hbm>> -> memref<128xi32, #tpu.memory_space<hbm>>
    tpu.wait_dma2 semaphore(%arg8 : memref<!tpu.dma_semaphore, #tpu.memory_space<semaphore_mem>>) src(%dma_wait3A_941 : memref<128xi32, #tpu.memory_space<hbm>>) dst(%dma_wait3A_940 : memref<128xi32, #tpu.memory_space<vmem>>)
    %dma_wait3A_942 = arith.constant 1 : i32
    %dma_wait3A_943 = arith.constant 0 : i32
    %dma_wait3A_944 = arith.constant 0 : i32
    %dma_wait3A_945 = tpu.memref_slice %arg6[%dma_wait3A_942, %dma_wait3A_943, %dma_wait3A_944] : memref<2x128x64xf32, #tpu.memory_space<vmem>> -> memref<1x128x64xf32, #tpu.memory_space<vmem>>
    %dma_wait3A_946 = tpu.memref_squeeze %dma_wait3A_945 : memref<1x128x64xf32, #tpu.memory_space<vmem>> -> memref<128x64xf32, #tpu.memory_space<vmem>>
    %dma_wait3A_947 = arith.constant 0 : i32
    %dma_wait3A_948 = tpu.memref_slice %arg4[%add3A_836, %dma_wait3A_947] : memref<65536x64xf32, #tpu.memory_space<hbm>> -> memref<128x64xf32, #tpu.memory_space<hbm>>
    %dma_wait3A_949 = arith.constant 0 : i32
    %dma_wait3A_950 = tpu.memref_slice %arg4[%add3A_836, %dma_wait3A_949] : memref<65536x64xf32, #tpu.memory_space<hbm>> -> memref<128x64xf32, #tpu.memory_space<hbm>>
    %dma_wait3A_951 = arith.constant 0 : i32
    %dma_wait3A_952 = arith.constant 0 : i32
    %dma_wait3A_953 = tpu.memref_slice %arg6[%dma_wait3A_942, %dma_wait3A_951, %dma_wait3A_952] : memref<2x128x64xf32, #tpu.memory_space<vmem>> -> memref<1x128x64xf32, #tpu.memory_space<vmem>>
    %dma_wait3A_954 = tpu.memref_squeeze %dma_wait3A_953 : memref<1x128x64xf32, #tpu.memory_space<vmem>> -> memref<128x64xf32, #tpu.memory_space<vmem>>
    tpu.wait_dma2 semaphore(%arg12 : memref<!tpu.dma_semaphore, #tpu.memory_space<semaphore_mem>>) src(%dma_wait3A_954 : memref<128x64xf32, #tpu.memory_space<vmem>>) dst(%dma_wait3A_950 : memref<128x64xf32, #tpu.memory_space<hbm>>)
    %dma_start3A_955 = arith.constant 1 : i32
    %dma_start3A_956 = arith.constant 1 : i32
    %dma_start3A_957 = arith.constant 0 : i32
    %dma_start3A_958 = arith.constant 0 : i32
    %dma_start3A_959 = tpu.memref_slice %arg6[%dma_start3A_956, %dma_start3A_957, %dma_start3A_958] : memref<2x128x64xf32, #tpu.memory_space<vmem>> -> memref<1x128x64xf32, #tpu.memory_space<vmem>>
    %dma_start3A_960 = tpu.memref_squeeze %dma_start3A_959 : memref<1x128x64xf32, #tpu.memory_space<vmem>> -> memref<128x64xf32, #tpu.memory_space<vmem>>
    %dma_start3A_961 = arith.constant 0 : i32
    %dma_start3A_962 = tpu.memref_slice %arg5[%dma_start3A_955, %dma_start3A_961] : memref<2x128xi32, #tpu.memory_space<vmem>> -> memref<1x128xi32, #tpu.memory_space<vmem>>
    %dma_start3A_963 = tpu.memref_squeeze %dma_start3A_962 : memref<1x128xi32, #tpu.memory_space<vmem>> -> memref<128xi32, #tpu.memory_space<vmem>>
    %dma_start3A_964 = arith.constant 0 : i32
    %dma_start3A_965 = arith.constant 0 : i32
    %dma_start3A_966 = tpu.memref_slice %arg2[%dma_start3A_964, %dma_start3A_965] : memref<8192x64xf32, #tpu.memory_space<hbm>> -> memref<8192x64xf32, #tpu.memory_space<hbm>>
    tpu.enqueue_indirect_dma source(%dma_start3A_966 : memref<8192x64xf32, #tpu.memory_space<hbm>>) target(%dma_start3A_960 : memref<128x64xf32, #tpu.memory_space<vmem>>) offsets(%dma_start3A_963 : memref<128xi32, #tpu.memory_space<vmem>>) semaphore(%arg10 : memref<!tpu.dma_semaphore, #tpu.memory_space<semaphore_mem>>)
    %dma_wait3A_967 = arith.constant 1 : i32
    %dma_wait3A_968 = arith.constant 1 : i32
    %dma_wait3A_969 = arith.constant 0 : i32
    %dma_wait3A_970 = arith.constant 0 : i32
    %dma_wait3A_971 = tpu.memref_slice %arg6[%dma_wait3A_968, %dma_wait3A_969, %dma_wait3A_970] : memref<2x128x64xf32, #tpu.memory_space<vmem>> -> memref<1x128x64xf32, #tpu.memory_space<vmem>>
    %dma_wait3A_972 = tpu.memref_squeeze %dma_wait3A_971 : memref<1x128x64xf32, #tpu.memory_space<vmem>> -> memref<128x64xf32, #tpu.memory_space<vmem>>
    %dma_wait3A_973 = arith.constant 0 : i32
    %dma_wait3A_974 = tpu.memref_slice %arg5[%dma_wait3A_967, %dma_wait3A_973] : memref<2x128xi32, #tpu.memory_space<vmem>> -> memref<1x128xi32, #tpu.memory_space<vmem>>
    %dma_wait3A_975 = tpu.memref_squeeze %dma_wait3A_974 : memref<1x128xi32, #tpu.memory_space<vmem>> -> memref<128xi32, #tpu.memory_space<vmem>>
    %dma_wait3A_976 = arith.constant 0 : i32
    %dma_wait3A_977 = arith.constant 0 : i32
    %dma_wait3A_978 = tpu.memref_slice %arg2[%dma_wait3A_976, %dma_wait3A_977] : memref<8192x64xf32, #tpu.memory_space<hbm>> -> memref<8192x64xf32, #tpu.memory_space<hbm>>
    tpu.wait_indirect_dma semaphore(%arg10 : memref<!tpu.dma_semaphore, #tpu.memory_space<semaphore_mem>>) src(%dma_wait3A_978 : memref<8192x64xf32, #tpu.memory_space<hbm>>) dst(%dma_wait3A_972 : memref<128x64xf32, #tpu.memory_space<vmem>>)
    %add3A_979 = arith.constant 1664 : i32
    %add3A_980 = arith.addi %mul3A_2, %add3A_979 : i32
    %dma_start3A_981 = arith.constant 1 : i32
    %dma_start3A_982 = arith.constant 0 : i32
    %dma_start3A_983 = arith.constant 0 : i32
    %dma_start3A_984 = tpu.memref_slice %arg6[%dma_start3A_981, %dma_start3A_982, %dma_start3A_983] : memref<2x128x64xf32, #tpu.memory_space<vmem>> -> memref<1x128x64xf32, #tpu.memory_space<vmem>>
    %dma_start3A_985 = tpu.memref_squeeze %dma_start3A_984 : memref<1x128x64xf32, #tpu.memory_space<vmem>> -> memref<128x64xf32, #tpu.memory_space<vmem>>
    %dma_start3A_986 = arith.constant 0 : i32
    %dma_start3A_987 = tpu.memref_slice %arg4[%add3A_980, %dma_start3A_986] : memref<65536x64xf32, #tpu.memory_space<hbm>> -> memref<128x64xf32, #tpu.memory_space<hbm>>
    %dma_start3A_988 = arith.constant 0 : i32
    %dma_start3A_989 = tpu.memref_slice %arg4[%add3A_980, %dma_start3A_988] : memref<65536x64xf32, #tpu.memory_space<hbm>> -> memref<128x64xf32, #tpu.memory_space<hbm>>
    %dma_start3A_990 = arith.constant 0 : i32
    %dma_start3A_991 = arith.constant 0 : i32
    %dma_start3A_992 = tpu.memref_slice %arg6[%dma_start3A_981, %dma_start3A_990, %dma_start3A_991] : memref<2x128x64xf32, #tpu.memory_space<vmem>> -> memref<1x128x64xf32, #tpu.memory_space<vmem>>
    %dma_start3A_993 = tpu.memref_squeeze %dma_start3A_992 : memref<1x128x64xf32, #tpu.memory_space<vmem>> -> memref<128x64xf32, #tpu.memory_space<vmem>>
    tpu.enqueue_dma source(%dma_start3A_993 : memref<128x64xf32, #tpu.memory_space<vmem>>) target(%dma_start3A_989 : memref<128x64xf32, #tpu.memory_space<hbm>>) target_semaphore(%arg12 : memref<!tpu.dma_semaphore, #tpu.memory_space<semaphore_mem>>)
    %add3A_994 = arith.constant 1920 : i32
    %add3A_995 = arith.addi %mul3A_2, %add3A_994 : i32
    %dma_start3A_996 = arith.constant 1 : i32
    %dma_start3A_997 = arith.constant 0 : i32
    %dma_start3A_998 = tpu.memref_slice %arg5[%dma_start3A_996, %dma_start3A_997] : memref<2x128xi32, #tpu.memory_space<vmem>> -> memref<1x128xi32, #tpu.memory_space<vmem>>
    %dma_start3A_999 = tpu.memref_squeeze %dma_start3A_998 : memref<1x128xi32, #tpu.memory_space<vmem>> -> memref<128xi32, #tpu.memory_space<vmem>>
    %dma_start3A_1000 = tpu.memref_slice %arg3[%add3A_995] : memref<65536xi32, #tpu.memory_space<hbm>> -> memref<128xi32, #tpu.memory_space<hbm>>
    %dma_start3A_1001 = arith.constant 0 : i32
    %dma_start3A_1002 = tpu.memref_slice %arg5[%dma_start3A_996, %dma_start3A_1001] : memref<2x128xi32, #tpu.memory_space<vmem>> -> memref<1x128xi32, #tpu.memory_space<vmem>>
    %dma_start3A_1003 = tpu.memref_squeeze %dma_start3A_1002 : memref<1x128xi32, #tpu.memory_space<vmem>> -> memref<128xi32, #tpu.memory_space<vmem>>
    %dma_start3A_1004 = tpu.memref_slice %arg3[%add3A_995] : memref<65536xi32, #tpu.memory_space<hbm>> -> memref<128xi32, #tpu.memory_space<hbm>>
    tpu.enqueue_dma source(%dma_start3A_1004 : memref<128xi32, #tpu.memory_space<hbm>>) target(%dma_start3A_1003 : memref<128xi32, #tpu.memory_space<vmem>>) target_semaphore(%arg8 : memref<!tpu.dma_semaphore, #tpu.memory_space<semaphore_mem>>)
    %dma_wait3A_1005 = arith.constant 0 : i32
    %dma_wait3A_1006 = arith.constant 0 : i32
    %dma_wait3A_1007 = tpu.memref_slice %arg5[%dma_wait3A_1005, %dma_wait3A_1006] : memref<2x128xi32, #tpu.memory_space<vmem>> -> memref<1x128xi32, #tpu.memory_space<vmem>>
    %dma_wait3A_1008 = tpu.memref_squeeze %dma_wait3A_1007 : memref<1x128xi32, #tpu.memory_space<vmem>> -> memref<128xi32, #tpu.memory_space<vmem>>
    %dma_wait3A_1009 = tpu.memref_slice %arg3[%add3A_923] : memref<65536xi32, #tpu.memory_space<hbm>> -> memref<128xi32, #tpu.memory_space<hbm>>
    %dma_wait3A_1010 = arith.constant 0 : i32
    %dma_wait3A_1011 = tpu.memref_slice %arg5[%dma_wait3A_1005, %dma_wait3A_1010] : memref<2x128xi32, #tpu.memory_space<vmem>> -> memref<1x128xi32, #tpu.memory_space<vmem>>
    %dma_wait3A_1012 = tpu.memref_squeeze %dma_wait3A_1011 : memref<1x128xi32, #tpu.memory_space<vmem>> -> memref<128xi32, #tpu.memory_space<vmem>>
    %dma_wait3A_1013 = tpu.memref_slice %arg3[%add3A_923] : memref<65536xi32, #tpu.memory_space<hbm>> -> memref<128xi32, #tpu.memory_space<hbm>>
    tpu.wait_dma2 semaphore(%arg7 : memref<!tpu.dma_semaphore, #tpu.memory_space<semaphore_mem>>) src(%dma_wait3A_1013 : memref<128xi32, #tpu.memory_space<hbm>>) dst(%dma_wait3A_1012 : memref<128xi32, #tpu.memory_space<vmem>>)
    %dma_wait3A_1014 = arith.constant 0 : i32
    %dma_wait3A_1015 = arith.constant 0 : i32
    %dma_wait3A_1016 = arith.constant 0 : i32
    %dma_wait3A_1017 = tpu.memref_slice %arg6[%dma_wait3A_1014, %dma_wait3A_1015, %dma_wait3A_1016] : memref<2x128x64xf32, #tpu.memory_space<vmem>> -> memref<1x128x64xf32, #tpu.memory_space<vmem>>
    %dma_wait3A_1018 = tpu.memref_squeeze %dma_wait3A_1017 : memref<1x128x64xf32, #tpu.memory_space<vmem>> -> memref<128x64xf32, #tpu.memory_space<vmem>>
    %dma_wait3A_1019 = arith.constant 0 : i32
    %dma_wait3A_1020 = tpu.memref_slice %arg4[%add3A_908, %dma_wait3A_1019] : memref<65536x64xf32, #tpu.memory_space<hbm>> -> memref<128x64xf32, #tpu.memory_space<hbm>>
    %dma_wait3A_1021 = arith.constant 0 : i32
    %dma_wait3A_1022 = tpu.memref_slice %arg4[%add3A_908, %dma_wait3A_1021] : memref<65536x64xf32, #tpu.memory_space<hbm>> -> memref<128x64xf32, #tpu.memory_space<hbm>>
    %dma_wait3A_1023 = arith.constant 0 : i32
    %dma_wait3A_1024 = arith.constant 0 : i32
    %dma_wait3A_1025 = tpu.memref_slice %arg6[%dma_wait3A_1014, %dma_wait3A_1023, %dma_wait3A_1024] : memref<2x128x64xf32, #tpu.memory_space<vmem>> -> memref<1x128x64xf32, #tpu.memory_space<vmem>>
    %dma_wait3A_1026 = tpu.memref_squeeze %dma_wait3A_1025 : memref<1x128x64xf32, #tpu.memory_space<vmem>> -> memref<128x64xf32, #tpu.memory_space<vmem>>
    tpu.wait_dma2 semaphore(%arg11 : memref<!tpu.dma_semaphore, #tpu.memory_space<semaphore_mem>>) src(%dma_wait3A_1026 : memref<128x64xf32, #tpu.memory_space<vmem>>) dst(%dma_wait3A_1022 : memref<128x64xf32, #tpu.memory_space<hbm>>)
    %dma_start3A_1027 = arith.constant 0 : i32
    %dma_start3A_1028 = arith.constant 0 : i32
    %dma_start3A_1029 = arith.constant 0 : i32
    %dma_start3A_1030 = arith.constant 0 : i32
    %dma_start3A_1031 = tpu.memref_slice %arg6[%dma_start3A_1028, %dma_start3A_1029, %dma_start3A_1030] : memref<2x128x64xf32, #tpu.memory_space<vmem>> -> memref<1x128x64xf32, #tpu.memory_space<vmem>>
    %dma_start3A_1032 = tpu.memref_squeeze %dma_start3A_1031 : memref<1x128x64xf32, #tpu.memory_space<vmem>> -> memref<128x64xf32, #tpu.memory_space<vmem>>
    %dma_start3A_1033 = arith.constant 0 : i32
    %dma_start3A_1034 = tpu.memref_slice %arg5[%dma_start3A_1027, %dma_start3A_1033] : memref<2x128xi32, #tpu.memory_space<vmem>> -> memref<1x128xi32, #tpu.memory_space<vmem>>
    %dma_start3A_1035 = tpu.memref_squeeze %dma_start3A_1034 : memref<1x128xi32, #tpu.memory_space<vmem>> -> memref<128xi32, #tpu.memory_space<vmem>>
    %dma_start3A_1036 = arith.constant 0 : i32
    %dma_start3A_1037 = arith.constant 0 : i32
    %dma_start3A_1038 = tpu.memref_slice %arg2[%dma_start3A_1036, %dma_start3A_1037] : memref<8192x64xf32, #tpu.memory_space<hbm>> -> memref<8192x64xf32, #tpu.memory_space<hbm>>
    tpu.enqueue_indirect_dma source(%dma_start3A_1038 : memref<8192x64xf32, #tpu.memory_space<hbm>>) target(%dma_start3A_1032 : memref<128x64xf32, #tpu.memory_space<vmem>>) offsets(%dma_start3A_1035 : memref<128xi32, #tpu.memory_space<vmem>>) semaphore(%arg9 : memref<!tpu.dma_semaphore, #tpu.memory_space<semaphore_mem>>)
    %dma_wait3A_1039 = arith.constant 0 : i32
    %dma_wait3A_1040 = arith.constant 0 : i32
    %dma_wait3A_1041 = arith.constant 0 : i32
    %dma_wait3A_1042 = arith.constant 0 : i32
    %dma_wait3A_1043 = tpu.memref_slice %arg6[%dma_wait3A_1040, %dma_wait3A_1041, %dma_wait3A_1042] : memref<2x128x64xf32, #tpu.memory_space<vmem>> -> memref<1x128x64xf32, #tpu.memory_space<vmem>>
    %dma_wait3A_1044 = tpu.memref_squeeze %dma_wait3A_1043 : memref<1x128x64xf32, #tpu.memory_space<vmem>> -> memref<128x64xf32, #tpu.memory_space<vmem>>
    %dma_wait3A_1045 = arith.constant 0 : i32
    %dma_wait3A_1046 = tpu.memref_slice %arg5[%dma_wait3A_1039, %dma_wait3A_1045] : memref<2x128xi32, #tpu.memory_space<vmem>> -> memref<1x128xi32, #tpu.memory_space<vmem>>
    %dma_wait3A_1047 = tpu.memref_squeeze %dma_wait3A_1046 : memref<1x128xi32, #tpu.memory_space<vmem>> -> memref<128xi32, #tpu.memory_space<vmem>>
    %dma_wait3A_1048 = arith.constant 0 : i32
    %dma_wait3A_1049 = arith.constant 0 : i32
    %dma_wait3A_1050 = tpu.memref_slice %arg2[%dma_wait3A_1048, %dma_wait3A_1049] : memref<8192x64xf32, #tpu.memory_space<hbm>> -> memref<8192x64xf32, #tpu.memory_space<hbm>>
    tpu.wait_indirect_dma semaphore(%arg9 : memref<!tpu.dma_semaphore, #tpu.memory_space<semaphore_mem>>) src(%dma_wait3A_1050 : memref<8192x64xf32, #tpu.memory_space<hbm>>) dst(%dma_wait3A_1044 : memref<128x64xf32, #tpu.memory_space<vmem>>)
    %add3A_1051 = arith.constant 1792 : i32
    %add3A_1052 = arith.addi %mul3A_2, %add3A_1051 : i32
    %dma_start3A_1053 = arith.constant 0 : i32
    %dma_start3A_1054 = arith.constant 0 : i32
    %dma_start3A_1055 = arith.constant 0 : i32
    %dma_start3A_1056 = tpu.memref_slice %arg6[%dma_start3A_1053, %dma_start3A_1054, %dma_start3A_1055] : memref<2x128x64xf32, #tpu.memory_space<vmem>> -> memref<1x128x64xf32, #tpu.memory_space<vmem>>
    %dma_start3A_1057 = tpu.memref_squeeze %dma_start3A_1056 : memref<1x128x64xf32, #tpu.memory_space<vmem>> -> memref<128x64xf32, #tpu.memory_space<vmem>>
    %dma_start3A_1058 = arith.constant 0 : i32
    %dma_start3A_1059 = tpu.memref_slice %arg4[%add3A_1052, %dma_start3A_1058] : memref<65536x64xf32, #tpu.memory_space<hbm>> -> memref<128x64xf32, #tpu.memory_space<hbm>>
    %dma_start3A_1060 = arith.constant 0 : i32
    %dma_start3A_1061 = tpu.memref_slice %arg4[%add3A_1052, %dma_start3A_1060] : memref<65536x64xf32, #tpu.memory_space<hbm>> -> memref<128x64xf32, #tpu.memory_space<hbm>>
    %dma_start3A_1062 = arith.constant 0 : i32
    %dma_start3A_1063 = arith.constant 0 : i32
    %dma_start3A_1064 = tpu.memref_slice %arg6[%dma_start3A_1053, %dma_start3A_1062, %dma_start3A_1063] : memref<2x128x64xf32, #tpu.memory_space<vmem>> -> memref<1x128x64xf32, #tpu.memory_space<vmem>>
    %dma_start3A_1065 = tpu.memref_squeeze %dma_start3A_1064 : memref<1x128x64xf32, #tpu.memory_space<vmem>> -> memref<128x64xf32, #tpu.memory_space<vmem>>
    tpu.enqueue_dma source(%dma_start3A_1065 : memref<128x64xf32, #tpu.memory_space<vmem>>) target(%dma_start3A_1061 : memref<128x64xf32, #tpu.memory_space<hbm>>) target_semaphore(%arg11 : memref<!tpu.dma_semaphore, #tpu.memory_space<semaphore_mem>>)
    %dma_wait3A_1066 = arith.constant 1 : i32
    %dma_wait3A_1067 = arith.constant 0 : i32
    %dma_wait3A_1068 = tpu.memref_slice %arg5[%dma_wait3A_1066, %dma_wait3A_1067] : memref<2x128xi32, #tpu.memory_space<vmem>> -> memref<1x128xi32, #tpu.memory_space<vmem>>
    %dma_wait3A_1069 = tpu.memref_squeeze %dma_wait3A_1068 : memref<1x128xi32, #tpu.memory_space<vmem>> -> memref<128xi32, #tpu.memory_space<vmem>>
    %dma_wait3A_1070 = tpu.memref_slice %arg3[%add3A_995] : memref<65536xi32, #tpu.memory_space<hbm>> -> memref<128xi32, #tpu.memory_space<hbm>>
    %dma_wait3A_1071 = arith.constant 0 : i32
    %dma_wait3A_1072 = tpu.memref_slice %arg5[%dma_wait3A_1066, %dma_wait3A_1071] : memref<2x128xi32, #tpu.memory_space<vmem>> -> memref<1x128xi32, #tpu.memory_space<vmem>>
    %dma_wait3A_1073 = tpu.memref_squeeze %dma_wait3A_1072 : memref<1x128xi32, #tpu.memory_space<vmem>> -> memref<128xi32, #tpu.memory_space<vmem>>
    %dma_wait3A_1074 = tpu.memref_slice %arg3[%add3A_995] : memref<65536xi32, #tpu.memory_space<hbm>> -> memref<128xi32, #tpu.memory_space<hbm>>
    tpu.wait_dma2 semaphore(%arg8 : memref<!tpu.dma_semaphore, #tpu.memory_space<semaphore_mem>>) src(%dma_wait3A_1074 : memref<128xi32, #tpu.memory_space<hbm>>) dst(%dma_wait3A_1073 : memref<128xi32, #tpu.memory_space<vmem>>)
    %dma_wait3A_1075 = arith.constant 1 : i32
    %dma_wait3A_1076 = arith.constant 0 : i32
    %dma_wait3A_1077 = arith.constant 0 : i32
    %dma_wait3A_1078 = tpu.memref_slice %arg6[%dma_wait3A_1075, %dma_wait3A_1076, %dma_wait3A_1077] : memref<2x128x64xf32, #tpu.memory_space<vmem>> -> memref<1x128x64xf32, #tpu.memory_space<vmem>>
    %dma_wait3A_1079 = tpu.memref_squeeze %dma_wait3A_1078 : memref<1x128x64xf32, #tpu.memory_space<vmem>> -> memref<128x64xf32, #tpu.memory_space<vmem>>
    %dma_wait3A_1080 = arith.constant 0 : i32
    %dma_wait3A_1081 = tpu.memref_slice %arg4[%add3A_980, %dma_wait3A_1080] : memref<65536x64xf32, #tpu.memory_space<hbm>> -> memref<128x64xf32, #tpu.memory_space<hbm>>
    %dma_wait3A_1082 = arith.constant 0 : i32
    %dma_wait3A_1083 = tpu.memref_slice %arg4[%add3A_980, %dma_wait3A_1082] : memref<65536x64xf32, #tpu.memory_space<hbm>> -> memref<128x64xf32, #tpu.memory_space<hbm>>
    %dma_wait3A_1084 = arith.constant 0 : i32
    %dma_wait3A_1085 = arith.constant 0 : i32
    %dma_wait3A_1086 = tpu.memref_slice %arg6[%dma_wait3A_1075, %dma_wait3A_1084, %dma_wait3A_1085] : memref<2x128x64xf32, #tpu.memory_space<vmem>> -> memref<1x128x64xf32, #tpu.memory_space<vmem>>
    %dma_wait3A_1087 = tpu.memref_squeeze %dma_wait3A_1086 : memref<1x128x64xf32, #tpu.memory_space<vmem>> -> memref<128x64xf32, #tpu.memory_space<vmem>>
    tpu.wait_dma2 semaphore(%arg12 : memref<!tpu.dma_semaphore, #tpu.memory_space<semaphore_mem>>) src(%dma_wait3A_1087 : memref<128x64xf32, #tpu.memory_space<vmem>>) dst(%dma_wait3A_1083 : memref<128x64xf32, #tpu.memory_space<hbm>>)
    %dma_start3A_1088 = arith.constant 1 : i32
    %dma_start3A_1089 = arith.constant 1 : i32
    %dma_start3A_1090 = arith.constant 0 : i32
    %dma_start3A_1091 = arith.constant 0 : i32
    %dma_start3A_1092 = tpu.memref_slice %arg6[%dma_start3A_1089, %dma_start3A_1090, %dma_start3A_1091] : memref<2x128x64xf32, #tpu.memory_space<vmem>> -> memref<1x128x64xf32, #tpu.memory_space<vmem>>
    %dma_start3A_1093 = tpu.memref_squeeze %dma_start3A_1092 : memref<1x128x64xf32, #tpu.memory_space<vmem>> -> memref<128x64xf32, #tpu.memory_space<vmem>>
    %dma_start3A_1094 = arith.constant 0 : i32
    %dma_start3A_1095 = tpu.memref_slice %arg5[%dma_start3A_1088, %dma_start3A_1094] : memref<2x128xi32, #tpu.memory_space<vmem>> -> memref<1x128xi32, #tpu.memory_space<vmem>>
    %dma_start3A_1096 = tpu.memref_squeeze %dma_start3A_1095 : memref<1x128xi32, #tpu.memory_space<vmem>> -> memref<128xi32, #tpu.memory_space<vmem>>
    %dma_start3A_1097 = arith.constant 0 : i32
    %dma_start3A_1098 = arith.constant 0 : i32
    %dma_start3A_1099 = tpu.memref_slice %arg2[%dma_start3A_1097, %dma_start3A_1098] : memref<8192x64xf32, #tpu.memory_space<hbm>> -> memref<8192x64xf32, #tpu.memory_space<hbm>>
    tpu.enqueue_indirect_dma source(%dma_start3A_1099 : memref<8192x64xf32, #tpu.memory_space<hbm>>) target(%dma_start3A_1093 : memref<128x64xf32, #tpu.memory_space<vmem>>) offsets(%dma_start3A_1096 : memref<128xi32, #tpu.memory_space<vmem>>) semaphore(%arg10 : memref<!tpu.dma_semaphore, #tpu.memory_space<semaphore_mem>>)
    %dma_wait3A_1100 = arith.constant 1 : i32
    %dma_wait3A_1101 = arith.constant 1 : i32
    %dma_wait3A_1102 = arith.constant 0 : i32
    %dma_wait3A_1103 = arith.constant 0 : i32
    %dma_wait3A_1104 = tpu.memref_slice %arg6[%dma_wait3A_1101, %dma_wait3A_1102, %dma_wait3A_1103] : memref<2x128x64xf32, #tpu.memory_space<vmem>> -> memref<1x128x64xf32, #tpu.memory_space<vmem>>
    %dma_wait3A_1105 = tpu.memref_squeeze %dma_wait3A_1104 : memref<1x128x64xf32, #tpu.memory_space<vmem>> -> memref<128x64xf32, #tpu.memory_space<vmem>>
    %dma_wait3A_1106 = arith.constant 0 : i32
    %dma_wait3A_1107 = tpu.memref_slice %arg5[%dma_wait3A_1100, %dma_wait3A_1106] : memref<2x128xi32, #tpu.memory_space<vmem>> -> memref<1x128xi32, #tpu.memory_space<vmem>>
    %dma_wait3A_1108 = tpu.memref_squeeze %dma_wait3A_1107 : memref<1x128xi32, #tpu.memory_space<vmem>> -> memref<128xi32, #tpu.memory_space<vmem>>
    %dma_wait3A_1109 = arith.constant 0 : i32
    %dma_wait3A_1110 = arith.constant 0 : i32
    %dma_wait3A_1111 = tpu.memref_slice %arg2[%dma_wait3A_1109, %dma_wait3A_1110] : memref<8192x64xf32, #tpu.memory_space<hbm>> -> memref<8192x64xf32, #tpu.memory_space<hbm>>
    tpu.wait_indirect_dma semaphore(%arg10 : memref<!tpu.dma_semaphore, #tpu.memory_space<semaphore_mem>>) src(%dma_wait3A_1111 : memref<8192x64xf32, #tpu.memory_space<hbm>>) dst(%dma_wait3A_1105 : memref<128x64xf32, #tpu.memory_space<vmem>>)
    %add3A_1112 = arith.constant 1920 : i32
    %add3A_1113 = arith.addi %mul3A_2, %add3A_1112 : i32
    %dma_start3A_1114 = arith.constant 1 : i32
    %dma_start3A_1115 = arith.constant 0 : i32
    %dma_start3A_1116 = arith.constant 0 : i32
    %dma_start3A_1117 = tpu.memref_slice %arg6[%dma_start3A_1114, %dma_start3A_1115, %dma_start3A_1116] : memref<2x128x64xf32, #tpu.memory_space<vmem>> -> memref<1x128x64xf32, #tpu.memory_space<vmem>>
    %dma_start3A_1118 = tpu.memref_squeeze %dma_start3A_1117 : memref<1x128x64xf32, #tpu.memory_space<vmem>> -> memref<128x64xf32, #tpu.memory_space<vmem>>
    %dma_start3A_1119 = arith.constant 0 : i32
    %dma_start3A_1120 = tpu.memref_slice %arg4[%add3A_1113, %dma_start3A_1119] : memref<65536x64xf32, #tpu.memory_space<hbm>> -> memref<128x64xf32, #tpu.memory_space<hbm>>
    %dma_start3A_1121 = arith.constant 0 : i32
    %dma_start3A_1122 = tpu.memref_slice %arg4[%add3A_1113, %dma_start3A_1121] : memref<65536x64xf32, #tpu.memory_space<hbm>> -> memref<128x64xf32, #tpu.memory_space<hbm>>
    %dma_start3A_1123 = arith.constant 0 : i32
    %dma_start3A_1124 = arith.constant 0 : i32
    %dma_start3A_1125 = tpu.memref_slice %arg6[%dma_start3A_1114, %dma_start3A_1123, %dma_start3A_1124] : memref<2x128x64xf32, #tpu.memory_space<vmem>> -> memref<1x128x64xf32, #tpu.memory_space<vmem>>
    %dma_start3A_1126 = tpu.memref_squeeze %dma_start3A_1125 : memref<1x128x64xf32, #tpu.memory_space<vmem>> -> memref<128x64xf32, #tpu.memory_space<vmem>>
    tpu.enqueue_dma source(%dma_start3A_1126 : memref<128x64xf32, #tpu.memory_space<vmem>>) target(%dma_start3A_1122 : memref<128x64xf32, #tpu.memory_space<hbm>>) target_semaphore(%arg12 : memref<!tpu.dma_semaphore, #tpu.memory_space<semaphore_mem>>)
    %dma_wait3A_1127 = arith.constant 0 : i32
    %dma_wait3A_1128 = arith.constant 0 : i32
    %dma_wait3A_1129 = arith.constant 0 : i32
    %dma_wait3A_1130 = tpu.memref_slice %arg6[%dma_wait3A_1127, %dma_wait3A_1128, %dma_wait3A_1129] : memref<2x128x64xf32, #tpu.memory_space<vmem>> -> memref<1x128x64xf32, #tpu.memory_space<vmem>>
    %dma_wait3A_1131 = tpu.memref_squeeze %dma_wait3A_1130 : memref<1x128x64xf32, #tpu.memory_space<vmem>> -> memref<128x64xf32, #tpu.memory_space<vmem>>
    %dma_wait3A_1132 = arith.constant 0 : i32
    %dma_wait3A_1133 = tpu.memref_slice %arg4[%add3A_1052, %dma_wait3A_1132] : memref<65536x64xf32, #tpu.memory_space<hbm>> -> memref<128x64xf32, #tpu.memory_space<hbm>>
    %dma_wait3A_1134 = arith.constant 0 : i32
    %dma_wait3A_1135 = tpu.memref_slice %arg4[%add3A_1052, %dma_wait3A_1134] : memref<65536x64xf32, #tpu.memory_space<hbm>> -> memref<128x64xf32, #tpu.memory_space<hbm>>
    %dma_wait3A_1136 = arith.constant 0 : i32
    %dma_wait3A_1137 = arith.constant 0 : i32
    %dma_wait3A_1138 = tpu.memref_slice %arg6[%dma_wait3A_1127, %dma_wait3A_1136, %dma_wait3A_1137] : memref<2x128x64xf32, #tpu.memory_space<vmem>> -> memref<1x128x64xf32, #tpu.memory_space<vmem>>
    %dma_wait3A_1139 = tpu.memref_squeeze %dma_wait3A_1138 : memref<1x128x64xf32, #tpu.memory_space<vmem>> -> memref<128x64xf32, #tpu.memory_space<vmem>>
    tpu.wait_dma2 semaphore(%arg11 : memref<!tpu.dma_semaphore, #tpu.memory_space<semaphore_mem>>) src(%dma_wait3A_1139 : memref<128x64xf32, #tpu.memory_space<vmem>>) dst(%dma_wait3A_1135 : memref<128x64xf32, #tpu.memory_space<hbm>>)
    %dma_wait3A_1140 = arith.constant 1 : i32
    %dma_wait3A_1141 = arith.constant 0 : i32
    %dma_wait3A_1142 = arith.constant 0 : i32
    %dma_wait3A_1143 = tpu.memref_slice %arg6[%dma_wait3A_1140, %dma_wait3A_1141, %dma_wait3A_1142] : memref<2x128x64xf32, #tpu.memory_space<vmem>> -> memref<1x128x64xf32, #tpu.memory_space<vmem>>
    %dma_wait3A_1144 = tpu.memref_squeeze %dma_wait3A_1143 : memref<1x128x64xf32, #tpu.memory_space<vmem>> -> memref<128x64xf32, #tpu.memory_space<vmem>>
    %dma_wait3A_1145 = arith.constant 0 : i32
    %dma_wait3A_1146 = tpu.memref_slice %arg4[%add3A_1113, %dma_wait3A_1145] : memref<65536x64xf32, #tpu.memory_space<hbm>> -> memref<128x64xf32, #tpu.memory_space<hbm>>
    %dma_wait3A_1147 = arith.constant 0 : i32
    %dma_wait3A_1148 = tpu.memref_slice %arg4[%add3A_1113, %dma_wait3A_1147] : memref<65536x64xf32, #tpu.memory_space<hbm>> -> memref<128x64xf32, #tpu.memory_space<hbm>>
    %dma_wait3A_1149 = arith.constant 0 : i32
    %dma_wait3A_1150 = arith.constant 0 : i32
    %dma_wait3A_1151 = tpu.memref_slice %arg6[%dma_wait3A_1140, %dma_wait3A_1149, %dma_wait3A_1150] : memref<2x128x64xf32, #tpu.memory_space<vmem>> -> memref<1x128x64xf32, #tpu.memory_space<vmem>>
    %dma_wait3A_1152 = tpu.memref_squeeze %dma_wait3A_1151 : memref<1x128x64xf32, #tpu.memory_space<vmem>> -> memref<128x64xf32, #tpu.memory_space<vmem>>
    tpu.wait_dma2 semaphore(%arg12 : memref<!tpu.dma_semaphore, #tpu.memory_space<semaphore_mem>>) src(%dma_wait3A_1152 : memref<128x64xf32, #tpu.memory_space<vmem>>) dst(%dma_wait3A_1148 : memref<128x64xf32, #tpu.memory_space<hbm>>)
    return
  }
}

module attributes {stable_mosaic.version = 14 : i64} {
  func.func @_dist_argmin_body(%arg0: i32, %arg1: memref<256x64xf32, #tpu.memory_space<vmem>>, %arg2: memref<64x8192xf32, #tpu.memory_space<vmem>>, %arg3: memref<256xi32, #tpu.memory_space<vmem>>, %arg4: memref<1x8192xf32, #tpu.memory_space<vmem>>) attributes {dimension_semantics = [#tpu.dimension_semantics<arbitrary>], iteration_bounds = array<i64: 256>, scalar_prefetch = 0 : i64, scratch_operands = 1 : i64, tpu.core_type = #tpu.core_type<tc>, window_params = [{transform_indices = @transform_0, window_bounds = array<i64: 256, 64>}, {pipeline_mode = #tpu.pipeline_mode<synchronous>, transform_indices = @transform_1, window_bounds = array<i64: 64, 8192>}, {transform_indices = @transform_2, window_bounds = array<i64: 256>}]} {
    %eq3A = arith.constant 0 : i32
    %eq3A_0 = arith.cmpi eq, %arg0, %eq3A : i32
    %convert_element_type3A = arith.extui %eq3A_0 : i1 to i32
    %cond3A = arith.constant 0 : i32
    %cond3A_1 = arith.cmpi ne, %convert_element_type3A, %cond3A : i32
    scf.if %cond3A_1 {
      %get3A_19 = arith.constant 0 : index
      %get3A_20 = arith.constant 0 : index
      %get3A_21 = vector.load %arg2[%get3A_19, %get3A_20] : memref<64x8192xf32, #tpu.memory_space<vmem>>, vector<64x8192xf32>
      %mul3A_22 = arith.mulf %get3A_21, %get3A_21 : vector<64x8192xf32>
      %reduce_sum3A_23 = arith.constant dense<0.000000e+00> : vector<8192xf32>
      %reduce_sum3A_24 = vector.multi_reduction <add>, %mul3A_22, %reduce_sum3A_23 [0] : vector<64x8192xf32> to vector<8192xf32>
      %broadcast_in_dim3A_25 = vector.shape_cast %reduce_sum3A_24 : vector<8192xf32> to vector<1x8192xf32>
      %swap3A_26 = arith.constant 0 : index
      %swap3A_27 = arith.constant 0 : index
      %swap3A_28 = vector.load %arg4[%swap3A_26, %swap3A_27] : memref<1x8192xf32, #tpu.memory_space<vmem>>, vector<1x8192xf32>
      tpu.vector_store %arg4[%swap3A_26, %swap3A_27], %broadcast_in_dim3A_25 {strides = array<i32>} : memref<1x8192xf32, #tpu.memory_space<vmem>>, vector<1x8192xf32>,
    } else {
    }
    %get3A = arith.constant 0 : index
    %get3A_2 = arith.constant 0 : index
    %get3A_3 = vector.load %arg1[%get3A, %get3A_2] : memref<256x64xf32, #tpu.memory_space<vmem>>, vector<256x64xf32>
    %mul3A = arith.mulf %get3A_3, %get3A_3 : vector<256x64xf32>
    %reduce_sum3A = arith.constant dense<0.000000e+00> : vector<256xf32>
    %reduce_sum3A_4 = vector.multi_reduction <add>, %mul3A, %reduce_sum3A [1] : vector<256x64xf32> to vector<256xf32>
    %broadcast_in_dim3A = vector.shape_cast %reduce_sum3A_4 : vector<256xf32> to vector<256x1xf32>
    %mul3A_5 = arith.constant -2.000000e+00 : f32
    %mul3A_6 = vector.broadcast %mul3A_5 : f32 to vector<256x64xf32>
    %mul3A_7 = arith.mulf %get3A_3, %mul3A_6 : vector<256x64xf32>
    %get3A_8 = arith.constant 0 : index
    %get3A_9 = arith.constant 0 : index
    %get3A_10 = vector.load %arg2[%get3A_8, %get3A_9] : memref<64x8192xf32, #tpu.memory_space<vmem>>, vector<64x8192xf32>
    %dot_general3A = arith.constant dense<0.000000e+00> : vector<256x8192xf32>
    %dot_general3A_11 = tpu.matmul %mul3A_7, %get3A_10, %dot_general3A {dimension_numbers = #tpu.dot_dimension_numbers<[1], [0], [0], [1], [0, 0, 1, 1], [], []>, transpose_lhs_hint = false} : vector<256x64xf32>, vector<64x8192xf32>, vector<256x8192xf32> -> vector<256x8192xf32>
    %get3A_12 = arith.constant 0 : index
    %get3A_13 = arith.constant 0 : index
    %get3A_14 = vector.load %arg4[%get3A_12, %get3A_13] : memref<1x8192xf32, #tpu.memory_space<vmem>>, vector<1x8192xf32>
    %add3A = vector.broadcast %broadcast_in_dim3A : vector<256x1xf32> to vector<256x8192xf32>
    %add3A_15 = vector.broadcast %get3A_14 : vector<1x8192xf32> to vector<256x8192xf32>
    %add3A_16 = arith.addf %add3A, %add3A_15 : vector<256x8192xf32>
    %add3A_17 = arith.addf %add3A_16, %dot_general3A_11 : vector<256x8192xf32>
    %argmin3A = tpu.reduce_index %add3A_17 {axis = 1 : i32, kind = #tpu.reduction_kind<arg_min>} : vector<256x8192xf32> -> vector<256xi32>
    %swap3A = arith.constant 0 : index
    %swap3A_18 = vector.load %arg3[%swap3A] : memref<256xi32, #tpu.memory_space<vmem>>, vector<256xi32>
    tpu.vector_store %arg3[%swap3A], %argmin3A {strides = array<i32>} : memref<256xi32, #tpu.memory_space<vmem>>, vector<256xi32>,
    return
  }
  func.func @transform_0(%arg0: i32) -> (i32, i32) {
    %c0_i32 = arith.constant 0 : i32
    %c0_i32_0 = arith.constant 0 : i32
    return %arg0, %c0_i32 : i32, i32
  }
  func.func @transform_1(%arg0: i32) -> (i32, i32) {
    %c0_i32 = arith.constant 0 : i32
    %c0_i32_0 = arith.constant 0 : i32
    %c0_i32_1 = arith.constant 0 : i32
    return %c0_i32, %c0_i32_0 : i32, i32
  }
  func.func @transform_2(%arg0: i32) -> i32 {
    %c0_i32 = arith.constant 0 : i32
    return %arg0 : i32
  }
}

module attributes {stable_mosaic.version = 14 : i64} {
  func.func @_loss_body(%arg0: i32, %arg1: memref<4096x64xf32, #tpu.memory_space<vmem>>, %arg2: memref<4096x64xf32, #tpu.memory_space<vmem>>, %arg3: memref<1x1xf32, #tpu.memory_space<smem>>) attributes {dimension_semantics = [#tpu.dimension_semantics<arbitrary>], iteration_bounds = array<i64: 16>, scalar_prefetch = 0 : i64, scratch_operands = 0 : i64, tpu.core_type = #tpu.core_type<tc>, window_params = [{transform_indices = @transform_0, window_bounds = array<i64: 4096, 64>}, {transform_indices = @transform_1, window_bounds = array<i64: 4096, 64>}, {transform_indices = @transform_2, window_bounds = array<i64: 1, 1>}]} {
    %get3A = arith.constant 0 : index
    %get3A_0 = arith.constant 0 : index
    %get3A_1 = vector.load %arg1[%get3A, %get3A_0] : memref<4096x64xf32, #tpu.memory_space<vmem>>, vector<4096x64xf32>
    %get3A_2 = arith.constant 0 : index
    %get3A_3 = arith.constant 0 : index
    %get3A_4 = vector.load %arg2[%get3A_2, %get3A_3] : memref<4096x64xf32, #tpu.memory_space<vmem>>, vector<4096x64xf32>
    %sub3A = arith.subf %get3A_1, %get3A_4 : vector<4096x64xf32>
    %mul3A = arith.mulf %sub3A, %sub3A : vector<4096x64xf32>
    %reduce_sum3A = vector.shape_cast %mul3A : vector<4096x64xf32> to vector<1x4096x64xf32>
    %reduce_sum3A_5 = arith.constant dense<0.000000e+00> : vector<1xf32>
    %reduce_sum3A_6 = vector.multi_reduction <add>, %reduce_sum3A, %reduce_sum3A_5 [1, 2] : vector<1x4096x64xf32> to vector<1xf32>
    %reduce_sum3A_7 = vector.shape_cast %reduce_sum3A_6 : vector<1xf32> to vector<1x1x1xf32>
    %reduce_sum3A_8 = vector.extract %reduce_sum3A_7[0, 0, 0] : f32 from vector<1x1x1xf32>
    %eq3A = arith.constant 0 : i32
    %eq3A_9 = arith.cmpi eq, %arg0, %eq3A : i32
    %get3A_10 = arith.constant 0 : index
    %get3A_11 = arith.constant 0 : index
    %get3A_12 = memref.load %arg3[%get3A_10, %get3A_11] : memref<1x1xf32, #tpu.memory_space<smem>>
    %jit3A = arith.constant 0.000000e+00 : f32
    %select_n3A = arith.select %eq3A_9, %jit3A, %get3A_12 : f32
    %add3A = arith.addf %select_n3A, %reduce_sum3A_8 : f32
    %eq3A_13 = arith.constant 15 : i32
    %eq3A_14 = arith.cmpi eq, %arg0, %eq3A_13 : i32
    %mul3A_15 = arith.constant 2.98023224E-7 : f32
    %mul3A_16 = arith.mulf %add3A, %mul3A_15 : f32
    %select_n3A_17 = arith.select %eq3A_14, %mul3A_16, %add3A : f32
    %swap3A = arith.constant 0 : index
    %swap3A_18 = arith.constant 0 : index
    %swap3A_19 = memref.load %arg3[%swap3A, %swap3A_18] : memref<1x1xf32, #tpu.memory_space<smem>>
    memref.store %select_n3A_17, %arg3[%swap3A, %swap3A_18] : memref<1x1xf32, #tpu.memory_space<smem>>
    return
  }
  func.func @transform_0(%arg0: i32) -> (i32, i32) {
    %c0_i32 = arith.constant 0 : i32
    %c0_i32_0 = arith.constant 0 : i32
    return %arg0, %c0_i32 : i32, i32
  }
  func.func @transform_1(%arg0: i32) -> (i32, i32) {
    %c0_i32 = arith.constant 0 : i32
    %c0_i32_0 = arith.constant 0 : i32
    return %arg0, %c0_i32 : i32, i32
  }
  func.func @transform_2(%arg0: i32) -> (i32, i32) {
    %c0_i32 = arith.constant 0 : i32
    %c0_i32_0 = arith.constant 0 : i32
    %c0_i32_1 = arith.constant 0 : i32
    return %c0_i32, %c0_i32_0 : i32, i32
  }
}

</mosaic_0001>

<sc_bundles>
// kernel: kernel.5.cloned.1.call-start
scs
__scs_entry_jumppad:
0x0: {  	(pc) =	sbr.rel $0x88, $3  }
0x1: {  	(tag) =	ssettag $0x0;
	lr =	simm.s32 $0x1  }
0x2: {  	[smem:$0x3F9F] =	sst lr;
	_ =	strace $0xD0000000  }
0x3: {  	_ = 	snop  }
0x4: {  	_ = 	snop  }
0x5: {  	_ = 	snop  }
0x6: {  	_ = 	snop  }
0x7: {  	_ = 	snop  }
__scs_overlays_trampoline_lowered:
0x8: {  	[smem:$0x3FAE] =	sst s0  }
0x9: {  	[smem:$0x3FAF] =	sst s1  }
0xa: {  	[smem:$0x3FB0] =	sst s2  }
0xb: {  	[smem:$0x3FB1] =	sst s3  }
0xc: {  	[smem:$0x3FB2] =	sst s4  }
0xd: {  	[smem:$0x3FB3] =	sst s5  }
0xe: {  	[smem:$0x3FB4] =	sst s6  }
0xf: {  	[smem:$0x3FB5] =	sst s7  }
0x10: {  	[smem:$0x3FB6] =	sst s8  }
0x11: {  	[smem:$0x3FB7] =	sst s9;
	s0 =	simm.s32 @!p0 $0x0  }
0x12: {  	s1 =	sld [smem:$0x3F9D];
	s0 =	simm.s32 @p0 $0x1  }
0x13: {  	[smem:$0x3FB8] =	sst s0;
	s0 =	simm.s32 @!p1 $0x0  }
0x14: {  	s2 =	sld [smem:$0x3F9C];
	s0 =	simm.s32 @p1 $0x1  }
0x15: {  	[smem:$0x3FB9] =	sst s0;
	s0 =	simm.s32 @!p2 $0x0  }
0x16: {  	s3 =	sld [smem:$0x3FDB];
	s0 =	simm.s32 @p2 $0x1  }
0x17: {  	s4 =	simm.s32 $0x1BF5;
	[smem:$0x3FBB] =	sst s0  }
0x18: {  	s0 =	sld [smem:$0x3F9E];
	_ =	swait.ge [sflag:s4], $0x0  }
0x19: {  	s7 =	sld [smem:$0x3F9F]  }
0x1a: {  	s8 =	sadd.s32 $0xFFFFE003, lr  }
0x1b: {  	s9 =	sadd.s32 $0xFFFFFEF7, lr;
	s5 =	simm.s32 $0xFFFFFFFF;
	p2 =	slt.u32 s8, $0xFFFFF086  }
0x1c: {  	p1 =	slt.u32 s9, $0xF7A;
	s5 =	simm.s32 @!p2 $0x0  }
0x1d: {  	s5 =	simm.s32 @p1 $0x1;
	p0 =	seq.s32 s7, s2  }
0x1e: {  	s7 =	smul.u32 @!p0 $0xF7A, s2;
	p2 =	seq.s32 @!p0 s5, $0x0  }
0x1f: {  	s9 =	smul.u32 $0xF7A, s1;
	s8 =	simm.s32 @!p0 $0x1BF5;
	p2 =	por !p2, p0  }
0x20: {  	[sflag:s8] =	ssyncset.s32 @!p0 $0xFFFFF086;
	s6 =	sadd.s32 @!p0 s3, s7;
	s7 =	simm.s32 @!p0 $0x108  }
0x21: {  	s3 =	sadd.s32 s3, s9;
	s6 =	sadd.s32 @!p0 $0x88, s6;
	s7 =	simm.s32 @p2 $0x1082  }
0x22: {  	[simem:s7], [sflag:s8] =	dma.local @!p0 [hbm:s6], $0xF7A  }
0x23: {  	s9 =	sor.u32 $0xD0000000, s2;
	s6 =	simm.s32 $0x108;
	_ =	swait.ge @!p0 [sflag:s8], $0x0  }
0x24: {  	s3 =	sadd.s32 $0x88, s3;
	s6 =	simm.s32 @!p1 $0x1082;
	[sflag:s4] =	ssyncset.s32 $0xFFFFF086  }
0x25: {  	[simem:s6], [sflag:s4] =	dma.local [hbm:s3], $0xF7A  }
0x26: {  	[smem:$0x3F9F] =	sst s1;
	(tag) =	ssettag s2;
	_ =	strace s9  }
0x27: {  	s1 =	sld [smem:$0x3FAF]  }
0x28: {  	s2 =	sld [smem:$0x3FB0]  }
0x29: {  	s4 =	sld [smem:$0x3FB2]  }
0x2a: {  	p0 =	seq.s32 s5, $0x0;
	s5 =	sld [smem:$0x3FB3]  }
0x2b: {  	s6 =	sld [smem:$0x3FB4]  }
0x2c: {  	s7 =	sld [smem:$0x3FB5]  }
0x2d: {  	s3 =	simm.s32 $0x108;
	s8 =	sld [smem:$0x3FB6]  }
0x2e: {  	s3 =	simm.s32 @!p0 $0x1082;
	s9 =	sld [smem:$0x3FB7]  }
0x2f: {  	lr =	sadd.s32 s0, s3;
	s0 =	sld [smem:$0x3FAE]  }
0x30: {  	s3 =	sld [smem:$0x3FB1]  }
0x31: {  	[smem:$0x3FBA] =	sst s10  }
0x32: {  	s10 =	sld [smem:$0x3FB8];
	_ =	sdelay $0x3  }
0x33: {  	p0 =	seq.s32 s10, $0x1;
	s10 =	sld [smem:$0x3FBA];
	_ =	sdelay $0x3  }
0x34: {  	[smem:$0x3FBA] =	sst s10  }
0x35: {  	s10 =	sld [smem:$0x3FB9];
	_ =	sdelay $0x3  }
0x36: {  	p1 =	seq.s32 s10, $0x1;
	s10 =	sld [smem:$0x3FBA];
	_ =	sdelay $0x3  }
0x37: {  	[smem:$0x3FBA] =	sst s10  }
0x38: {  	s10 =	sld [smem:$0x3FBB]  }
0x39: {  	_ = 	snop;
	(pc) =	sbr.ind lr, $3  }
0x3a: {  	_ = 	snop  }
0x3b: {  	_ = 	snop  }
0x3c: {  	p2 =	seq.s32 s10, $0x1;
	s10 =	sld [smem:$0x3FBA]  }
0x3d: {  	_ =	shalt  }
0x3e: {  	_ =	shalt  }
0x3f: {  	_ =	shalt  }
0x40: {  	_ =	shalt  }
0x41: {  	_ =	shalt  }
0x42: {  	_ =	shalt  }
0x43: {  	_ =	shalt  }
0x44: {  	_ =	shalt  }
0x45: {  	_ =	shalt  }
0x46: {  	_ =	shalt  }
0x47: {  	_ =	shalt  }
0x48: {  	_ =	shalt  }
0x49: {  	_ =	shalt  }
0x4a: {  	_ =	shalt  }
0x4b: {  	_ =	shalt  }
0x4c: {  	_ =	shalt  }
0x4d: {  	_ =	shalt  }
0x4e: {  	_ =	shalt  }
0x4f: {  	_ =	shalt  }
0x50: {  	_ =	shalt  }
0x51: {  	_ =	shalt  }
0x52: {  	_ =	shalt  }
0x53: {  	_ =	shalt  }
0x54: {  	_ =	shalt  }
0x55: {  	_ =	shalt  }
0x56: {  	_ =	shalt  }
0x57: {  	_ =	shalt  }
0x58: {  	_ =	shalt  }
0x59: {  	_ =	shalt  }
0x5a: {  	_ =	shalt  }
0x5b: {  	_ =	shalt  }
0x5c: {  	_ =	shalt  }
0x5d: {  	_ =	shalt  }
0x5e: {  	_ =	shalt  }
0x5f: {  	_ =	shalt  }
0x60: {  	_ =	shalt  }
0x61: {  	_ =	shalt  }
0x62: {  	_ =	shalt  }
0x63: {  	_ =	shalt  }
0x64: {  	_ =	shalt  }
0x65: {  	_ =	shalt  }
0x66: {  	_ =	shalt  }
0x67: {  	_ =	shalt  }
0x68: {  	_ =	shalt  }
0x69: {  	_ =	shalt  }
0x6a: {  	_ =	shalt  }
0x6b: {  	_ =	shalt  }
0x6c: {  	_ =	shalt  }
0x6d: {  	_ =	shalt  }
0x6e: {  	_ =	shalt  }
0x6f: {  	_ =	shalt  }
0x70: {  	_ =	shalt  }
0x71: {  	_ =	shalt  }
0x72: {  	_ =	shalt  }
0x73: {  	_ =	shalt  }
0x74: {  	_ =	shalt  }
0x75: {  	_ =	shalt  }
0x76: {  	_ =	shalt  }
0x77: {  	_ =	shalt  }
0x78: {  	_ =	shalt  }
0x79: {  	_ =	shalt  }
0x7a: {  	_ =	shalt  }
0x7b: {  	_ =	shalt  }
0x7c: {  	_ =	shalt  }
0x7d: {  	_ =	shalt  }
0x7e: {  	_ =	shalt  }
0x7f: {  	_ =	shalt  }
0x80: {  	_ =	shalt  }
0x81: {  	_ =	shalt  }
0x82: {  	_ =	shalt  }
0x83: {  	_ =	shalt  }
0x84: {  	_ =	shalt  }
0x85: {  	_ =	shalt  }
0x86: {  	_ =	shalt  }
0x87: {  	_ =	shalt  }
.Lfunc_end0:
.L_simem_size_0:
called_computation_lowered:
.L_overlay_start_0:
0x88: {  	s2 =	sld [smem:$0x3FD9]  }
0x89: {  	s3 =	sld [smem:$0x3FFE];
	_ =	sdelay $0x1  }
0x8a: {  	s1 =	srdreg.scid  }
0x8b: {  	s0 =	sand.u32 $0x1, s1  }
0x8c: {  	s14 =	sshll.u32 s0, $0xA;
	s2 =	sadd.s32 s3, s2  }
0x8d: {  	s2 =	sadd.s32 s2, s14  }
0x8e: {  	[smem:$0x3FC6] =	sst s2  }
0x8f: {  	_ = 	snop  }
0x90: {  	s2 =	sld [smem:$0x3FD0];
	_ =	sdelay $0x2  }
0x91: {  	s15 =	simm.s32 $0xA;
	s4 =	simm.s32 $0x10  }
0x92: {  	[smem:s4], [sflag:s15] =	dma.local [hbm:s2], $0x1  }
0x93: {  	_ =	swait.eq [sflag:s15], $0x1  }
0x94: {  	[sflag:s15] =	ssyncset.done $0x0  }
0x95: {  	s16 =	sld [smem:$0x10];
	[sflag:s15] =	ssyncadd.s32 $0xFFFFFFFF  }
0x96: {  	s17 =	sld [smem:$0x11];
	(tm) =	ssettm $0x1  }
0x97: {  	s18 =	sld [smem:$0x3FFB];
	_ =	sdelay $0x3  }
0x98: {  	_ =	strace s18  }
0x99: {  	s4 =	sld [smem:$0x3FFC];
	_ =	sdelay $0x3  }
0x9a: {  	_ =	strace s4  }
0x9b: {  	s4 =	sld [smem:$0x3FFD];
	_ =	sdelay $0x3  }
0x9c: {  	_ =	strace s4  }
0x9d: {  	_ =	strace $0x8FFFFFFF  }
0x9e: {  	s19 =	sld [smem:$0x3FDB];
	_ =	sdelay $0x1  }
0x9f: {  	s5 =	simm.s32 $_scs_section_size  }
0xa0: {  	s6 =	simm.s32 $_size__tile_overlayer_lowered;
	s7 =	simm.s32 $_tile_overlayer_lowered  }
0xa1: {  	s22 =	simm.s32 $0x1BFF;
	s21 =	sshll.u32 s7, $0x1;
	s4 =	sadd.s32 s5, s19  }
0xa2: {  	s8 =	simm.s32 $0x0;
	s20 =	sshll.u32 s6, $0x1;
	s6 =	sadd.s32 s21, s4  }
0xa3: {  	[timem:s8], [sflag:s22] =	dma.local [hbm:s6], s20  }
0xa4: {  	_ =	swait.ge [sflag:s22], s20  }
0xa5: {  	s5 =	ssub.s32 $0x0, s20;
	[sflag:s22] =	ssyncset.done $0x0  }
0xa6: {  	[sflag:s22] =	ssyncadd.s32 s5;
	_ =	sdelay $0x1  }
0xa7: {  	s23 =	simm.s32 $0x1B8B  }
0xa8: {  	_ =	swait.ge [sflag:s23], $0x1  }
0xa9: {  	[sflag:s23] =	ssyncset.done $0x0  }
0xaa: {  	s25 =	simm.s32 $0x1B8E;
	s24 =	sld [smem:$0x3FFE];
	[sflag:s23] =	ssyncadd.s32 $0xFFFFFFFF  }
0xab: {  	s26 =	simm.s32 $execute0_lowered;
	[smem:$0x3FD2] =	sst s25  }
0xac: {  	s6 =	sshll.u32 s26, $0x1;
	_ =	strace $0x80000046;
	[dreg:$0x1] =	wrdreg $0xFFFFFFFF  }
0xad: {  	s28 =	simm.s32 $_size_execute0_lowered;
	s4 =	sadd.s32 s4, s6;
	[dreg:$0x0] =	wrdreg $0x0  }
0xae: {  	s6 =	sshll.u32 s28, $0x1;
	[dreg:$0x2] =	wrdreg s4  }
0xaf: {  	[dreg:$0x3] =	wrdreg s6  }
0xb0: {  	[dreg:$0x4] =	wrdreg $0xC0  }
0xb1: {  	_ =	task [dreg:s8], $0x5FFFF  }
0xb2: {  	[dreg:$0x1] =	wrdreg $0xFFFFFFFF  }
0xb3: {  	[dreg:$0x0] =	wrdreg $0x60  }
0xb4: {  	[dreg:$0x2] =	wrdreg s24  }
0xb5: {  	[dreg:$0x3] =	wrdreg s17  }
0xb6: {  	[dreg:$0x4] =	wrdreg s16  }
0xb7: {  	[dreg:$0x5] =	wrdreg $0x9  }
0xb8: {  	_ =	task.clear_ibuf [dreg:s8], $0x6FFFF;
	_ =	strace $0x90000046  }
0xb9: {  	s29 =	simm.s32 $0x9;
	_ =	strace $0x80000048  }
0xba: {  	_ =	swait.ge [sflag:s29], $0x1  }
0xbb: {  	[sflag:s29] =	ssyncadd.s32 $0xFFFFFFFF  }
0xbc: {  	_ =	strace $0x90000048  }
0xbd: {  	_ =	sfence  }
0xbe: {  	s30 =	sld [smem:$0x0];
	_ =	sdelay $0x2  }
0xbf: {  	s31 =	sshll.u32 s1, $0xD;
	s1 =	sshrl.u32 s1, $0x2  }
0xc0: {  	s3 =	sand.u32 $0x4000, s31;
	s1 =	sadd.s32 s1, s30  }
0xc1: {  	s0 =	sor.u32 s3, s0;
	s1 =	sshll.u32 s1, $0x11  }
0xc2: {  	s0 =	sor.u32 s1, s0  }
0xc3: {  	s0 =	sadd.s32 $0x8F2B, s0  }
0xc4: {  	[sflag:s0] =	ssyncadd.remote.s32 $0x1  }
0xc5: {  	_ =	sfence.sel $0xFFFF  }
0xc6: {  	[dreg:$0x0] =	wrdreg $0xFFFFFFFF;
	(pc) =	sbr.abs _section_cstart, $3  }
0xc7: {  	[dreg:$0x1] =	wrdreg $0xFFFFFFFF  }
0xc8: {  	_ =	task.clear_ibuf [dreg:s8], $0x2FFFF;
	_ =	strace $0x9FFFFFFF  }
0xc9: {  	(tm) =	ssettm $0x7FFFFFFF  }
tec
execute0_lowered:
.L_overlay_start_1:
0x0: {  	(tag) =	ssettag $0x1  }
0x1: {  	s0 =	rddreg [dreg:$0x0]  }
0x2: {  	s2 =	srdreg.scid;
	s1 =	rddreg [dreg:$0x1]  }
0x3: {  	s3 =	stileid.u32;
	s11 =	rddreg [dreg:$0x2]  }
0x4: {  	s31 =	simm.s32 $0x80;
	p0 =	por $0x0, $0x0;
	s6 =	sand.u32 $0x1, s2  }
0x5: {  	s3 =	sshll.u32 s3, $0xC;
	s2 =	simm.s32 $0x0;
	s5 =	sshll.u32 s6, $0xB  }
0x6: {  	[smem:$0x7FF] =	sst s2;
	s6 =	ssub.s32 $0x2, s6;
	s5 =	sor.u32 s5, s3  }
0x7: {  	_ =	strace $0x80000047;
	s23 =	sshrl.u32 s6, $0x1;
	s3 =	sshrl.u32 s5, $0x3  }
0x8: {  	s8 =	sor.u32 $0x80, s5;
	s25 =	sshll.u32 s5, $0x3;
	s9 =	sor.u32 $0x100, s5  }
0x9: {  	s14 =	sor.u32 $0x180, s5;
	s17 =	sor.u32 $0x200, s5;
	s22 =	sor.u32 $0x280, s5  }
0xa: {  	s6 =	ssub.s32 s6, s23;
	s7 =	sadd.s32 s1, s3;
	s3 =	sadd.s32 $0x600, s0  }
0xb: {  	s24 =	sshrl.u32 s8, $0x3;
	s26 =	sadd.s32 s11, s25;
	s4 =	sshrl.u32 s9, $0x3  }
0xc: {  	s12 =	sshll.u32 s8, $0x3;
	s15 =	sshrl.u32 s14, $0x3;
	s16 =	sshll.u32 s9, $0x3  }
0xd: {  	s19 =	sshrl.u32 s17, $0x3;
	s9 =	sshll.u32 s17, $0x3;
	[dreg:$0x4] =	wrdreg s7  }
0xe: {  	s17 =	sor.u32 $0x480, s5;
	s0 =	sadd.s32 s1, s24;
	[dreg:$0x6] =	wrdreg s26  }
0xf: {  	s10 =	sadd.s32 s1, s4;
	s13 =	sadd.s32 s11, s12;
	[dreg:$0x5] =	wrdreg s0  }
0x10: {  	s18 =	sadd.s32 s11, s16;
	s20 =	sadd.s32 s1, s19;
	[dreg:$0x7] =	wrdreg s10  }
0x11: {  	s7 =	sshll.u32 s14, $0x3;
	s24 =	sshrl.u32 s22, $0x3;
	[dreg:$0x8] =	wrdreg s13  }
0x12: {  	s25 =	sadd.s32 s11, s9;
	s9 =	sor.u32 $0x380, s5;
	[dreg:$0xa] =	wrdreg s18  }
0x13: {  	s14 =	sor.u32 $0x400, s5;
	s0 =	sadd.s32 s1, s15;
	[dreg:$0xb] =	wrdreg s20  }
0x14: {  	s21 =	sadd.s32 s11, s7;
	s10 =	sor.u32 $0x300, s5;
	[dreg:$0xe] =	wrdreg s25  }
0x15: {  	s7 =	sshll.u32 s22, $0x3;
	s12 =	sshrl.u32 s9, $0x3;
	s15 =	sshrl.u32 s14, $0x3  }
0x16: {  	s16 =	sshll.u32 s9, $0x3;
	s18 =	sshrl.u32 s17, $0x3;
	s19 =	sshll.u32 s14, $0x3  }
0x17: {  	s20 =	sor.u32 $0x500, s5;
	s22 =	sor.u32 $0x580, s5;
	[dreg:$0x9] =	wrdreg s0  }
0x18: {  	s9 =	simm.s32 $0x2100;
	[dreg:$0xc] =	wrdreg s21;
	s0 =	sadd.s32 s1, s24  }
0x19: {  	s26 =	sshrl.u32 s10, $0x3;
	s7 =	sadd.s32 s11, s7;
	s13 =	sshll.u32 s10, $0x3  }
0x1a: {  	s28 =	sadd.s32 s11, s16;
	s29 =	sadd.s32 s1, s18;
	s25 =	sadd.s32 s11, s19  }
0x1b: {  	s21 =	sshrl.u32 s20, $0x3;
	s8 =	sshrl.u32 s22, $0x3;
	[dreg:$0xd] =	wrdreg s0  }
0x1c: {  	s10 =	sor.u32 $0x600, s5;
	s4 =	sadd.s32 s1, s26;
	[dreg:$0x10] =	wrdreg s7  }
0x1d: {  	s0 =	sadd.s32 s1, s12;
	s30 =	sadd.s32 s11, s13;
	s7 =	sshll.u32 s17, $0x3  }
0x1e: {  	s26 =	sadd.s32 s1, s21;
	s24 =	sadd.s32 s1, s8;
	s12 =	sshrl.u32 s10, $0x3  }
0x1f: {  	s13 =	sshll.u32 s22, $0x3;
	s17 =	sor.u32 $0x700, s5;
	[dreg:$0xf] =	wrdreg s4  }
0x20: {  	[dreg:$0x11] =	wrdreg s0;
	s4 =	sadd.s32 s1, s15;
	s23 =	sadd.s32 s11, s7  }
0x21: {  	s0 =	sshll.u32 s20, $0x3;
	s22 =	sadd.s32 s1, s12;
	s14 =	sadd.s32 s11, s13  }
0x22: {  	s15 =	sor.u32 $0x680, s5;
	s7 =	sshll.u32 s10, $0x3;
	s8 =	sshrl.u32 s17, $0x3  }
0x23: {  	s5 =	sor.u32 $0x780, s5;
	s12 =	sshll.u32 s17, $0x3;
	s21 =	sadd.s32 s11, s0  }
0x24: {  	[dreg:$0x13] =	wrdreg s14;
	s16 =	sshrl.u32 s15, $0x3;
	s18 =	sadd.s32 s11, s7  }
0x25: {  	s19 =	sadd.s32 s1, s8;
	s0 =	sshll.u32 s15, $0x3;
	s15 =	smax.u32 s6, $0x1  }
0x26: {  	s10 =	sshrl.u32 s5, $0x3;
	s12 =	sadd.s32 s11, s12;
	p1 =	sne.s32 s15, $0x1  }
.Ltmp0:
0x27: {  	s13 =	sshll.u32 s5, $0x3;
	s8 =	simm.s32 $0x5;
	(pc) =	sbr.rel @!p1 .LBB2_3-.Ltmp0, $4  }
0x28: {  	s6 =	simm.s32 $0x6;
	s20 =	sadd.s32 s1, s16;
	s14 =	sadd.s32 s11, s0  }
0x29: {  	s17 =	sadd.s32 s1, s10;
	s7 =	sadd.s32 s11, s13;
	s16 =	simm.s32 $0x1  }
0x2a: {  	s11 =	simm.s32 $0x100;
	s5 =	sadd.s32 $0xFFFFFFFF, s15;
	s15 =	simm.s32 $0x3  }
0x2b: {  	s13 =	simm.s32 $0x2;
	s10 =	simm.s32 $0x4;
	s0 =	rddreg [dreg:$0x4]  }
0x2c: {  	[tilespmem:s2], [sflag:$0x1] =	stream.linear.gather [hbm4b:s0+s2], $0x80, $0x38;
	[tilespmem:$0x4100] =	vst v63  }
0x2d: {  	s1 =	rddreg [dreg:$0x5]  }
0x2e: {  	[tilespmem:s31], [sflag:$0x2] =	stream.linear.gather [hbm4b:s1+s2], $0x80, $0x38;
	[tilespmem:$0x4100] =	vst v63  }
0x2f: {  	_ =	swait.ge [sflag:s16], $0x80  }
0x30: {  	[sflag:s16] =	ssyncset.done $0x0  }
0x31: {  	[sflag:s16] =	ssyncadd.s32 $0xFFFFFF80  }
0x32: {  	[tilespmem:s11], [sflag:$0x3] =	stream.indirect.gather [hbm4b:s3+s31], $0x40, s2, s31, $0xb8;
	[tilespmem:$0x4100] =	vst v63  }
0x33: {  	_ =	swait.ge [sflag:s15], $0x2000  }
0x34: {  	[sflag:s15] =	ssyncset.done $0x0  }
0x35: {  	s0 =	rddreg [dreg:$0x6];
	[sflag:s15] =	ssyncadd.s32 $0xFFFFE000  }
0x36: {  	[hbm4b:s0+s2] =	stream.linear.scatter [tilespmem:s11], [sflag:$0x5], $0x2000, $0x38;
	[tilespmem:$0x4100] =	vst v63  }
0x37: {  	s1 =	rddreg [dreg:$0x7]  }
0x38: {  	[tilespmem:s2], [sflag:$0x1] =	stream.linear.gather [hbm4b:s1+s2], $0x80, $0x38;
	[tilespmem:$0x4100] =	vst v63  }
0x39: {  	_ =	swait.ge [sflag:s13], $0x80  }
0x3a: {  	[sflag:s13] =	ssyncset.done $0x0  }
0x3b: {  	[sflag:s13] =	ssyncadd.s32 $0xFFFFFF80  }
0x3c: {  	[tilespmem:s9], [sflag:$0x4] =	stream.indirect.gather [hbm4b:s3+s31], $0x40, s31, s31, $0xb8;
	[tilespmem:$0x4100] =	vst v63  }
0x3d: {  	_ =	swait.ge [sflag:s10], $0x2000  }
0x3e: {  	[sflag:s10] =	ssyncset.done $0x0  }
0x3f: {  	s0 =	rddreg [dreg:$0x8];
	[sflag:s10] =	ssyncadd.s32 $0xFFFFE000  }
0x40: {  	[hbm4b:s0+s2] =	stream.linear.scatter [tilespmem:s9], [sflag:$0x6], $0x2000, $0x38;
	[tilespmem:$0x4100] =	vst v63  }
0x41: {  	s1 =	rddreg [dreg:$0x9]  }
0x42: {  	[tilespmem:s31], [sflag:$0x2] =	stream.linear.gather [hbm4b:s1+s2], $0x80, $0x38;
	[tilespmem:$0x4100] =	vst v63  }
0x43: {  	_ =	swait.ge [sflag:s16], $0x80  }
0x44: {  	[sflag:s16] =	ssyncset.done $0x0  }
0x45: {  	[sflag:s16] =	ssyncadd.s32 $0xFFFFFF80  }
0x46: {  	_ =	swait.ge [sflag:s8], $0x2000  }
0x47: {  	[sflag:s8] =	ssyncset.done $0x0  }
0x48: {  	[sflag:s8] =	ssyncadd.s32 $0xFFFFE000  }
0x49: {  	[tilespmem:s11], [sflag:$0x3] =	stream.indirect.gather [hbm4b:s3+s31], $0x40, s2, s31, $0xb8;
	[tilespmem:$0x4100] =	vst v63  }
0x4a: {  	_ =	swait.ge [sflag:s15], $0x2000  }
0x4b: {  	[sflag:s15] =	ssyncset.done $0x0  }
0x4c: {  	s0 =	rddreg [dreg:$0xa];
	[sflag:s15] =	ssyncadd.s32 $0xFFFFE000  }
0x4d: {  	[hbm4b:s0+s2] =	stream.linear.scatter [tilespmem:s11], [sflag:$0x5], $0x2000, $0x38;
	[tilespmem:$0x4100] =	vst v63  }
0x4e: {  	s1 =	rddreg [dreg:$0xb]  }
0x4f: {  	[tilespmem:s2], [sflag:$0x1] =	stream.linear.gather [hbm4b:s1+s2], $0x80, $0x38;
	[tilespmem:$0x4100] =	vst v63  }
0x50: {  	_ =	swait.ge [sflag:s13], $0x80  }
0x51: {  	[sflag:s13] =	ssyncset.done $0x0  }
0x52: {  	[sflag:s13] =	ssyncadd.s32 $0xFFFFFF80  }
0x53: {  	_ =	swait.ge [sflag:s6], $0x2000  }
0x54: {  	[sflag:s6] =	ssyncset.done $0x0  }
0x55: {  	[sflag:s6] =	ssyncadd.s32 $0xFFFFE000  }
0x56: {  	[tilespmem:s9], [sflag:$0x4] =	stream.indirect.gather [hbm4b:s3+s31], $0x40, s31, s31, $0xb8;
	[tilespmem:$0x4100] =	vst v63  }
0x57: {  	_ =	swait.ge [sflag:s10], $0x2000  }
0x58: {  	[sflag:s10] =	ssyncset.done $0x0  }
0x59: {  	s0 =	rddreg [dreg:$0xc];
	[sflag:s10] =	ssyncadd.s32 $0xFFFFE000  }
0x5a: {  	[hbm4b:s0+s2] =	stream.linear.scatter [tilespmem:s9], [sflag:$0x6], $0x2000, $0x38;
	[tilespmem:$0x4100] =	vst v63  }
0x5b: {  	s1 =	rddreg [dreg:$0xd]  }
0x5c: {  	[tilespmem:s31], [sflag:$0x2] =	stream.linear.gather [hbm4b:s1+s2], $0x80, $0x38;
	[tilespmem:$0x4100] =	vst v63  }
0x5d: {  	_ =	swait.ge [sflag:s16], $0x80  }
0x5e: {  	[sflag:s16] =	ssyncset.done $0x0  }
0x5f: {  	[sflag:s16] =	ssyncadd.s32 $0xFFFFFF80  }
0x60: {  	_ =	swait.ge [sflag:s8], $0x2000  }
0x61: {  	[sflag:s8] =	ssyncset.done $0x0  }
0x62: {  	[sflag:s8] =	ssyncadd.s32 $0xFFFFE000  }
0x63: {  	[tilespmem:s11], [sflag:$0x3] =	stream.indirect.gather [hbm4b:s3+s31], $0x40, s2, s31, $0xb8;
	[tilespmem:$0x4100] =	vst v63  }
0x64: {  	_ =	swait.ge [sflag:s15], $0x2000  }
0x65: {  	[sflag:s15] =	ssyncset.done $0x0  }
0x66: {  	s0 =	rddreg [dreg:$0xe];
	[sflag:s15] =	ssyncadd.s32 $0xFFFFE000  }
0x67: {  	[hbm4b:s0+s2] =	stream.linear.scatter [tilespmem:s11], [sflag:$0x5], $0x2000, $0x38;
	[tilespmem:$0x4100] =	vst v63  }
0x68: {  	s1 =	rddreg [dreg:$0xf]  }
0x69: {  	[tilespmem:s2], [sflag:$0x1] =	stream.linear.gather [hbm4b:s1+s2], $0x80, $0x38;
	[tilespmem:$0x4100] =	vst v63  }
0x6a: {  	_ =	swait.ge [sflag:s13], $0x80  }
0x6b: {  	[sflag:s13] =	ssyncset.done $0x0  }
0x6c: {  	[sflag:s13] =	ssyncadd.s32 $0xFFFFFF80  }
0x6d: {  	_ =	swait.ge [sflag:s6], $0x2000  }
0x6e: {  	[sflag:s6] =	ssyncset.done $0x0  }
0x6f: {  	[sflag:s6] =	ssyncadd.s32 $0xFFFFE000  }
0x70: {  	[tilespmem:s9], [sflag:$0x4] =	stream.indirect.gather [hbm4b:s3+s31], $0x40, s31, s31, $0xb8;
	[tilespmem:$0x4100] =	vst v63  }
0x71: {  	_ =	swait.ge [sflag:s10], $0x2000  }
0x72: {  	[sflag:s10] =	ssyncset.done $0x0  }
0x73: {  	s0 =	rddreg [dreg:$0x10];
	[sflag:s10] =	ssyncadd.s32 $0xFFFFE000  }
0x74: {  	[hbm4b:s0+s2] =	stream.linear.scatter [tilespmem:s9], [sflag:$0x6], $0x2000, $0x38;
	[tilespmem:$0x4100] =	vst v63  }
0x75: {  	s1 =	rddreg [dreg:$0x11]  }
0x76: {  	[tilespmem:s31], [sflag:$0x2] =	stream.linear.gather [hbm4b:s1+s2], $0x80, $0x38;
	[tilespmem:$0x4100] =	vst v63  }
0x77: {  	_ =	swait.ge [sflag:s16], $0x80  }
0x78: {  	[sflag:s16] =	ssyncset.done $0x0  }
0x79: {  	[sflag:s16] =	ssyncadd.s32 $0xFFFFFF80  }
0x7a: {  	_ =	swait.ge [sflag:s8], $0x2000  }
0x7b: {  	[sflag:s8] =	ssyncset.done $0x0  }
0x7c: {  	[sflag:s8] =	ssyncadd.s32 $0xFFFFE000  }
0x7d: {  	[tilespmem:s11], [sflag:$0x3] =	stream.indirect.gather [hbm4b:s3+s31], $0x40, s2, s31, $0xb8;
	[tilespmem:$0x4100] =	vst v63  }
0x7e: {  	_ =	swait.ge [sflag:s15], $0x2000  }
0x7f: {  	[sflag:s15] =	ssyncset.done $0x0  }
0x80: {  	[sflag:s15] =	ssyncadd.s32 $0xFFFFE000  }
0x81: {  	[hbm4b:s30+s2] =	stream.linear.scatter [tilespmem:s11], [sflag:$0x5], $0x2000, $0x38;
	[tilespmem:$0x4100] =	vst v63  }
0x82: {  	_ = 	snop  }
0x83: {  	[tilespmem:s2], [sflag:$0x1] =	stream.linear.gather [hbm4b:s4+s2], $0x80, $0x38;
	[tilespmem:$0x4100] =	vst v63  }
0x84: {  	_ =	swait.ge [sflag:s13], $0x80  }
0x85: {  	[sflag:s13] =	ssyncset.done $0x0  }
0x86: {  	[sflag:s13] =	ssyncadd.s32 $0xFFFFFF80  }
0x87: {  	_ =	swait.ge [sflag:s6], $0x2000  }
0x88: {  	[sflag:s6] =	ssyncset.done $0x0  }
0x89: {  	[sflag:s6] =	ssyncadd.s32 $0xFFFFE000  }
0x8a: {  	[tilespmem:s9], [sflag:$0x4] =	stream.indirect.gather [hbm4b:s3+s31], $0x40, s31, s31, $0xb8;
	[tilespmem:$0x4100] =	vst v63  }
0x8b: {  	_ =	swait.ge [sflag:s10], $0x2000  }
0x8c: {  	[sflag:s10] =	ssyncset.done $0x0  }
0x8d: {  	[sflag:s10] =	ssyncadd.s32 $0xFFFFE000  }
0x8e: {  	[hbm4b:s28+s2] =	stream.linear.scatter [tilespmem:s9], [sflag:$0x6], $0x2000, $0x38;
	[tilespmem:$0x4100] =	vst v63  }
0x8f: {  	_ = 	snop  }
0x90: {  	[tilespmem:s31], [sflag:$0x2] =	stream.linear.gather [hbm4b:s29+s2], $0x80, $0x38;
	[tilespmem:$0x4100] =	vst v63  }
0x91: {  	_ =	swait.ge [sflag:s16], $0x80  }
0x92: {  	[sflag:s16] =	ssyncset.done $0x0  }
0x93: {  	[sflag:s16] =	ssyncadd.s32 $0xFFFFFF80  }
0x94: {  	_ =	swait.ge [sflag:s8], $0x2000  }
0x95: {  	[sflag:s8] =	ssyncset.done $0x0  }
0x96: {  	[sflag:s8] =	ssyncadd.s32 $0xFFFFE000  }
0x97: {  	[tilespmem:s11], [sflag:$0x3] =	stream.indirect.gather [hbm4b:s3+s31], $0x40, s2, s31, $0xb8;
	[tilespmem:$0x4100] =	vst v63  }
0x98: {  	_ =	swait.ge [sflag:s15], $0x2000  }
0x99: {  	[sflag:s15] =	ssyncset.done $0x0  }
0x9a: {  	[sflag:s15] =	ssyncadd.s32 $0xFFFFE000  }
0x9b: {  	[hbm4b:s25+s2] =	stream.linear.scatter [tilespmem:s11], [sflag:$0x5], $0x2000, $0x38;
	[tilespmem:$0x4100] =	vst v63  }
0x9c: {  	_ = 	snop  }
0x9d: {  	[tilespmem:s2], [sflag:$0x1] =	stream.linear.gather [hbm4b:s26+s2], $0x80, $0x38;
	[tilespmem:$0x4100] =	vst v63  }
0x9e: {  	_ =	swait.ge [sflag:s13], $0x80  }
0x9f: {  	[sflag:s13] =	ssyncset.done $0x0  }
0xa0: {  	[sflag:s13] =	ssyncadd.s32 $0xFFFFFF80  }
0xa1: {  	_ =	swait.ge [sflag:s6], $0x2000  }
0xa2: {  	[sflag:s6] =	ssyncset.done $0x0  }
0xa3: {  	[sflag:s6] =	ssyncadd.s32 $0xFFFFE000  }
0xa4: {  	[tilespmem:s9], [sflag:$0x4] =	stream.indirect.gather [hbm4b:s3+s31], $0x40, s31, s31, $0xb8;
	[tilespmem:$0x4100] =	vst v63  }
0xa5: {  	_ =	swait.ge [sflag:s10], $0x2000  }
0xa6: {  	[sflag:s10] =	ssyncset.done $0x0  }
0xa7: {  	[sflag:s10] =	ssyncadd.s32 $0xFFFFE000  }
0xa8: {  	[hbm4b:s23+s2] =	stream.linear.scatter [tilespmem:s9], [sflag:$0x6], $0x2000, $0x38;
	[tilespmem:$0x4100] =	vst v63  }
0xa9: {  	_ = 	snop  }
0xaa: {  	[tilespmem:s31], [sflag:$0x2] =	stream.linear.gather [hbm4b:s24+s2], $0x80, $0x38;
	[tilespmem:$0x4100] =	vst v63  }
0xab: {  	_ =	swait.ge [sflag:s16], $0x80  }
0xac: {  	[sflag:s16] =	ssyncset.done $0x0  }
0xad: {  	[sflag:s16] =	ssyncadd.s32 $0xFFFFFF80  }
0xae: {  	_ =	swait.ge [sflag:s8], $0x2000  }
0xaf: {  	[sflag:s8] =	ssyncset.done $0x0  }
0xb0: {  	[sflag:s8] =	ssyncadd.s32 $0xFFFFE000  }
0xb1: {  	[tilespmem:s11], [sflag:$0x3] =	stream.indirect.gather [hbm4b:s3+s31], $0x40, s2, s31, $0xb8;
	[tilespmem:$0x4100] =	vst v63  }
0xb2: {  	_ =	swait.ge [sflag:s15], $0x2000  }
0xb3: {  	[sflag:s15] =	ssyncset.done $0x0  }
0xb4: {  	[sflag:s15] =	ssyncadd.s32 $0xFFFFE000  }
0xb5: {  	[hbm4b:s21+s2] =	stream.linear.scatter [tilespmem:s11], [sflag:$0x5], $0x2000, $0x38;
	[tilespmem:$0x4100] =	vst v63  }
0xb6: {  	_ = 	snop  }
0xb7: {  	[tilespmem:s2], [sflag:$0x1] =	stream.linear.gather [hbm4b:s22+s2], $0x80, $0x38;
	[tilespmem:$0x4100] =	vst v63  }
0xb8: {  	_ =	swait.ge [sflag:s13], $0x80  }
0xb9: {  	[sflag:s13] =	ssyncset.done $0x0  }
0xba: {  	[sflag:s13] =	ssyncadd.s32 $0xFFFFFF80  }
0xbb: {  	_ =	swait.ge [sflag:s6], $0x2000  }
0xbc: {  	[sflag:s6] =	ssyncset.done $0x0  }
0xbd: {  	[sflag:s6] =	ssyncadd.s32 $0xFFFFE000  }
0xbe: {  	[tilespmem:s9], [sflag:$0x4] =	stream.indirect.gather [hbm4b:s3+s31], $0x40, s31, s31, $0xb8;
	[tilespmem:$0x4100] =	vst v63  }
0xbf: {  	_ =	swait.ge [sflag:s10], $0x2000  }
0xc0: {  	[sflag:s10] =	ssyncset.done $0x0  }
0xc1: {  	s1 =	rddreg [dreg:$0x13];
	[sflag:s10] =	ssyncadd.s32 $0xFFFFE000  }
0xc2: {  	[hbm4b:s1+s2] =	stream.linear.scatter [tilespmem:s9], [sflag:$0x6], $0x2000, $0x38;
	[tilespmem:$0x4100] =	vst v63  }
0xc3: {  	_ = 	snop  }
0xc4: {  	[tilespmem:s31], [sflag:$0x2] =	stream.linear.gather [hbm4b:s20+s2], $0x80, $0x38;
	[tilespmem:$0x4100] =	vst v63  }
0xc5: {  	_ =	swait.ge [sflag:s16], $0x80  }
0xc6: {  	[sflag:s16] =	ssyncset.done $0x0  }
0xc7: {  	[sflag:s16] =	ssyncadd.s32 $0xFFFFFF80  }
0xc8: {  	_ =	swait.ge [sflag:s8], $0x2000  }
0xc9: {  	[sflag:s8] =	ssyncset.done $0x0  }
0xca: {  	[sflag:s8] =	ssyncadd.s32 $0xFFFFE000  }
0xcb: {  	[tilespmem:s11], [sflag:$0x3] =	stream.indirect.gather [hbm4b:s3+s31], $0x40, s2, s31, $0xb8;
	[tilespmem:$0x4100] =	vst v63  }
0xcc: {  	_ =	swait.ge [sflag:s15], $0x2000  }
0xcd: {  	[sflag:s15] =	ssyncset.done $0x0  }
0xce: {  	[sflag:s15] =	ssyncadd.s32 $0xFFFFE000  }
0xcf: {  	[hbm4b:s18+s2] =	stream.linear.scatter [tilespmem:s11], [sflag:$0x5], $0x2000, $0x38;
	[tilespmem:$0x4100] =	vst v63  }
0xd0: {  	_ = 	snop  }
0xd1: {  	[tilespmem:s2], [sflag:$0x1] =	stream.linear.gather [hbm4b:s19+s2], $0x80, $0x38;
	[tilespmem:$0x4100] =	vst v63  }
0xd2: {  	_ =	swait.ge [sflag:s13], $0x80  }
0xd3: {  	[sflag:s13] =	ssyncset.done $0x0  }
0xd4: {  	[sflag:s13] =	ssyncadd.s32 $0xFFFFFF80  }
0xd5: {  	_ =	swait.ge [sflag:s6], $0x2000  }
0xd6: {  	[sflag:s6] =	ssyncset.done $0x0  }
0xd7: {  	[sflag:s6] =	ssyncadd.s32 $0xFFFFE000  }
0xd8: {  	[tilespmem:s9], [sflag:$0x4] =	stream.indirect.gather [hbm4b:s3+s31], $0x40, s31, s31, $0xb8;
	[tilespmem:$0x4100] =	vst v63  }
0xd9: {  	_ =	swait.ge [sflag:s10], $0x2000  }
0xda: {  	[sflag:s10] =	ssyncset.done $0x0  }
0xdb: {  	[sflag:s10] =	ssyncadd.s32 $0xFFFFE000  }
0xdc: {  	[hbm4b:s14+s2] =	stream.linear.scatter [tilespmem:s9], [sflag:$0x6], $0x2000, $0x38;
	[tilespmem:$0x4100] =	vst v63  }
0xdd: {  	_ = 	snop  }
0xde: {  	[tilespmem:s31], [sflag:$0x2] =	stream.linear.gather [hbm4b:s17+s2], $0x80, $0x38;
	[tilespmem:$0x4100] =	vst v63  }
0xdf: {  	_ =	swait.ge [sflag:s16], $0x80  }
0xe0: {  	[sflag:s16] =	ssyncset.done $0x0  }
0xe1: {  	[sflag:s16] =	ssyncadd.s32 $0xFFFFFF80  }
0xe2: {  	_ =	swait.ge [sflag:s8], $0x2000  }
0xe3: {  	[sflag:s8] =	ssyncset.done $0x0  }
0xe4: {  	[sflag:s8] =	ssyncadd.s32 $0xFFFFE000  }
0xe5: {  	[tilespmem:s11], [sflag:$0x3] =	stream.indirect.gather [hbm4b:s3+s31], $0x40, s2, s31, $0xb8;
	[tilespmem:$0x4100] =	vst v63  }
0xe6: {  	_ =	swait.ge [sflag:s15], $0x2000  }
0xe7: {  	[sflag:s15] =	ssyncset.done $0x0  }
0xe8: {  	[sflag:s15] =	ssyncadd.s32 $0xFFFFE000  }
0xe9: {  	[hbm4b:s12+s2] =	stream.linear.scatter [tilespmem:s11], [sflag:$0x5], $0x2000, $0x38;
	[tilespmem:$0x4100] =	vst v63  }
0xea: {  	_ =	swait.ge [sflag:s13], $0x80  }
0xeb: {  	[sflag:s13] =	ssyncset.done $0x0  }
0xec: {  	[sflag:s13] =	ssyncadd.s32 $0xFFFFFF80  }
0xed: {  	_ =	swait.ge [sflag:s6], $0x2000  }
0xee: {  	[sflag:s6] =	ssyncset.done $0x0  }
0xef: {  	[sflag:s6] =	ssyncadd.s32 $0xFFFFE000  }
0xf0: {  	[tilespmem:s9], [sflag:$0x4] =	stream.indirect.gather [hbm4b:s3+s31], $0x40, s31, s31, $0xb8;
	[tilespmem:$0x4100] =	vst v63  }
0xf1: {  	_ =	swait.ge [sflag:s10], $0x2000  }
0xf2: {  	[sflag:s10] =	ssyncset.done $0x0  }
0xf3: {  	p1 =	sne.s32 s5, $0x1;
	[sflag:s10] =	ssyncadd.s32 $0xFFFFE000  }
0xf4: {  	[hbm4b:s7+s2] =	stream.linear.scatter [tilespmem:s9], [sflag:$0x6], $0x2000, $0x38;
	[tilespmem:$0x4100] =	vst v63  }
.Ltmp1:
0xf5: {  	_ =	swait.ge [sflag:s8], $0x2000;
	(pc) =	sbr.rel @!p1 .LBB2_3-.Ltmp1, $4  }
0xf6: {  	[sflag:s8] =	ssyncset.done $0x0  }
0xf7: {  	[sflag:s8] =	ssyncadd.s32 $0xFFFFE000  }
0xf8: {  	p0 =	por $0x1, $0x1;
	_ =	swait.ge [sflag:s6], $0x2000;
	[dreg:$0x12] =	wrdreg s4  }
0xf9: {  	s1 =	sadd.s32 $0xFFFFFFFF, s5;
	s0 =	rddreg [dreg:$0x4];
	[sflag:s6] =	ssyncset.done $0x0  }
.LBB2_2:
0xfa: {  	[sflag:s6] =	ssyncadd.s32 $0xFFFFE000  }
0xfb: {  	[tilespmem:s2], [sflag:$0x1] =	stream.linear.gather [hbm4b:s0+s2], $0x80, $0x38;
	[tilespmem:$0x4100] =	vst v63  }
0xfc: {  	s4 =	rddreg [dreg:$0x5]  }
0xfd: {  	[tilespmem:s31], [sflag:$0x2] =	stream.linear.gather [hbm4b:s4+s2], $0x80, $0x38;
	[tilespmem:$0x4100] =	vst v63  }
0xfe: {  	_ =	swait.ge [sflag:s16], $0x80  }
0xff: {  	[sflag:s16] =	ssyncset.done $0x0  }
0x100: {  	s5 =	simm.s32 $0x100;
	s9 =	smov.u32 s30;
	[sflag:s16] =	ssyncadd.s32 $0xFFFFFF80  }
0x101: {  	[tilespmem:s5], [sflag:$0x3] =	stream.indirect.gather [hbm4b:s3+s31], $0x40, s2, s31, $0xb8;
	[tilespmem:$0x4100] =	vst v63  }
0x102: {  	s30 =	smov.u32 s29;
	s29 =	smov.u32 s28;
	_ =	swait.ge [sflag:s15], $0x2000  }
0x103: {  	s28 =	smov.u32 s26;
	s26 =	smov.u32 s25;
	[sflag:s15] =	ssyncset.done $0x0  }
0x104: {  	s25 =	smov.u32 s24;
	s4 =	rddreg [dreg:$0x6];
	[sflag:s15] =	ssyncadd.s32 $0xFFFFE000  }
0x105: {  	[hbm4b:s4+s2] =	stream.linear.scatter [tilespmem:s5], [sflag:$0x5], $0x2000, $0x38;
	[tilespmem:$0x4100] =	vst v63  }
0x106: {  	s24 =	smov.u32 s23;
	s23 =	smov.u32 s22;
	s22 =	rddreg [dreg:$0x7]  }
0x107: {  	[tilespmem:s2], [sflag:$0x1] =	stream.linear.gather [hbm4b:s22+s2], $0x80, $0x38;
	[tilespmem:$0x4100] =	vst v63  }
0x108: {  	_ =	swait.ge [sflag:s13], $0x80  }
0x109: {  	[sflag:s13] =	ssyncset.done $0x0  }
0x10a: {  	s11 =	simm.s32 $0x2100;
	[sflag:s13] =	ssyncadd.s32 $0xFFFFFF80  }
0x10b: {  	[tilespmem:s11], [sflag:$0x4] =	stream.indirect.gather [hbm4b:s3+s31], $0x40, s31, s31, $0xb8;
	[tilespmem:$0x4100] =	vst v63  }
0x10c: {  	_ =	swait.ge [sflag:s10], $0x2000  }
0x10d: {  	[sflag:s10] =	ssyncset.done $0x0  }
0x10e: {  	s4 =	rddreg [dreg:$0x8];
	[sflag:s10] =	ssyncadd.s32 $0xFFFFE000  }
0x10f: {  	[hbm4b:s4+s2] =	stream.linear.scatter [tilespmem:s11], [sflag:$0x6], $0x2000, $0x38;
	[tilespmem:$0x4100] =	vst v63  }
0x110: {  	s22 =	rddreg [dreg:$0x9]  }
0x111: {  	[tilespmem:s31], [sflag:$0x2] =	stream.linear.gather [hbm4b:s22+s2], $0x80, $0x38;
	[tilespmem:$0x4100] =	vst v63  }
0x112: {  	_ =	swait.ge [sflag:s16], $0x80  }
0x113: {  	[sflag:s16] =	ssyncset.done $0x0  }
0x114: {  	[sflag:s16] =	ssyncadd.s32 $0xFFFFFF80  }
0x115: {  	_ =	swait.ge [sflag:s8], $0x2000  }
0x116: {  	[sflag:s8] =	ssyncset.done $0x0  }
0x117: {  	[sflag:s8] =	ssyncadd.s32 $0xFFFFE000  }
0x118: {  	[tilespmem:s5], [sflag:$0x3] =	stream.indirect.gather [hbm4b:s3+s31], $0x40, s2, s31, $0xb8;
	[tilespmem:$0x4100] =	vst v63  }
0x119: {  	_ =	swait.ge [sflag:s15], $0x2000  }
0x11a: {  	[sflag:s15] =	ssyncset.done $0x0  }
0x11b: {  	s4 =	rddreg [dreg:$0xa];
	[sflag:s15] =	ssyncadd.s32 $0xFFFFE000  }
0x11c: {  	[hbm4b:s4+s2] =	stream.linear.scatter [tilespmem:s5], [sflag:$0x5], $0x2000, $0x38;
	[tilespmem:$0x4100] =	vst v63  }
0x11d: {  	s22 =	rddreg [dreg:$0xb]  }
0x11e: {  	[tilespmem:s2], [sflag:$0x1] =	stream.linear.gather [hbm4b:s22+s2], $0x80, $0x38;
	[tilespmem:$0x4100] =	vst v63  }
0x11f: {  	_ =	swait.ge [sflag:s13], $0x80  }
0x120: {  	[sflag:s13] =	ssyncset.done $0x0  }
0x121: {  	[sflag:s13] =	ssyncadd.s32 $0xFFFFFF80  }
0x122: {  	_ =	swait.ge [sflag:s6], $0x2000  }
0x123: {  	[sflag:s6] =	ssyncset.done $0x0  }
0x124: {  	[sflag:s6] =	ssyncadd.s32 $0xFFFFE000  }
0x125: {  	[tilespmem:s11], [sflag:$0x4] =	stream.indirect.gather [hbm4b:s3+s31], $0x40, s31, s31, $0xb8;
	[tilespmem:$0x4100] =	vst v63  }
0x126: {  	_ =	swait.ge [sflag:s10], $0x2000  }
0x127: {  	[sflag:s10] =	ssyncset.done $0x0  }
0x128: {  	s4 =	rddreg [dreg:$0xc];
	[sflag:s10] =	ssyncadd.s32 $0xFFFFE000  }
0x129: {  	[hbm4b:s4+s2] =	stream.linear.scatter [tilespmem:s11], [sflag:$0x6], $0x2000, $0x38;
	[tilespmem:$0x4100] =	vst v63  }
0x12a: {  	s22 =	rddreg [dreg:$0xd]  }
0x12b: {  	[tilespmem:s31], [sflag:$0x2] =	stream.linear.gather [hbm4b:s22+s2], $0x80, $0x38;
	[tilespmem:$0x4100] =	vst v63  }
0x12c: {  	_ =	swait.ge [sflag:s16], $0x80  }
0x12d: {  	[sflag:s16] =	ssyncset.done $0x0  }
0x12e: {  	[sflag:s16] =	ssyncadd.s32 $0xFFFFFF80  }
0x12f: {  	_ =	swait.ge [sflag:s8], $0x2000  }
0x130: {  	[sflag:s8] =	ssyncset.done $0x0  }
0x131: {  	[sflag:s8] =	ssyncadd.s32 $0xFFFFE000  }
0x132: {  	[tilespmem:s5], [sflag:$0x3] =	stream.indirect.gather [hbm4b:s3+s31], $0x40, s2, s31, $0xb8;
	[tilespmem:$0x4100] =	vst v63  }
0x133: {  	_ =	swait.ge [sflag:s15], $0x2000  }
0x134: {  	[sflag:s15] =	ssyncset.done $0x0  }
0x135: {  	s4 =	rddreg [dreg:$0xe];
	[sflag:s15] =	ssyncadd.s32 $0xFFFFE000  }
0x136: {  	[hbm4b:s4+s2] =	stream.linear.scatter [tilespmem:s5], [sflag:$0x5], $0x2000, $0x38;
	[tilespmem:$0x4100] =	vst v63  }
0x137: {  	s22 =	rddreg [dreg:$0xf]  }
0x138: {  	[tilespmem:s2], [sflag:$0x1] =	stream.linear.gather [hbm4b:s22+s2], $0x80, $0x38;
	[tilespmem:$0x4100] =	vst v63  }
0x139: {  	_ =	swait.ge [sflag:s13], $0x80  }
0x13a: {  	[sflag:s13] =	ssyncset.done $0x0  }
0x13b: {  	[sflag:s13] =	ssyncadd.s32 $0xFFFFFF80  }
0x13c: {  	_ =	swait.ge [sflag:s6], $0x2000  }
0x13d: {  	[sflag:s6] =	ssyncset.done $0x0  }
0x13e: {  	[sflag:s6] =	ssyncadd.s32 $0xFFFFE000  }
0x13f: {  	[tilespmem:s11], [sflag:$0x4] =	stream.indirect.gather [hbm4b:s3+s31], $0x40, s31, s31, $0xb8;
	[tilespmem:$0x4100] =	vst v63  }
0x140: {  	_ =	swait.ge [sflag:s10], $0x2000  }
0x141: {  	s4 =	rddreg [dreg:$0x10];
	[sflag:s10] =	ssyncset.done $0x0  }
0x142: {  	s5 =	rddreg [dreg:$0x11];
	[sflag:s10] =	ssyncadd.s32 $0xFFFFE000  }
0x143: {  	[hbm4b:s4+s2] =	stream.linear.scatter [tilespmem:s11], [sflag:$0x6], $0x2000, $0x38;
	[tilespmem:$0x4100] =	vst v63  }
0x144: {  	s4 =	rddreg [dreg:$0x12]  }
0x145: {  	[tilespmem:s31], [sflag:$0x2] =	stream.linear.gather [hbm4b:s5+s2], $0x80, $0x38;
	[tilespmem:$0x4100] =	vst v63  }
0x146: {  	s5 =	smov.u32 s12;
	s12 =	rddreg [dreg:$0x13];
	_ =	swait.ge [sflag:s16], $0x80  }
0x147: {  	[sflag:s16] =	ssyncset.done $0x0  }
0x148: {  	[sflag:s16] =	ssyncadd.s32 $0xFFFFFF80  }
0x149: {  	_ =	swait.ge [sflag:s8], $0x2000  }
0x14a: {  	s22 =	smov.u32 s23;
	[sflag:s8] =	ssyncset.done $0x0  }
0x14b: {  	s23 =	smov.u32 s24;
	s11 =	simm.s32 $0x100;
	[sflag:s8] =	ssyncadd.s32 $0xFFFFE000  }
0x14c: {  	[tilespmem:s11], [sflag:$0x3] =	stream.indirect.gather [hbm4b:s3+s31], $0x40, s2, s31, $0xb8;
	[tilespmem:$0x4100] =	vst v63  }
0x14d: {  	s24 =	smov.u32 s25;
	s25 =	smov.u32 s26;
	_ =	swait.ge [sflag:s15], $0x2000  }
0x14e: {  	s26 =	smov.u32 s28;
	s28 =	smov.u32 s29;
	[sflag:s15] =	ssyncset.done $0x0  }
0x14f: {  	s29 =	smov.u32 s30;
	s30 =	smov.u32 s9;
	[sflag:s15] =	ssyncadd.s32 $0xFFFFE000  }
0x150: {  	[hbm4b:s30+s2] =	stream.linear.scatter [tilespmem:s11], [sflag:$0x5], $0x2000, $0x38;
	[tilespmem:$0x4100] =	vst v63  }
0x151: {  	_ = 	snop  }
0x152: {  	[tilespmem:s2], [sflag:$0x1] =	stream.linear.gather [hbm4b:s4+s2], $0x80, $0x38;
	[tilespmem:$0x4100] =	vst v63  }
0x153: {  	_ =	swait.ge [sflag:s13], $0x80  }
0x154: {  	[sflag:s13] =	ssyncset.done $0x0  }
0x155: {  	[sflag:s13] =	ssyncadd.s32 $0xFFFFFF80  }
0x156: {  	_ =	swait.ge [sflag:s6], $0x2000  }
0x157: {  	[sflag:s6] =	ssyncset.done $0x0  }
0x158: {  	s9 =	simm.s32 $0x2100;
	[sflag:s6] =	ssyncadd.s32 $0xFFFFE000  }
0x159: {  	[tilespmem:s9], [sflag:$0x4] =	stream.indirect.gather [hbm4b:s3+s31], $0x40, s31, s31, $0xb8;
	[tilespmem:$0x4100] =	vst v63  }
0x15a: {  	_ =	swait.ge [sflag:s10], $0x2000  }
0x15b: {  	[sflag:s10] =	ssyncset.done $0x0  }
0x15c: {  	[sflag:s10] =	ssyncadd.s32 $0xFFFFE000  }
0x15d: {  	[hbm4b:s28+s2] =	stream.linear.scatter [tilespmem:s9], [sflag:$0x6], $0x2000, $0x38;
	[tilespmem:$0x4100] =	vst v63  }
0x15e: {  	_ = 	snop  }
0x15f: {  	[tilespmem:s31], [sflag:$0x2] =	stream.linear.gather [hbm4b:s29+s2], $0x80, $0x38;
	[tilespmem:$0x4100] =	vst v63  }
0x160: {  	_ =	swait.ge [sflag:s16], $0x80  }
0x161: {  	[sflag:s16] =	ssyncset.done $0x0  }
0x162: {  	[sflag:s16] =	ssyncadd.s32 $0xFFFFFF80  }
0x163: {  	_ =	swait.ge [sflag:s8], $0x2000  }
0x164: {  	[sflag:s8] =	ssyncset.done $0x0  }
0x165: {  	[sflag:s8] =	ssyncadd.s32 $0xFFFFE000  }
0x166: {  	[tilespmem:s11], [sflag:$0x3] =	stream.indirect.gather [hbm4b:s3+s31], $0x40, s2, s31, $0xb8;
	[tilespmem:$0x4100] =	vst v63  }
0x167: {  	_ =	swait.ge [sflag:s15], $0x2000  }
0x168: {  	[sflag:s15] =	ssyncset.done $0x0  }
0x169: {  	[sflag:s15] =	ssyncadd.s32 $0xFFFFE000  }
0x16a: {  	[hbm4b:s25+s2] =	stream.linear.scatter [tilespmem:s11], [sflag:$0x5], $0x2000, $0x38;
	[tilespmem:$0x4100] =	vst v63  }
0x16b: {  	_ = 	snop  }
0x16c: {  	[tilespmem:s2], [sflag:$0x1] =	stream.linear.gather [hbm4b:s26+s2], $0x80, $0x38;
	[tilespmem:$0x4100] =	vst v63  }
0x16d: {  	_ =	swait.ge [sflag:s13], $0x80  }
0x16e: {  	[sflag:s13] =	ssyncset.done $0x0  }
0x16f: {  	[sflag:s13] =	ssyncadd.s32 $0xFFFFFF80  }
0x170: {  	_ =	swait.ge [sflag:s6], $0x2000  }
0x171: {  	[sflag:s6] =	ssyncset.done $0x0  }
0x172: {  	[sflag:s6] =	ssyncadd.s32 $0xFFFFE000  }
0x173: {  	[tilespmem:s9], [sflag:$0x4] =	stream.indirect.gather [hbm4b:s3+s31], $0x40, s31, s31, $0xb8;
	[tilespmem:$0x4100] =	vst v63  }
0x174: {  	_ =	swait.ge [sflag:s10], $0x2000  }
0x175: {  	[sflag:s10] =	ssyncset.done $0x0  }
0x176: {  	[sflag:s10] =	ssyncadd.s32 $0xFFFFE000  }
0x177: {  	[hbm4b:s23+s2] =	stream.linear.scatter [tilespmem:s9], [sflag:$0x6], $0x2000, $0x38;
	[tilespmem:$0x4100] =	vst v63  }
0x178: {  	_ = 	snop  }
0x179: {  	[tilespmem:s31], [sflag:$0x2] =	stream.linear.gather [hbm4b:s24+s2], $0x80, $0x38;
	[tilespmem:$0x4100] =	vst v63  }
0x17a: {  	_ =	swait.ge [sflag:s16], $0x80  }
0x17b: {  	[sflag:s16] =	ssyncset.done $0x0  }
0x17c: {  	[sflag:s16] =	ssyncadd.s32 $0xFFFFFF80  }
0x17d: {  	_ =	swait.ge [sflag:s8], $0x2000  }
0x17e: {  	[sflag:s8] =	ssyncset.done $0x0  }
0x17f: {  	[sflag:s8] =	ssyncadd.s32 $0xFFFFE000  }
0x180: {  	[tilespmem:s11], [sflag:$0x3] =	stream.indirect.gather [hbm4b:s3+s31], $0x40, s2, s31, $0xb8;
	[tilespmem:$0x4100] =	vst v63  }
0x181: {  	_ =	swait.ge [sflag:s15], $0x2000  }
0x182: {  	[sflag:s15] =	ssyncset.done $0x0  }
0x183: {  	[sflag:s15] =	ssyncadd.s32 $0xFFFFE000  }
0x184: {  	[hbm4b:s21+s2] =	stream.linear.scatter [tilespmem:s11], [sflag:$0x5], $0x2000, $0x38;
	[tilespmem:$0x4100] =	vst v63  }
0x185: {  	_ = 	snop  }
0x186: {  	[tilespmem:s2], [sflag:$0x1] =	stream.linear.gather [hbm4b:s22+s2], $0x80, $0x38;
	[tilespmem:$0x4100] =	vst v63  }
0x187: {  	_ =	swait.ge [sflag:s13], $0x80  }
0x188: {  	[sflag:s13] =	ssyncset.done $0x0  }
0x189: {  	[sflag:s13] =	ssyncadd.s32 $0xFFFFFF80  }
0x18a: {  	_ =	swait.ge [sflag:s6], $0x2000  }
0x18b: {  	[sflag:s6] =	ssyncset.done $0x0  }
0x18c: {  	[sflag:s6] =	ssyncadd.s32 $0xFFFFE000  }
0x18d: {  	[tilespmem:s9], [sflag:$0x4] =	stream.indirect.gather [hbm4b:s3+s31], $0x40, s31, s31, $0xb8;
	[tilespmem:$0x4100] =	vst v63  }
0x18e: {  	_ =	swait.ge [sflag:s10], $0x2000  }
0x18f: {  	[sflag:s10] =	ssyncset.done $0x0  }
0x190: {  	[sflag:s10] =	ssyncadd.s32 $0xFFFFE000  }
0x191: {  	[hbm4b:s12+s2] =	stream.linear.scatter [tilespmem:s9], [sflag:$0x6], $0x2000, $0x38;
	[tilespmem:$0x4100] =	vst v63  }
0x192: {  	_ = 	snop  }
0x193: {  	[tilespmem:s31], [sflag:$0x2] =	stream.linear.gather [hbm4b:s20+s2], $0x80, $0x38;
	[tilespmem:$0x4100] =	vst v63  }
0x194: {  	_ =	swait.ge [sflag:s16], $0x80  }
0x195: {  	[sflag:s16] =	ssyncset.done $0x0  }
0x196: {  	[sflag:s16] =	ssyncadd.s32 $0xFFFFFF80  }
0x197: {  	_ =	swait.ge [sflag:s8], $0x2000  }
0x198: {  	[sflag:s8] =	ssyncset.done $0x0  }
0x199: {  	[sflag:s8] =	ssyncadd.s32 $0xFFFFE000  }
0x19a: {  	[tilespmem:s11], [sflag:$0x3] =	stream.indirect.gather [hbm4b:s3+s31], $0x40, s2, s31, $0xb8;
	[tilespmem:$0x4100] =	vst v63  }
0x19b: {  	_ =	swait.ge [sflag:s15], $0x2000  }
0x19c: {  	s0 =	smov.u32 s7;
	[sflag:s15] =	ssyncset.done $0x0  }
0x19d: {  	s7 =	smov.u32 s14;
	s14 =	smov.u32 s18;
	[sflag:s15] =	ssyncadd.s32 $0xFFFFE000  }
0x19e: {  	[hbm4b:s14+s2] =	stream.linear.scatter [tilespmem:s11], [sflag:$0x5], $0x2000, $0x38;
	[tilespmem:$0x4100] =	vst v63  }
0x19f: {  	_ = 	snop  }
0x1a0: {  	[tilespmem:s2], [sflag:$0x1] =	stream.linear.gather [hbm4b:s19+s2], $0x80, $0x38;
	[tilespmem:$0x4100] =	vst v63  }
0x1a1: {  	_ =	swait.ge [sflag:s13], $0x80  }
0x1a2: {  	[sflag:s13] =	ssyncset.done $0x0  }
0x1a3: {  	[sflag:s13] =	ssyncadd.s32 $0xFFFFFF80  }
0x1a4: {  	_ =	swait.ge [sflag:s6], $0x2000  }
0x1a5: {  	[sflag:s6] =	ssyncset.done $0x0  }
0x1a6: {  	[sflag:s6] =	ssyncadd.s32 $0xFFFFE000  }
0x1a7: {  	[tilespmem:s9], [sflag:$0x4] =	stream.indirect.gather [hbm4b:s3+s31], $0x40, s31, s31, $0xb8;
	[tilespmem:$0x4100] =	vst v63  }
0x1a8: {  	_ =	swait.ge [sflag:s10], $0x2000  }
0x1a9: {  	[sflag:s10] =	ssyncset.done $0x0  }
0x1aa: {  	[sflag:s10] =	ssyncadd.s32 $0xFFFFE000  }
0x1ab: {  	[hbm4b:s7+s2] =	stream.linear.scatter [tilespmem:s9], [sflag:$0x6], $0x2000, $0x38;
	[tilespmem:$0x4100] =	vst v63  }
0x1ac: {  	_ = 	snop  }
0x1ad: {  	[tilespmem:s31], [sflag:$0x2] =	stream.linear.gather [hbm4b:s17+s2], $0x80, $0x38;
	[tilespmem:$0x4100] =	vst v63  }
0x1ae: {  	_ =	swait.ge [sflag:s16], $0x80  }
0x1af: {  	[sflag:s16] =	ssyncset.done $0x0  }
0x1b0: {  	[sflag:s16] =	ssyncadd.s32 $0xFFFFFF80  }
0x1b1: {  	_ =	swait.ge [sflag:s8], $0x2000  }
0x1b2: {  	[sflag:s8] =	ssyncset.done $0x0  }
0x1b3: {  	[sflag:s8] =	ssyncadd.s32 $0xFFFFE000  }
0x1b4: {  	[tilespmem:s11], [sflag:$0x3] =	stream.indirect.gather [hbm4b:s3+s31], $0x40, s2, s31, $0xb8;
	[tilespmem:$0x4100] =	vst v63  }
0x1b5: {  	_ =	swait.ge [sflag:s15], $0x2000  }
0x1b6: {  	[sflag:s15] =	ssyncset.done $0x0  }
0x1b7: {  	[sflag:s15] =	ssyncadd.s32 $0xFFFFE000  }
0x1b8: {  	[hbm4b:s5+s2] =	stream.linear.scatter [tilespmem:s11], [sflag:$0x5], $0x2000, $0x38;
	[tilespmem:$0x4100] =	vst v63  }
0x1b9: {  	_ =	swait.ge [sflag:s13], $0x80  }
0x1ba: {  	[sflag:s13] =	ssyncset.done $0x0  }
0x1bb: {  	[sflag:s13] =	ssyncadd.s32 $0xFFFFFF80  }
0x1bc: {  	_ =	swait.ge [sflag:s6], $0x2000  }
0x1bd: {  	[sflag:s6] =	ssyncset.done $0x0  }
0x1be: {  	[sflag:s6] =	ssyncadd.s32 $0xFFFFE000  }
0x1bf: {  	[tilespmem:s9], [sflag:$0x4] =	stream.indirect.gather [hbm4b:s3+s31], $0x40, s31, s31, $0xb8;
	[tilespmem:$0x4100] =	vst v63  }
0x1c0: {  	_ =	swait.ge [sflag:s10], $0x2000  }
0x1c1: {  	[sflag:s10] =	ssyncset.done $0x0  }
0x1c2: {  	p1 =	sne.s32 s1, $0x1;
	[sflag:s10] =	ssyncadd.s32 $0xFFFFE000  }
0x1c3: {  	[hbm4b:s0+s2] =	stream.linear.scatter [tilespmem:s9], [sflag:$0x6], $0x2000, $0x38;
	[tilespmem:$0x4100] =	vst v63  }
.Ltmp2:
0x1c4: {  	_ =	swait.ge [sflag:s8], $0x2000;
	(pc) =	sbr.rel @p1 .LBB2_2-.Ltmp2, $4  }
0x1c5: {  	[sflag:s8] =	ssyncset.done $0x0  }
0x1c6: {  	s1 =	sadd.s32 $0xFFFFFFFF, s1;
	s18 =	smov.u32 s14;
	[sflag:s8] =	ssyncadd.s32 $0xFFFFE000  }
0x1c7: {  	s12 =	smov.u32 s5;
	s14 =	smov.u32 s7;
	_ =	swait.ge [sflag:s6], $0x2000  }
0x1c8: {  	s7 =	smov.u32 s0;
	s0 =	rddreg [dreg:$0x4];
	[sflag:s6] =	ssyncset.done $0x0  }
.LBB2_3:
0x1c9: {  	[sflag:s6] =	ssyncadd.s32 @p0 $0xFFFFE000  }
0x1ca: {  	[tilespmem:s2], [sflag:$0x1] =	stream.linear.gather [hbm4b:s0+s2], $0x80, $0x38;
	[tilespmem:$0x4100] =	vst v63  }
0x1cb: {  	s1 =	rddreg [dreg:$0x5]  }
0x1cc: {  	[tilespmem:s31], [sflag:$0x2] =	stream.linear.gather [hbm4b:s1+s2], $0x80, $0x38;
	[tilespmem:$0x4100] =	vst v63  }
0x1cd: {  	_ =	swait.ge [sflag:s16], $0x80  }
0x1ce: {  	[sflag:s16] =	ssyncset.done $0x0  }
0x1cf: {  	[sflag:s16] =	ssyncadd.s32 $0xFFFFFF80  }
0x1d0: {  	[tilespmem:s11], [sflag:$0x3] =	stream.indirect.gather [hbm4b:s3+s31], $0x40, s2, s31, $0xb8;
	[tilespmem:$0x4100] =	vst v63  }
0x1d1: {  	_ =	swait.ge [sflag:s15], $0x2000  }
0x1d2: {  	[sflag:s15] =	ssyncset.done $0x0  }
0x1d3: {  	s1 =	rddreg [dreg:$0x6];
	[sflag:s15] =	ssyncadd.s32 $0xFFFFE000  }
0x1d4: {  	[hbm4b:s1+s2] =	stream.linear.scatter [tilespmem:s11], [sflag:$0x5], $0x2000, $0x38;
	[tilespmem:$0x4100] =	vst v63  }
0x1d5: {  	s5 =	rddreg [dreg:$0x7]  }
0x1d6: {  	[tilespmem:s2], [sflag:$0x1] =	stream.linear.gather [hbm4b:s5+s2], $0x80, $0x38;
	[tilespmem:$0x4100] =	vst v63  }
0x1d7: {  	_ =	swait.ge [sflag:s13], $0x80  }
0x1d8: {  	[sflag:s13] =	ssyncset.done $0x0  }
0x1d9: {  	[sflag:s13] =	ssyncadd.s32 $0xFFFFFF80  }
0x1da: {  	[tilespmem:s9], [sflag:$0x4] =	stream.indirect.gather [hbm4b:s3+s31], $0x40, s31, s31, $0xb8;
	[tilespmem:$0x4100] =	vst v63  }
0x1db: {  	_ =	swait.ge [sflag:s10], $0x2000  }
0x1dc: {  	[sflag:s10] =	ssyncset.done $0x0  }
0x1dd: {  	s1 =	rddreg [dreg:$0x8];
	[sflag:s10] =	ssyncadd.s32 $0xFFFFE000  }
0x1de: {  	[hbm4b:s1+s2] =	stream.linear.scatter [tilespmem:s9], [sflag:$0x6], $0x2000, $0x38;
	[tilespmem:$0x4100] =	vst v63  }
0x1df: {  	s5 =	rddreg [dreg:$0x9]  }
0x1e0: {  	[tilespmem:s31], [sflag:$0x2] =	stream.linear.gather [hbm4b:s5+s2], $0x80, $0x38;
	[tilespmem:$0x4100] =	vst v63  }
0x1e1: {  	_ =	swait.ge [sflag:s16], $0x80  }
0x1e2: {  	[sflag:s16] =	ssyncset.done $0x0  }
0x1e3: {  	[sflag:s16] =	ssyncadd.s32 $0xFFFFFF80  }
0x1e4: {  	_ =	swait.ge [sflag:s8], $0x2000  }
0x1e5: {  	[sflag:s8] =	ssyncset.done $0x0  }
0x1e6: {  	[sflag:s8] =	ssyncadd.s32 $0xFFFFE000  }
0x1e7: {  	[tilespmem:s11], [sflag:$0x3] =	stream.indirect.gather [hbm4b:s3+s31], $0x40, s2, s31, $0xb8;
	[tilespmem:$0x4100] =	vst v63  }
0x1e8: {  	_ =	swait.ge [sflag:s15], $0x2000  }
0x1e9: {  	[sflag:s15] =	ssyncset.done $0x0  }
0x1ea: {  	s1 =	rddreg [dreg:$0xa];
	[sflag:s15] =	ssyncadd.s32 $0xFFFFE000  }
0x1eb: {  	[hbm4b:s1+s2] =	stream.linear.scatter [tilespmem:s11], [sflag:$0x5], $0x2000, $0x38;
	[tilespmem:$0x4100] =	vst v63  }
0x1ec: {  	s5 =	rddreg [dreg:$0xb]  }
0x1ed: {  	[tilespmem:s2], [sflag:$0x1] =	stream.linear.gather [hbm4b:s5+s2], $0x80, $0x38;
	[tilespmem:$0x4100] =	vst v63  }
0x1ee: {  	_ =	swait.ge [sflag:s13], $0x80  }
0x1ef: {  	[sflag:s13] =	ssyncset.done $0x0  }
0x1f0: {  	[sflag:s13] =	ssyncadd.s32 $0xFFFFFF80  }
0x1f1: {  	_ =	swait.ge [sflag:s6], $0x2000  }
0x1f2: {  	[sflag:s6] =	ssyncset.done $0x0  }
0x1f3: {  	[sflag:s6] =	ssyncadd.s32 $0xFFFFE000  }
0x1f4: {  	[tilespmem:s9], [sflag:$0x4] =	stream.indirect.gather [hbm4b:s3+s31], $0x40, s31, s31, $0xb8;
	[tilespmem:$0x4100] =	vst v63  }
0x1f5: {  	_ =	swait.ge [sflag:s10], $0x2000  }
0x1f6: {  	[sflag:s10] =	ssyncset.done $0x0  }
0x1f7: {  	s1 =	rddreg [dreg:$0xc];
	[sflag:s10] =	ssyncadd.s32 $0xFFFFE000  }
0x1f8: {  	[hbm4b:s1+s2] =	stream.linear.scatter [tilespmem:s9], [sflag:$0x6], $0x2000, $0x38;
	[tilespmem:$0x4100] =	vst v63  }
0x1f9: {  	s5 =	rddreg [dreg:$0xd]  }
0x1fa: {  	[tilespmem:s31], [sflag:$0x2] =	stream.linear.gather [hbm4b:s5+s2], $0x80, $0x38;
	[tilespmem:$0x4100] =	vst v63  }
0x1fb: {  	_ =	swait.ge [sflag:s16], $0x80  }
0x1fc: {  	[sflag:s16] =	ssyncset.done $0x0  }
0x1fd: {  	[sflag:s16] =	ssyncadd.s32 $0xFFFFFF80  }
0x1fe: {  	_ =	swait.ge [sflag:s8], $0x2000  }
0x1ff: {  	[sflag:s8] =	ssyncset.done $0x0  }
0x200: {  	[sflag:s8] =	ssyncadd.s32 $0xFFFFE000  }
0x201: {  	[tilespmem:s11], [sflag:$0x3] =	stream.indirect.gather [hbm4b:s3+s31], $0x40, s2, s31, $0xb8;
	[tilespmem:$0x4100] =	vst v63  }
0x202: {  	_ =	swait.ge [sflag:s15], $0x2000  }
0x203: {  	[sflag:s15] =	ssyncset.done $0x0  }
0x204: {  	s1 =	rddreg [dreg:$0xe];
	[sflag:s15] =	ssyncadd.s32 $0xFFFFE000  }
0x205: {  	[hbm4b:s1+s2] =	stream.linear.scatter [tilespmem:s11], [sflag:$0x5], $0x2000, $0x38;
	[tilespmem:$0x4100] =	vst v63  }
0x206: {  	s5 =	rddreg [dreg:$0xf]  }
0x207: {  	[tilespmem:s2], [sflag:$0x1] =	stream.linear.gather [hbm4b:s5+s2], $0x80, $0x38;
	[tilespmem:$0x4100] =	vst v63  }
0x208: {  	_ =	swait.ge [sflag:s13], $0x80  }
0x209: {  	[sflag:s13] =	ssyncset.done $0x0  }
0x20a: {  	[sflag:s13] =	ssyncadd.s32 $0xFFFFFF80  }
0x20b: {  	_ =	swait.ge [sflag:s6], $0x2000  }
0x20c: {  	[sflag:s6] =	ssyncset.done $0x0  }
0x20d: {  	[sflag:s6] =	ssyncadd.s32 $0xFFFFE000  }
0x20e: {  	[tilespmem:s9], [sflag:$0x4] =	stream.indirect.gather [hbm4b:s3+s31], $0x40, s31, s31, $0xb8;
	[tilespmem:$0x4100] =	vst v63  }
0x20f: {  	_ =	swait.ge [sflag:s10], $0x2000  }
0x210: {  	[sflag:s10] =	ssyncset.done $0x0  }
0x211: {  	s1 =	rddreg [dreg:$0x10];
	[sflag:s10] =	ssyncadd.s32 $0xFFFFE000  }
0x212: {  	[hbm4b:s1+s2] =	stream.linear.scatter [tilespmem:s9], [sflag:$0x6], $0x2000, $0x38;
	[tilespmem:$0x4100] =	vst v63  }
0x213: {  	s5 =	rddreg [dreg:$0x11]  }
0x214: {  	[tilespmem:s31], [sflag:$0x2] =	stream.linear.gather [hbm4b:s5+s2], $0x80, $0x38;
	[tilespmem:$0x4100] =	vst v63  }
0x215: {  	_ =	swait.ge [sflag:s16], $0x80  }
0x216: {  	[sflag:s16] =	ssyncset.done $0x0  }
0x217: {  	[sflag:s16] =	ssyncadd.s32 $0xFFFFFF80  }
0x218: {  	_ =	swait.ge [sflag:s8], $0x2000  }
0x219: {  	[sflag:s8] =	ssyncset.done $0x0  }
0x21a: {  	[sflag:s8] =	ssyncadd.s32 $0xFFFFE000  }
0x21b: {  	[tilespmem:s11], [sflag:$0x3] =	stream.indirect.gather [hbm4b:s3+s31], $0x40, s2, s31, $0xb8;
	[tilespmem:$0x4100] =	vst v63  }
0x21c: {  	_ =	swait.ge [sflag:s15], $0x2000  }
0x21d: {  	[sflag:s15] =	ssyncset.done $0x0  }
0x21e: {  	[sflag:s15] =	ssyncadd.s32 $0xFFFFE000  }
0x21f: {  	[hbm4b:s30+s2] =	stream.linear.scatter [tilespmem:s11], [sflag:$0x5], $0x2000, $0x38;
	[tilespmem:$0x4100] =	vst v63  }
0x220: {  	_ = 	snop  }
0x221: {  	[tilespmem:s2], [sflag:$0x1] =	stream.linear.gather [hbm4b:s4+s2], $0x80, $0x38;
	[tilespmem:$0x4100] =	vst v63  }
0x222: {  	_ =	swait.ge [sflag:s13], $0x80  }
0x223: {  	[sflag:s13] =	ssyncset.done $0x0  }
0x224: {  	[sflag:s13] =	ssyncadd.s32 $0xFFFFFF80  }
0x225: {  	_ =	swait.ge [sflag:s6], $0x2000  }
0x226: {  	[sflag:s6] =	ssyncset.done $0x0  }
0x227: {  	[sflag:s6] =	ssyncadd.s32 $0xFFFFE000  }
0x228: {  	[tilespmem:s9], [sflag:$0x4] =	stream.indirect.gather [hbm4b:s3+s31], $0x40, s31, s31, $0xb8;
	[tilespmem:$0x4100] =	vst v63  }
0x229: {  	_ =	swait.ge [sflag:s10], $0x2000  }
0x22a: {  	[sflag:s10] =	ssyncset.done $0x0  }
0x22b: {  	[sflag:s10] =	ssyncadd.s32 $0xFFFFE000  }
0x22c: {  	[hbm4b:s28+s2] =	stream.linear.scatter [tilespmem:s9], [sflag:$0x6], $0x2000, $0x38;
	[tilespmem:$0x4100] =	vst v63  }
0x22d: {  	_ = 	snop  }
0x22e: {  	[tilespmem:s31], [sflag:$0x2] =	stream.linear.gather [hbm4b:s29+s2], $0x80, $0x38;
	[tilespmem:$0x4100] =	vst v63  }
0x22f: {  	_ =	swait.ge [sflag:s16], $0x80  }
0x230: {  	[sflag:s16] =	ssyncset.done $0x0  }
0x231: {  	[sflag:s16] =	ssyncadd.s32 $0xFFFFFF80  }
0x232: {  	_ =	swait.ge [sflag:s8], $0x2000  }
0x233: {  	[sflag:s8] =	ssyncset.done $0x0  }
0x234: {  	[sflag:s8] =	ssyncadd.s32 $0xFFFFE000  }
0x235: {  	[tilespmem:s11], [sflag:$0x3] =	stream.indirect.gather [hbm4b:s3+s31], $0x40, s2, s31, $0xb8;
	[tilespmem:$0x4100] =	vst v63  }
0x236: {  	_ =	swait.ge [sflag:s15], $0x2000  }
0x237: {  	[sflag:s15] =	ssyncset.done $0x0  }
0x238: {  	[sflag:s15] =	ssyncadd.s32 $0xFFFFE000  }
0x239: {  	[hbm4b:s25+s2] =	stream.linear.scatter [tilespmem:s11], [sflag:$0x5], $0x2000, $0x38;
	[tilespmem:$0x4100] =	vst v63  }
0x23a: {  	_ = 	snop  }
0x23b: {  	[tilespmem:s2], [sflag:$0x1] =	stream.linear.gather [hbm4b:s26+s2], $0x80, $0x38;
	[tilespmem:$0x4100] =	vst v63  }
0x23c: {  	_ =	swait.ge [sflag:s13], $0x80  }
0x23d: {  	[sflag:s13] =	ssyncset.done $0x0  }
0x23e: {  	[sflag:s13] =	ssyncadd.s32 $0xFFFFFF80  }
0x23f: {  	_ =	swait.ge [sflag:s6], $0x2000  }
0x240: {  	[sflag:s6] =	ssyncset.done $0x0  }
0x241: {  	[sflag:s6] =	ssyncadd.s32 $0xFFFFE000  }
0x242: {  	[tilespmem:s9], [sflag:$0x4] =	stream.indirect.gather [hbm4b:s3+s31], $0x40, s31, s31, $0xb8;
	[tilespmem:$0x4100] =	vst v63  }
0x243: {  	_ =	swait.ge [sflag:s10], $0x2000  }
0x244: {  	[sflag:s10] =	ssyncset.done $0x0  }
0x245: {  	[sflag:s10] =	ssyncadd.s32 $0xFFFFE000  }
0x246: {  	[hbm4b:s23+s2] =	stream.linear.scatter [tilespmem:s9], [sflag:$0x6], $0x2000, $0x38;
	[tilespmem:$0x4100] =	vst v63  }
0x247: {  	_ = 	snop  }
0x248: {  	[tilespmem:s31], [sflag:$0x2] =	stream.linear.gather [hbm4b:s24+s2], $0x80, $0x38;
	[tilespmem:$0x4100] =	vst v63  }
0x249: {  	_ =	swait.ge [sflag:s16], $0x80  }
0x24a: {  	[sflag:s16] =	ssyncset.done $0x0  }
0x24b: {  	[sflag:s16] =	ssyncadd.s32 $0xFFFFFF80  }
0x24c: {  	_ =	swait.ge [sflag:s8], $0x2000  }
0x24d: {  	[sflag:s8] =	ssyncset.done $0x0  }
0x24e: {  	[sflag:s8] =	ssyncadd.s32 $0xFFFFE000  }
0x24f: {  	[tilespmem:s11], [sflag:$0x3] =	stream.indirect.gather [hbm4b:s3+s31], $0x40, s2, s31, $0xb8;
	[tilespmem:$0x4100] =	vst v63  }
0x250: {  	_ =	swait.ge [sflag:s15], $0x2000  }
0x251: {  	[sflag:s15] =	ssyncset.done $0x0  }
0x252: {  	[sflag:s15] =	ssyncadd.s32 $0xFFFFE000  }
0x253: {  	[hbm4b:s21+s2] =	stream.linear.scatter [tilespmem:s11], [sflag:$0x5], $0x2000, $0x38;
	[tilespmem:$0x4100] =	vst v63  }
0x254: {  	_ = 	snop  }
0x255: {  	[tilespmem:s2], [sflag:$0x1] =	stream.linear.gather [hbm4b:s22+s2], $0x80, $0x38;
	[tilespmem:$0x4100] =	vst v63  }
0x256: {  	_ =	swait.ge [sflag:s13], $0x80  }
0x257: {  	[sflag:s13] =	ssyncset.done $0x0  }
0x258: {  	[sflag:s13] =	ssyncadd.s32 $0xFFFFFF80  }
0x259: {  	_ =	swait.ge [sflag:s6], $0x2000  }
0x25a: {  	[sflag:s6] =	ssyncset.done $0x0  }
0x25b: {  	[sflag:s6] =	ssyncadd.s32 $0xFFFFE000  }
0x25c: {  	[tilespmem:s9], [sflag:$0x4] =	stream.indirect.gather [hbm4b:s3+s31], $0x40, s31, s31, $0xb8;
	[tilespmem:$0x4100] =	vst v63  }
0x25d: {  	_ =	swait.ge [sflag:s10], $0x2000  }
0x25e: {  	[sflag:s10] =	ssyncset.done $0x0  }
0x25f: {  	s30 =	rddreg [dreg:$0x13];
	[sflag:s10] =	ssyncadd.s32 $0xFFFFE000  }
0x260: {  	[hbm4b:s30+s2] =	stream.linear.scatter [tilespmem:s9], [sflag:$0x6], $0x2000, $0x38;
	[tilespmem:$0x4100] =	vst v63  }
0x261: {  	_ = 	snop  }
0x262: {  	[tilespmem:s31], [sflag:$0x2] =	stream.linear.gather [hbm4b:s20+s2], $0x80, $0x38;
	[tilespmem:$0x4100] =	vst v63  }
0x263: {  	_ =	swait.ge [sflag:s16], $0x80  }
0x264: {  	[sflag:s16] =	ssyncset.done $0x0  }
0x265: {  	[sflag:s16] =	ssyncadd.s32 $0xFFFFFF80  }
0x266: {  	_ =	swait.ge [sflag:s8], $0x2000  }
0x267: {  	[sflag:s8] =	ssyncset.done $0x0  }
0x268: {  	[sflag:s8] =	ssyncadd.s32 $0xFFFFE000  }
0x269: {  	[tilespmem:s11], [sflag:$0x3] =	stream.indirect.gather [hbm4b:s3+s31], $0x40, s2, s31, $0xb8;
	[tilespmem:$0x4100] =	vst v63  }
0x26a: {  	_ =	swait.ge [sflag:s15], $0x2000  }
0x26b: {  	[sflag:s15] =	ssyncset.done $0x0  }
0x26c: {  	[sflag:s15] =	ssyncadd.s32 $0xFFFFE000  }
0x26d: {  	[hbm4b:s18+s2] =	stream.linear.scatter [tilespmem:s11], [sflag:$0x5], $0x2000, $0x38;
	[tilespmem:$0x4100] =	vst v63  }
0x26e: {  	_ = 	snop  }
0x26f: {  	[tilespmem:s2], [sflag:$0x1] =	stream.linear.gather [hbm4b:s19+s2], $0x80, $0x38;
	[tilespmem:$0x4100] =	vst v63  }
0x270: {  	_ =	swait.ge [sflag:s13], $0x80  }
0x271: {  	[sflag:s13] =	ssyncset.done $0x0  }
0x272: {  	[sflag:s13] =	ssyncadd.s32 $0xFFFFFF80  }
0x273: {  	_ =	swait.ge [sflag:s6], $0x2000  }
0x274: {  	[sflag:s6] =	ssyncset.done $0x0  }
0x275: {  	[sflag:s6] =	ssyncadd.s32 $0xFFFFE000  }
0x276: {  	[tilespmem:s9], [sflag:$0x4] =	stream.indirect.gather [hbm4b:s3+s31], $0x40, s31, s31, $0xb8;
	[tilespmem:$0x4100] =	vst v63  }
0x277: {  	_ =	swait.ge [sflag:s10], $0x2000  }
0x278: {  	[sflag:s10] =	ssyncset.done $0x0  }
0x279: {  	[sflag:s10] =	ssyncadd.s32 $0xFFFFE000  }
0x27a: {  	[hbm4b:s14+s2] =	stream.linear.scatter [tilespmem:s9], [sflag:$0x6], $0x2000, $0x38;
	[tilespmem:$0x4100] =	vst v63  }
0x27b: {  	_ = 	snop  }
0x27c: {  	[tilespmem:s31], [sflag:$0x2] =	stream.linear.gather [hbm4b:s17+s2], $0x80, $0x38;
	[tilespmem:$0x4100] =	vst v63  }
0x27d: {  	_ =	swait.ge [sflag:s16], $0x80  }
0x27e: {  	[sflag:s16] =	ssyncset.done $0x0  }
0x27f: {  	[sflag:s16] =	ssyncadd.s32 $0xFFFFFF80  }
0x280: {  	_ =	swait.ge [sflag:s8], $0x2000  }
0x281: {  	[sflag:s8] =	ssyncset.done $0x0  }
0x282: {  	[sflag:s8] =	ssyncadd.s32 $0xFFFFE000  }
0x283: {  	[tilespmem:s11], [sflag:$0x3] =	stream.indirect.gather [hbm4b:s3+s31], $0x40, s2, s31, $0xb8;
	[tilespmem:$0x4100] =	vst v63  }
0x284: {  	_ =	swait.ge [sflag:s15], $0x2000  }
0x285: {  	[sflag:s15] =	ssyncset.done $0x0  }
0x286: {  	[sflag:s15] =	ssyncadd.s32 $0xFFFFE000  }
0x287: {  	[hbm4b:s12+s2] =	stream.linear.scatter [tilespmem:s11], [sflag:$0x5], $0x2000, $0x38;
	[tilespmem:$0x4100] =	vst v63  }
0x288: {  	_ =	swait.ge [sflag:s13], $0x80  }
0x289: {  	[sflag:s13] =	ssyncset.done $0x0  }
0x28a: {  	[sflag:s13] =	ssyncadd.s32 $0xFFFFFF80  }
0x28b: {  	_ =	swait.ge [sflag:s6], $0x2000  }
0x28c: {  	[sflag:s6] =	ssyncset.done $0x0  }
0x28d: {  	[sflag:s6] =	ssyncadd.s32 $0xFFFFE000  }
0x28e: {  	[tilespmem:s9], [sflag:$0x4] =	stream.indirect.gather [hbm4b:s3+s31], $0x40, s31, s31, $0xb8;
	[tilespmem:$0x4100] =	vst v63  }
0x28f: {  	_ =	swait.ge [sflag:s10], $0x2000  }
0x290: {  	[sflag:s10] =	ssyncset.done $0x0  }
0x291: {  	[sflag:s10] =	ssyncadd.s32 $0xFFFFE000  }
0x292: {  	[hbm4b:s7+s2] =	stream.linear.scatter [tilespmem:s9], [sflag:$0x6], $0x2000, $0x38;
	[tilespmem:$0x4100] =	vst v63  }
0x293: {  	_ =	swait.ge [sflag:s8], $0x2000  }
0x294: {  	[sflag:s8] =	ssyncset.done $0x0  }
0x295: {  	[sflag:s8] =	ssyncadd.s32 $0xFFFFE000  }
0x296: {  	_ =	swait.ge [sflag:s6], $0x2000  }
0x297: {  	[sflag:s6] =	ssyncset.done $0x0  }
0x298: {  	[sflag:s6] =	ssyncadd.s32 $0xFFFFE000  }
0x299: {  	_ =	sfence.sel $0x180000  }
0x29a: {  	[bflag:$0x0] =	sbarrier.arrive $0xFFFF  }
0x29b: {  	_ =	strace $0x90000047  }
0x29c: {  	s31 =	stileid.u32;
	[bflag:$0x2] =	sbarrier.arrive $0xFFFF  }
0x29d: {  	p0 =	sne.s32 s31, $0x0;
	s0 =	rddreg [dreg:$0x3]  }
0x29e: {  	s0 =	sadd.s32 @!p0 $0x100000, s0  }
0x29f: {  	[sflag:s0] =	ssyncadd.tile.s32 @!p0 $0x1;
	_ =	shalt  }
.Lfunc_end2:
_tile_overlayer_lowered:
.L_overlay_start_2:
0x2a0: {  	(tag) =	ssettag $0x2  }
0x2a1: {  	s0 =	rddreg [dreg:$0x0];
	s2 =	stileid.u32  }
0x2a2: {  	s1 =	rddreg [dreg:$0x1];
	p0 =	sne.s32 s2, $0x0  }
0x2a3: {  	s3 =	rddreg [dreg:$0x2];
	[bflag:$0x3] =	sbarrier.arrive $0xFFFF;
	s2 =	simm.s32 @!p0 $0x1C07  }
0x2a4: {  	[timem:s3], [sflag:s2] =	dma.local @!p0 [hbm:s0], s1  }
0x2a5: {  	s0 =	simm.s32 @!p0 $0x7  }
0x2a6: {  	_ =	swait.ge @!p0 [sflag:s0], s1  }
0x2a7: {  	s1 =	ssub.s32 @!p0 $0x0, s1;
	[sflag:s0] =	ssyncset.done @!p0 $0x0  }
0x2a8: {  	[sflag:s0] =	ssyncadd.s32 @!p0 s1  }
0x2a9: {  	[bflag:$0x3] =	sbarrier.arrive $0xFFFF  }
0x2aa: {  	_ =	shalt  }

</sc_bundles>
